<compile_context>
chip_gen: v7x
topology: tpu7x:2x2x1
jax: 0.10.2.dev20260603
libtpu: 0.0.44.dev20260713+nightly
codegen_flags: <defaults>
</compile_context>

<pallas_src>
import jax
import jax.numpy as jnp
from jax import lax
from jax.experimental import pallas as pl
from jax.experimental.pallas import tpu as pltpu, tpu_sc as plsc
import functools

_MAX_LEN = 8192
_NC = 2
_NS = 16
_NW = _NC * _NS
_L = 16

_BATCH = 4
_SEQ = 8192
_D = 1024
_R = 32
_SEQ_PER_W = _SEQ // _NW
_CHUNKS = _SEQ_PER_W // _R
_VPR = _D // _L


def _sc_body(x_hbm, emb_hbm, out_hbm, emb_v, xbuf):
    c = lax.axis_index("c")
    s = lax.axis_index("s")
    wid = s * _NC + c

    def add_row(r, _):
        def add_vreg(j, _):
            sl = pl.ds(j * _L, _L)
            plsc.addupdate(xbuf.at[r, sl], emb_v[r, sl])
            return _
        return lax.fori_loop(0, _VPR, add_vreg, _)

    for chunk in range(_CHUNKS):
        s0 = wid * _SEQ_PER_W + chunk * _R
        pltpu.sync_copy(emb_hbm.at[pl.ds(_MAX_LEN + s0, _R)], emb_v)
        for b in range(_BATCH):
            pltpu.sync_copy(x_hbm.at[b, pl.ds(s0, _R)], xbuf)
            lax.fori_loop(0, _R, add_row, 0)
            pltpu.sync_copy(xbuf, out_hbm.at[b, pl.ds(s0, _R)])


@functools.partial(
    pl.kernel,
    out_type=jax.ShapeDtypeStruct((_BATCH, _SEQ, _D), jnp.float32),
    mesh=plsc.VectorSubcoreMesh(core_axis_name="c", subcore_axis_name="s"),
    scratch_types=[
        pltpu.VMEM((_R, _D), jnp.float32),
        pltpu.VMEM((_R, _D), jnp.float32),
    ],
)
def _sc_kernel(x_hbm, emb_hbm, out_hbm, emb_v, xbuf):
    _sc_body(x_hbm, emb_hbm, out_hbm, emb_v, xbuf)


def kernel(x, rel_pos_emb):
    return _sc_kernel(x, rel_pos_emb)

# --- scband reference (transcript-rebuilt; emitter-appended) ---
"""Pipeline reference for scband-relative-position-encoding-35905926594638 (READ-ONLY COPY).

The authoritative reference and input builder live on the scoring server;
editing this copy changes nothing except your own understanding.
"""

import jax, jax.numpy as jnp
import numpy as np

D_MODEL = 1024
MAX_LEN = 8192
BATCH = 4
SEQ_LEN = 8192


def setup_inputs(seed: int = 0) -> dict:
    key = jax.random.key(seed)
    k1, k2 = jax.random.split(key)
    x = jax.random.normal(k1, (BATCH, SEQ_LEN, D_MODEL), dtype=jnp.float32)
    rel_pos_emb = jax.random.normal(k2, (MAX_LEN * 2, D_MODEL), dtype=jnp.float32) * 0.02
    return {"x": x, "rel_pos_emb": rel_pos_emb}


def reference(x, rel_pos_emb):
    batch_size, seq_len, _ = x.shape
    pos = jnp.tile(jnp.arange(seq_len)[None, :], (batch_size, 1))
    idx = pos + MAX_LEN
    pos_emb = jnp.take(rel_pos_emb, idx, axis=0)
    return x + pos_emb

if __name__ == "__main__":
    import jax
    _d = setup_inputs()
    print(jax.jit(kernel)(*tuple(_d.values())))

</pallas_src>

<mosaic_0001>
#map = affine_map<(d0, d1) -> (0, 0, 0)>
#map1 = affine_map<(d0, d1) -> (0, 0)>
module attributes {stable_mosaic.version = 14 : i64} {
  func.func @_sc_kernel(%arg0: i32, %arg1: i32, %arg2: memref<4x8192x1024xf32, #tpu.memory_space<hbm>>, %arg3: memref<16384x1024xf32, #tpu.memory_space<hbm>>, %arg4: memref<4x8192x1024xf32, #tpu.memory_space<hbm>>, %arg5: memref<32x1024xf32, #tpu.memory_space<vmem>>, %arg6: memref<32x1024xf32, #tpu.memory_space<vmem>>) attributes {dimension_semantics = [#tpu.dimension_semantics<core_parallel>, #tpu.dimension_semantics<subcore_parallel>], iteration_bounds = array<i64: 2, 16>, scalar_prefetch = 0 : i64, scratch_operands = 2 : i64, tpu.core_type = #tpu.core_type<sc_vector_subcore>, window_params = [{transform_indices = #map}, {transform_indices = #map1}, {transform_indices = #map}]} {
    %mul3A = arith.constant 2 : i32
    %mul3A_0 = arith.muli %arg1, %mul3A : i32
    %add3A = arith.addi %mul3A_0, %arg0 : i32
    %mul3A_1 = arith.constant 256 : i32
    %mul3A_2 = arith.muli %add3A, %mul3A_1 : i32
    %add3A_3 = arith.constant 0 : i32
    %add3A_4 = arith.addi %mul3A_2, %add3A_3 : i32
    %add3A_5 = arith.constant 8192 : i32
    %add3A_6 = arith.addi %add3A_5, %add3A_4 : i32
    "tpu.region"() ({
      %run_scoped3A_303 = tpu.sem_alloc : memref<!tpu.dma_semaphore, #tpu.memory_space<semaphore_mem>>
      %dma_start3A = arith.constant 0 : i32
      %dma_start3A_304 = tpu.memref_slice %arg3[%add3A_6, %dma_start3A] : memref<16384x1024xf32, #tpu.memory_space<hbm>> -> memref<32x1024xf32, #tpu.memory_space<hbm>>
      %dma_start3A_305 = arith.constant 0 : i32
      %dma_start3A_306 = tpu.memref_slice %arg3[%add3A_6, %dma_start3A_305] : memref<16384x1024xf32, #tpu.memory_space<hbm>> -> memref<32x1024xf32, #tpu.memory_space<hbm>>
      tpu.enqueue_dma source(%dma_start3A_306 : memref<32x1024xf32, #tpu.memory_space<hbm>>) target(%arg5 : memref<32x1024xf32, #tpu.memory_space<vmem>>) target_semaphore(%run_scoped3A_303 : memref<!tpu.dma_semaphore, #tpu.memory_space<semaphore_mem>>)
      %dma_wait3A = arith.constant 0 : i32
      %dma_wait3A_307 = tpu.memref_slice %arg3[%add3A_6, %dma_wait3A] : memref<16384x1024xf32, #tpu.memory_space<hbm>> -> memref<32x1024xf32, #tpu.memory_space<hbm>>
      %dma_wait3A_308 = arith.constant 0 : i32
      %dma_wait3A_309 = tpu.memref_slice %arg3[%add3A_6, %dma_wait3A_308] : memref<16384x1024xf32, #tpu.memory_space<hbm>> -> memref<32x1024xf32, #tpu.memory_space<hbm>>
      tpu.wait_dma2 semaphore(%run_scoped3A_303 : memref<!tpu.dma_semaphore, #tpu.memory_space<semaphore_mem>>) src(%dma_wait3A_309 : memref<32x1024xf32, #tpu.memory_space<hbm>>) dst(%arg5 : memref<32x1024xf32, #tpu.memory_space<vmem>>)
      tpu.yield
    }) : () -> ()
    %run_scoped3A = arith.constant 0 : i32
    "tpu.region"() ({
      %run_scoped3A_303 = tpu.sem_alloc : memref<!tpu.dma_semaphore, #tpu.memory_space<semaphore_mem>>
      %dma_start3A = arith.constant 0 : i32
      %dma_start3A_304 = tpu.memref_slice %arg2[%run_scoped3A, %add3A_4, %dma_start3A] : memref<4x8192x1024xf32, #tpu.memory_space<hbm>> -> memref<1x32x1024xf32, #tpu.memory_space<hbm>>
      %dma_start3A_305 = tpu.memref_squeeze %dma_start3A_304 : memref<1x32x1024xf32, #tpu.memory_space<hbm>> -> memref<32x1024xf32, #tpu.memory_space<hbm>>
      %dma_start3A_306 = arith.constant 0 : i32
      %dma_start3A_307 = tpu.memref_slice %arg2[%run_scoped3A, %add3A_4, %dma_start3A_306] : memref<4x8192x1024xf32, #tpu.memory_space<hbm>> -> memref<1x32x1024xf32, #tpu.memory_space<hbm>>
      %dma_start3A_308 = tpu.memref_squeeze %dma_start3A_307 : memref<1x32x1024xf32, #tpu.memory_space<hbm>> -> memref<32x1024xf32, #tpu.memory_space<hbm>>
      tpu.enqueue_dma source(%dma_start3A_308 : memref<32x1024xf32, #tpu.memory_space<hbm>>) target(%arg6 : memref<32x1024xf32, #tpu.memory_space<vmem>>) target_semaphore(%run_scoped3A_303 : memref<!tpu.dma_semaphore, #tpu.memory_space<semaphore_mem>>)
      %dma_wait3A = arith.constant 0 : i32
      %dma_wait3A_309 = tpu.memref_slice %arg2[%run_scoped3A, %add3A_4, %dma_wait3A] : memref<4x8192x1024xf32, #tpu.memory_space<hbm>> -> memref<1x32x1024xf32, #tpu.memory_space<hbm>>
      %dma_wait3A_310 = tpu.memref_squeeze %dma_wait3A_309 : memref<1x32x1024xf32, #tpu.memory_space<hbm>> -> memref<32x1024xf32, #tpu.memory_space<hbm>>
      %dma_wait3A_311 = arith.constant 0 : i32
      %dma_wait3A_312 = tpu.memref_slice %arg2[%run_scoped3A, %add3A_4, %dma_wait3A_311] : memref<4x8192x1024xf32, #tpu.memory_space<hbm>> -> memref<1x32x1024xf32, #tpu.memory_space<hbm>>
      %dma_wait3A_313 = tpu.memref_squeeze %dma_wait3A_312 : memref<1x32x1024xf32, #tpu.memory_space<hbm>> -> memref<32x1024xf32, #tpu.memory_space<hbm>>
      tpu.wait_dma2 semaphore(%run_scoped3A_303 : memref<!tpu.dma_semaphore, #tpu.memory_space<semaphore_mem>>) src(%dma_wait3A_313 : memref<32x1024xf32, #tpu.memory_space<hbm>>) dst(%arg6 : memref<32x1024xf32, #tpu.memory_space<vmem>>)
      tpu.yield
    }) : () -> ()
    %scan3A = arith.constant 0 : i32
    %scan3A_7 = arith.constant 0 : i32
    %scan3A_8 = arith.constant 32 : i32
    %scan3A_9 = arith.addi %scan3A_7, %scan3A_8 : i32
    %scan3A_10 = arith.constant 1 : i32
    scf.for %scan3A_303 = %scan3A_7 to %scan3A_9 step %scan3A_10  : i32 {
      %scan3A_304 = arith.constant 0 : i32
      %scan3A_305 = arith.constant 64 : i32
      %scan3A_306 = arith.addi %scan3A_304, %scan3A_305 : i32
      %scan3A_307 = arith.constant 1 : i32
      scf.for %scan3A_309 = %scan3A_304 to %scan3A_306 step %scan3A_307  : i32 {
        %mul3A_310 = arith.constant 16 : i32
        %mul3A_311 = arith.muli %scan3A_309, %mul3A_310 : i32
        %get3A = arith.index_cast %scan3A_303 : i32 to index
        %get3A_312 = arith.index_cast %mul3A_311 : i32 to index
        %get3A_313 = tpu.vector_load %arg5[%get3A, %get3A_312] {strides = array<i32>} : memref<32x1024xf32, #tpu.memory_space<vmem>>, vector<1x16xf32>,
        %get3A_314 = vector.shape_cast %get3A_313 : vector<1x16xf32> to vector<16xf32>
        %swap3A = arith.index_cast %scan3A_303 : i32 to index
        %swap3A_315 = arith.index_cast %mul3A_311 : i32 to index
        %swap3A_316 = tpu.vector_load %arg6[%swap3A, %swap3A_315] {strides = array<i32>} : memref<32x1024xf32, #tpu.memory_space<vmem>>, vector<1x16xf32>,
        %swap3A_317 = vector.shape_cast %swap3A_316 : vector<1x16xf32> to vector<16xf32>
        %swap3A_318 = vector.shape_cast %get3A_314 : vector<16xf32> to vector<1x16xf32>
        tpu.vector_store %arg6[%swap3A, %swap3A_315], %swap3A_318 {add = true, strides = array<i32>} : memref<32x1024xf32, #tpu.memory_space<vmem>>, vector<1x16xf32>,
      }
      %scan3A_308 = arith.constant 64 : i32
    }
    %scan3A_11 = arith.constant 32 : i32
    %run_scoped3A_12 = arith.constant 0 : i32
    "tpu.region"() ({
      %run_scoped3A_303 = tpu.sem_alloc : memref<!tpu.dma_semaphore, #tpu.memory_space<semaphore_mem>>
      %dma_start3A = arith.constant 0 : i32
      %dma_start3A_304 = tpu.memref_slice %arg4[%run_scoped3A_12, %add3A_4, %dma_start3A] : memref<4x8192x1024xf32, #tpu.memory_space<hbm>> -> memref<1x32x1024xf32, #tpu.memory_space<hbm>>
      %dma_start3A_305 = tpu.memref_squeeze %dma_start3A_304 : memref<1x32x1024xf32, #tpu.memory_space<hbm>> -> memref<32x1024xf32, #tpu.memory_space<hbm>>
      %dma_start3A_306 = arith.constant 0 : i32
      %dma_start3A_307 = tpu.memref_slice %arg4[%run_scoped3A_12, %add3A_4, %dma_start3A_306] : memref<4x8192x1024xf32, #tpu.memory_space<hbm>> -> memref<1x32x1024xf32, #tpu.memory_space<hbm>>
      %dma_start3A_308 = tpu.memref_squeeze %dma_start3A_307 : memref<1x32x1024xf32, #tpu.memory_space<hbm>> -> memref<32x1024xf32, #tpu.memory_space<hbm>>
      tpu.enqueue_dma source(%arg6 : memref<32x1024xf32, #tpu.memory_space<vmem>>) target(%dma_start3A_308 : memref<32x1024xf32, #tpu.memory_space<hbm>>) target_semaphore(%run_scoped3A_303 : memref<!tpu.dma_semaphore, #tpu.memory_space<semaphore_mem>>)
      %dma_wait3A = arith.constant 0 : i32
      %dma_wait3A_309 = tpu.memref_slice %arg4[%run_scoped3A_12, %add3A_4, %dma_wait3A] : memref<4x8192x1024xf32, #tpu.memory_space<hbm>> -> memref<1x32x1024xf32, #tpu.memory_space<hbm>>
      %dma_wait3A_310 = tpu.memref_squeeze %dma_wait3A_309 : memref<1x32x1024xf32, #tpu.memory_space<hbm>> -> memref<32x1024xf32, #tpu.memory_space<hbm>>
      %dma_wait3A_311 = arith.constant 0 : i32
      %dma_wait3A_312 = tpu.memref_slice %arg4[%run_scoped3A_12, %add3A_4, %dma_wait3A_311] : memref<4x8192x1024xf32, #tpu.memory_space<hbm>> -> memref<1x32x1024xf32, #tpu.memory_space<hbm>>
      %dma_wait3A_313 = tpu.memref_squeeze %dma_wait3A_312 : memref<1x32x1024xf32, #tpu.memory_space<hbm>> -> memref<32x1024xf32, #tpu.memory_space<hbm>>
      tpu.wait_dma2 semaphore(%run_scoped3A_303 : memref<!tpu.dma_semaphore, #tpu.memory_space<semaphore_mem>>) src(%arg6 : memref<32x1024xf32, #tpu.memory_space<vmem>>) dst(%dma_wait3A_313 : memref<32x1024xf32, #tpu.memory_space<hbm>>)
      tpu.yield
    }) : () -> ()
    %run_scoped3A_13 = arith.constant 1 : i32
    "tpu.region"() ({
      %run_scoped3A_303 = tpu.sem_alloc : memref<!tpu.dma_semaphore, #tpu.memory_space<semaphore_mem>>
      %dma_start3A = arith.constant 0 : i32
      %dma_start3A_304 = tpu.memref_slice %arg2[%run_scoped3A_13, %add3A_4, %dma_start3A] : memref<4x8192x1024xf32, #tpu.memory_space<hbm>> -> memref<1x32x1024xf32, #tpu.memory_space<hbm>>
      %dma_start3A_305 = tpu.memref_squeeze %dma_start3A_304 : memref<1x32x1024xf32, #tpu.memory_space<hbm>> -> memref<32x1024xf32, #tpu.memory_space<hbm>>
      %dma_start3A_306 = arith.constant 0 : i32
      %dma_start3A_307 = tpu.memref_slice %arg2[%run_scoped3A_13, %add3A_4, %dma_start3A_306] : memref<4x8192x1024xf32, #tpu.memory_space<hbm>> -> memref<1x32x1024xf32, #tpu.memory_space<hbm>>
      %dma_start3A_308 = tpu.memref_squeeze %dma_start3A_307 : memref<1x32x1024xf32, #tpu.memory_space<hbm>> -> memref<32x1024xf32, #tpu.memory_space<hbm>>
      tpu.enqueue_dma source(%dma_start3A_308 : memref<32x1024xf32, #tpu.memory_space<hbm>>) target(%arg6 : memref<32x1024xf32, #tpu.memory_space<vmem>>) target_semaphore(%run_scoped3A_303 : memref<!tpu.dma_semaphore, #tpu.memory_space<semaphore_mem>>)
      %dma_wait3A = arith.constant 0 : i32
      %dma_wait3A_309 = tpu.memref_slice %arg2[%run_scoped3A_13, %add3A_4, %dma_wait3A] : memref<4x8192x1024xf32, #tpu.memory_space<hbm>> -> memref<1x32x1024xf32, #tpu.memory_space<hbm>>
      %dma_wait3A_310 = tpu.memref_squeeze %dma_wait3A_309 : memref<1x32x1024xf32, #tpu.memory_space<hbm>> -> memref<32x1024xf32, #tpu.memory_space<hbm>>
      %dma_wait3A_311 = arith.constant 0 : i32
      %dma_wait3A_312 = tpu.memref_slice %arg2[%run_scoped3A_13, %add3A_4, %dma_wait3A_311] : memref<4x8192x1024xf32, #tpu.memory_space<hbm>> -> memref<1x32x1024xf32, #tpu.memory_space<hbm>>
      %dma_wait3A_313 = tpu.memref_squeeze %dma_wait3A_312 : memref<1x32x1024xf32, #tpu.memory_space<hbm>> -> memref<32x1024xf32, #tpu.memory_space<hbm>>
      tpu.wait_dma2 semaphore(%run_scoped3A_303 : memref<!tpu.dma_semaphore, #tpu.memory_space<semaphore_mem>>) src(%dma_wait3A_313 : memref<32x1024xf32, #tpu.memory_space<hbm>>) dst(%arg6 : memref<32x1024xf32, #tpu.memory_space<vmem>>)
      tpu.yield
    }) : () -> ()
    %scan3A_14 = arith.constant 0 : i32
    %scan3A_15 = arith.constant 0 : i32
    %scan3A_16 = arith.constant 32 : i32
    %scan3A_17 = arith.addi %scan3A_15, %scan3A_16 : i32
    %scan3A_18 = arith.constant 1 : i32
    scf.for %scan3A_303 = %scan3A_15 to %scan3A_17 step %scan3A_18  : i32 {
      %scan3A_304 = arith.constant 0 : i32
      %scan3A_305 = arith.constant 64 : i32
      %scan3A_306 = arith.addi %scan3A_304, %scan3A_305 : i32
      %scan3A_307 = arith.constant 1 : i32
      scf.for %scan3A_309 = %scan3A_304 to %scan3A_306 step %scan3A_307  : i32 {
        %mul3A_310 = arith.constant 16 : i32
        %mul3A_311 = arith.muli %scan3A_309, %mul3A_310 : i32
        %get3A = arith.index_cast %scan3A_303 : i32 to index
        %get3A_312 = arith.index_cast %mul3A_311 : i32 to index
        %get3A_313 = tpu.vector_load %arg5[%get3A, %get3A_312] {strides = array<i32>} : memref<32x1024xf32, #tpu.memory_space<vmem>>, vector<1x16xf32>,
        %get3A_314 = vector.shape_cast %get3A_313 : vector<1x16xf32> to vector<16xf32>
        %swap3A = arith.index_cast %scan3A_303 : i32 to index
        %swap3A_315 = arith.index_cast %mul3A_311 : i32 to index
        %swap3A_316 = tpu.vector_load %arg6[%swap3A, %swap3A_315] {strides = array<i32>} : memref<32x1024xf32, #tpu.memory_space<vmem>>, vector<1x16xf32>,
        %swap3A_317 = vector.shape_cast %swap3A_316 : vector<1x16xf32> to vector<16xf32>
        %swap3A_318 = vector.shape_cast %get3A_314 : vector<16xf32> to vector<1x16xf32>
        tpu.vector_store %arg6[%swap3A, %swap3A_315], %swap3A_318 {add = true, strides = array<i32>} : memref<32x1024xf32, #tpu.memory_space<vmem>>, vector<1x16xf32>,
      }
      %scan3A_308 = arith.constant 64 : i32
    }
    %scan3A_19 = arith.constant 32 : i32
    %run_scoped3A_20 = arith.constant 1 : i32
    "tpu.region"() ({
      %run_scoped3A_303 = tpu.sem_alloc : memref<!tpu.dma_semaphore, #tpu.memory_space<semaphore_mem>>
      %dma_start3A = arith.constant 0 : i32
      %dma_start3A_304 = tpu.memref_slice %arg4[%run_scoped3A_20, %add3A_4, %dma_start3A] : memref<4x8192x1024xf32, #tpu.memory_space<hbm>> -> memref<1x32x1024xf32, #tpu.memory_space<hbm>>
      %dma_start3A_305 = tpu.memref_squeeze %dma_start3A_304 : memref<1x32x1024xf32, #tpu.memory_space<hbm>> -> memref<32x1024xf32, #tpu.memory_space<hbm>>
      %dma_start3A_306 = arith.constant 0 : i32
      %dma_start3A_307 = tpu.memref_slice %arg4[%run_scoped3A_20, %add3A_4, %dma_start3A_306] : memref<4x8192x1024xf32, #tpu.memory_space<hbm>> -> memref<1x32x1024xf32, #tpu.memory_space<hbm>>
      %dma_start3A_308 = tpu.memref_squeeze %dma_start3A_307 : memref<1x32x1024xf32, #tpu.memory_space<hbm>> -> memref<32x1024xf32, #tpu.memory_space<hbm>>
      tpu.enqueue_dma source(%arg6 : memref<32x1024xf32, #tpu.memory_space<vmem>>) target(%dma_start3A_308 : memref<32x1024xf32, #tpu.memory_space<hbm>>) target_semaphore(%run_scoped3A_303 : memref<!tpu.dma_semaphore, #tpu.memory_space<semaphore_mem>>)
      %dma_wait3A = arith.constant 0 : i32
      %dma_wait3A_309 = tpu.memref_slice %arg4[%run_scoped3A_20, %add3A_4, %dma_wait3A] : memref<4x8192x1024xf32, #tpu.memory_space<hbm>> -> memref<1x32x1024xf32, #tpu.memory_space<hbm>>
      %dma_wait3A_310 = tpu.memref_squeeze %dma_wait3A_309 : memref<1x32x1024xf32, #tpu.memory_space<hbm>> -> memref<32x1024xf32, #tpu.memory_space<hbm>>
      %dma_wait3A_311 = arith.constant 0 : i32
      %dma_wait3A_312 = tpu.memref_slice %arg4[%run_scoped3A_20, %add3A_4, %dma_wait3A_311] : memref<4x8192x1024xf32, #tpu.memory_space<hbm>> -> memref<1x32x1024xf32, #tpu.memory_space<hbm>>
      %dma_wait3A_313 = tpu.memref_squeeze %dma_wait3A_312 : memref<1x32x1024xf32, #tpu.memory_space<hbm>> -> memref<32x1024xf32, #tpu.memory_space<hbm>>
      tpu.wait_dma2 semaphore(%run_scoped3A_303 : memref<!tpu.dma_semaphore, #tpu.memory_space<semaphore_mem>>) src(%arg6 : memref<32x1024xf32, #tpu.memory_space<vmem>>) dst(%dma_wait3A_313 : memref<32x1024xf32, #tpu.memory_space<hbm>>)
      tpu.yield
    }) : () -> ()
    %run_scoped3A_21 = arith.constant 2 : i32
    "tpu.region"() ({
      %run_scoped3A_303 = tpu.sem_alloc : memref<!tpu.dma_semaphore, #tpu.memory_space<semaphore_mem>>
      %dma_start3A = arith.constant 0 : i32
      %dma_start3A_304 = tpu.memref_slice %arg2[%run_scoped3A_21, %add3A_4, %dma_start3A] : memref<4x8192x1024xf32, #tpu.memory_space<hbm>> -> memref<1x32x1024xf32, #tpu.memory_space<hbm>>
      %dma_start3A_305 = tpu.memref_squeeze %dma_start3A_304 : memref<1x32x1024xf32, #tpu.memory_space<hbm>> -> memref<32x1024xf32, #tpu.memory_space<hbm>>
      %dma_start3A_306 = arith.constant 0 : i32
      %dma_start3A_307 = tpu.memref_slice %arg2[%run_scoped3A_21, %add3A_4, %dma_start3A_306] : memref<4x8192x1024xf32, #tpu.memory_space<hbm>> -> memref<1x32x1024xf32, #tpu.memory_space<hbm>>
      %dma_start3A_308 = tpu.memref_squeeze %dma_start3A_307 : memref<1x32x1024xf32, #tpu.memory_space<hbm>> -> memref<32x1024xf32, #tpu.memory_space<hbm>>
      tpu.enqueue_dma source(%dma_start3A_308 : memref<32x1024xf32, #tpu.memory_space<hbm>>) target(%arg6 : memref<32x1024xf32, #tpu.memory_space<vmem>>) target_semaphore(%run_scoped3A_303 : memref<!tpu.dma_semaphore, #tpu.memory_space<semaphore_mem>>)
      %dma_wait3A = arith.constant 0 : i32
      %dma_wait3A_309 = tpu.memref_slice %arg2[%run_scoped3A_21, %add3A_4, %dma_wait3A] : memref<4x8192x1024xf32, #tpu.memory_space<hbm>> -> memref<1x32x1024xf32, #tpu.memory_space<hbm>>
      %dma_wait3A_310 = tpu.memref_squeeze %dma_wait3A_309 : memref<1x32x1024xf32, #tpu.memory_space<hbm>> -> memref<32x1024xf32, #tpu.memory_space<hbm>>
      %dma_wait3A_311 = arith.constant 0 : i32
      %dma_wait3A_312 = tpu.memref_slice %arg2[%run_scoped3A_21, %add3A_4, %dma_wait3A_311] : memref<4x8192x1024xf32, #tpu.memory_space<hbm>> -> memref<1x32x1024xf32, #tpu.memory_space<hbm>>
      %dma_wait3A_313 = tpu.memref_squeeze %dma_wait3A_312 : memref<1x32x1024xf32, #tpu.memory_space<hbm>> -> memref<32x1024xf32, #tpu.memory_space<hbm>>
      tpu.wait_dma2 semaphore(%run_scoped3A_303 : memref<!tpu.dma_semaphore, #tpu.memory_space<semaphore_mem>>) src(%dma_wait3A_313 : memref<32x1024xf32, #tpu.memory_space<hbm>>) dst(%arg6 : memref<32x1024xf32, #tpu.memory_space<vmem>>)
      tpu.yield
    }) : () -> ()
    %scan3A_22 = arith.constant 0 : i32
    %scan3A_23 = arith.constant 0 : i32
    %scan3A_24 = arith.constant 32 : i32
    %scan3A_25 = arith.addi %scan3A_23, %scan3A_24 : i32
    %scan3A_26 = arith.constant 1 : i32
    scf.for %scan3A_303 = %scan3A_23 to %scan3A_25 step %scan3A_26  : i32 {
      %scan3A_304 = arith.constant 0 : i32
      %scan3A_305 = arith.constant 64 : i32
      %scan3A_306 = arith.addi %scan3A_304, %scan3A_305 : i32
      %scan3A_307 = arith.constant 1 : i32
      scf.for %scan3A_309 = %scan3A_304 to %scan3A_306 step %scan3A_307  : i32 {
        %mul3A_310 = arith.constant 16 : i32
        %mul3A_311 = arith.muli %scan3A_309, %mul3A_310 : i32
        %get3A = arith.index_cast %scan3A_303 : i32 to index
        %get3A_312 = arith.index_cast %mul3A_311 : i32 to index
        %get3A_313 = tpu.vector_load %arg5[%get3A, %get3A_312] {strides = array<i32>} : memref<32x1024xf32, #tpu.memory_space<vmem>>, vector<1x16xf32>,
        %get3A_314 = vector.shape_cast %get3A_313 : vector<1x16xf32> to vector<16xf32>
        %swap3A = arith.index_cast %scan3A_303 : i32 to index
        %swap3A_315 = arith.index_cast %mul3A_311 : i32 to index
        %swap3A_316 = tpu.vector_load %arg6[%swap3A, %swap3A_315] {strides = array<i32>} : memref<32x1024xf32, #tpu.memory_space<vmem>>, vector<1x16xf32>,
        %swap3A_317 = vector.shape_cast %swap3A_316 : vector<1x16xf32> to vector<16xf32>
        %swap3A_318 = vector.shape_cast %get3A_314 : vector<16xf32> to vector<1x16xf32>
        tpu.vector_store %arg6[%swap3A, %swap3A_315], %swap3A_318 {add = true, strides = array<i32>} : memref<32x1024xf32, #tpu.memory_space<vmem>>, vector<1x16xf32>,
      }
      %scan3A_308 = arith.constant 64 : i32
    }
    %scan3A_27 = arith.constant 32 : i32
    %run_scoped3A_28 = arith.constant 2 : i32
    "tpu.region"() ({
      %run_scoped3A_303 = tpu.sem_alloc : memref<!tpu.dma_semaphore, #tpu.memory_space<semaphore_mem>>
      %dma_start3A = arith.constant 0 : i32
      %dma_start3A_304 = tpu.memref_slice %arg4[%run_scoped3A_28, %add3A_4, %dma_start3A] : memref<4x8192x1024xf32, #tpu.memory_space<hbm>> -> memref<1x32x1024xf32, #tpu.memory_space<hbm>>
      %dma_start3A_305 = tpu.memref_squeeze %dma_start3A_304 : memref<1x32x1024xf32, #tpu.memory_space<hbm>> -> memref<32x1024xf32, #tpu.memory_space<hbm>>
      %dma_start3A_306 = arith.constant 0 : i32
      %dma_start3A_307 = tpu.memref_slice %arg4[%run_scoped3A_28, %add3A_4, %dma_start3A_306] : memref<4x8192x1024xf32, #tpu.memory_space<hbm>> -> memref<1x32x1024xf32, #tpu.memory_space<hbm>>
      %dma_start3A_308 = tpu.memref_squeeze %dma_start3A_307 : memref<1x32x1024xf32, #tpu.memory_space<hbm>> -> memref<32x1024xf32, #tpu.memory_space<hbm>>
      tpu.enqueue_dma source(%arg6 : memref<32x1024xf32, #tpu.memory_space<vmem>>) target(%dma_start3A_308 : memref<32x1024xf32, #tpu.memory_space<hbm>>) target_semaphore(%run_scoped3A_303 : memref<!tpu.dma_semaphore, #tpu.memory_space<semaphore_mem>>)
      %dma_wait3A = arith.constant 0 : i32
      %dma_wait3A_309 = tpu.memref_slice %arg4[%run_scoped3A_28, %add3A_4, %dma_wait3A] : memref<4x8192x1024xf32, #tpu.memory_space<hbm>> -> memref<1x32x1024xf32, #tpu.memory_space<hbm>>
      %dma_wait3A_310 = tpu.memref_squeeze %dma_wait3A_309 : memref<1x32x1024xf32, #tpu.memory_space<hbm>> -> memref<32x1024xf32, #tpu.memory_space<hbm>>
      %dma_wait3A_311 = arith.constant 0 : i32
      %dma_wait3A_312 = tpu.memref_slice %arg4[%run_scoped3A_28, %add3A_4, %dma_wait3A_311] : memref<4x8192x1024xf32, #tpu.memory_space<hbm>> -> memref<1x32x1024xf32, #tpu.memory_space<hbm>>
      %dma_wait3A_313 = tpu.memref_squeeze %dma_wait3A_312 : memref<1x32x1024xf32, #tpu.memory_space<hbm>> -> memref<32x1024xf32, #tpu.memory_space<hbm>>
      tpu.wait_dma2 semaphore(%run_scoped3A_303 : memref<!tpu.dma_semaphore, #tpu.memory_space<semaphore_mem>>) src(%arg6 : memref<32x1024xf32, #tpu.memory_space<vmem>>) dst(%dma_wait3A_313 : memref<32x1024xf32, #tpu.memory_space<hbm>>)
      tpu.yield
    }) : () -> ()
    %run_scoped3A_29 = arith.constant 3 : i32
    "tpu.region"() ({
      %run_scoped3A_303 = tpu.sem_alloc : memref<!tpu.dma_semaphore, #tpu.memory_space<semaphore_mem>>
      %dma_start3A = arith.constant 0 : i32
      %dma_start3A_304 = tpu.memref_slice %arg2[%run_scoped3A_29, %add3A_4, %dma_start3A] : memref<4x8192x1024xf32, #tpu.memory_space<hbm>> -> memref<1x32x1024xf32, #tpu.memory_space<hbm>>
      %dma_start3A_305 = tpu.memref_squeeze %dma_start3A_304 : memref<1x32x1024xf32, #tpu.memory_space<hbm>> -> memref<32x1024xf32, #tpu.memory_space<hbm>>
      %dma_start3A_306 = arith.constant 0 : i32
      %dma_start3A_307 = tpu.memref_slice %arg2[%run_scoped3A_29, %add3A_4, %dma_start3A_306] : memref<4x8192x1024xf32, #tpu.memory_space<hbm>> -> memref<1x32x1024xf32, #tpu.memory_space<hbm>>
      %dma_start3A_308 = tpu.memref_squeeze %dma_start3A_307 : memref<1x32x1024xf32, #tpu.memory_space<hbm>> -> memref<32x1024xf32, #tpu.memory_space<hbm>>
      tpu.enqueue_dma source(%dma_start3A_308 : memref<32x1024xf32, #tpu.memory_space<hbm>>) target(%arg6 : memref<32x1024xf32, #tpu.memory_space<vmem>>) target_semaphore(%run_scoped3A_303 : memref<!tpu.dma_semaphore, #tpu.memory_space<semaphore_mem>>)
      %dma_wait3A = arith.constant 0 : i32
      %dma_wait3A_309 = tpu.memref_slice %arg2[%run_scoped3A_29, %add3A_4, %dma_wait3A] : memref<4x8192x1024xf32, #tpu.memory_space<hbm>> -> memref<1x32x1024xf32, #tpu.memory_space<hbm>>
      %dma_wait3A_310 = tpu.memref_squeeze %dma_wait3A_309 : memref<1x32x1024xf32, #tpu.memory_space<hbm>> -> memref<32x1024xf32, #tpu.memory_space<hbm>>
      %dma_wait3A_311 = arith.constant 0 : i32
      %dma_wait3A_312 = tpu.memref_slice %arg2[%run_scoped3A_29, %add3A_4, %dma_wait3A_311] : memref<4x8192x1024xf32, #tpu.memory_space<hbm>> -> memref<1x32x1024xf32, #tpu.memory_space<hbm>>
      %dma_wait3A_313 = tpu.memref_squeeze %dma_wait3A_312 : memref<1x32x1024xf32, #tpu.memory_space<hbm>> -> memref<32x1024xf32, #tpu.memory_space<hbm>>
      tpu.wait_dma2 semaphore(%run_scoped3A_303 : memref<!tpu.dma_semaphore, #tpu.memory_space<semaphore_mem>>) src(%dma_wait3A_313 : memref<32x1024xf32, #tpu.memory_space<hbm>>) dst(%arg6 : memref<32x1024xf32, #tpu.memory_space<vmem>>)
      tpu.yield
    }) : () -> ()
    %scan3A_30 = arith.constant 0 : i32
    %scan3A_31 = arith.constant 0 : i32
    %scan3A_32 = arith.constant 32 : i32
    %scan3A_33 = arith.addi %scan3A_31, %scan3A_32 : i32
    %scan3A_34 = arith.constant 1 : i32
    scf.for %scan3A_303 = %scan3A_31 to %scan3A_33 step %scan3A_34  : i32 {
      %scan3A_304 = arith.constant 0 : i32
      %scan3A_305 = arith.constant 64 : i32
      %scan3A_306 = arith.addi %scan3A_304, %scan3A_305 : i32
      %scan3A_307 = arith.constant 1 : i32
      scf.for %scan3A_309 = %scan3A_304 to %scan3A_306 step %scan3A_307  : i32 {
        %mul3A_310 = arith.constant 16 : i32
        %mul3A_311 = arith.muli %scan3A_309, %mul3A_310 : i32
        %get3A = arith.index_cast %scan3A_303 : i32 to index
        %get3A_312 = arith.index_cast %mul3A_311 : i32 to index
        %get3A_313 = tpu.vector_load %arg5[%get3A, %get3A_312] {strides = array<i32>} : memref<32x1024xf32, #tpu.memory_space<vmem>>, vector<1x16xf32>,
        %get3A_314 = vector.shape_cast %get3A_313 : vector<1x16xf32> to vector<16xf32>
        %swap3A = arith.index_cast %scan3A_303 : i32 to index
        %swap3A_315 = arith.index_cast %mul3A_311 : i32 to index
        %swap3A_316 = tpu.vector_load %arg6[%swap3A, %swap3A_315] {strides = array<i32>} : memref<32x1024xf32, #tpu.memory_space<vmem>>, vector<1x16xf32>,
        %swap3A_317 = vector.shape_cast %swap3A_316 : vector<1x16xf32> to vector<16xf32>
        %swap3A_318 = vector.shape_cast %get3A_314 : vector<16xf32> to vector<1x16xf32>
        tpu.vector_store %arg6[%swap3A, %swap3A_315], %swap3A_318 {add = true, strides = array<i32>} : memref<32x1024xf32, #tpu.memory_space<vmem>>, vector<1x16xf32>,
      }
      %scan3A_308 = arith.constant 64 : i32
    }
    %scan3A_35 = arith.constant 32 : i32
    %run_scoped3A_36 = arith.constant 3 : i32
    "tpu.region"() ({
      %run_scoped3A_303 = tpu.sem_alloc : memref<!tpu.dma_semaphore, #tpu.memory_space<semaphore_mem>>
      %dma_start3A = arith.constant 0 : i32
      %dma_start3A_304 = tpu.memref_slice %arg4[%run_scoped3A_36, %add3A_4, %dma_start3A] : memref<4x8192x1024xf32, #tpu.memory_space<hbm>> -> memref<1x32x1024xf32, #tpu.memory_space<hbm>>
      %dma_start3A_305 = tpu.memref_squeeze %dma_start3A_304 : memref<1x32x1024xf32, #tpu.memory_space<hbm>> -> memref<32x1024xf32, #tpu.memory_space<hbm>>
      %dma_start3A_306 = arith.constant 0 : i32
      %dma_start3A_307 = tpu.memref_slice %arg4[%run_scoped3A_36, %add3A_4, %dma_start3A_306] : memref<4x8192x1024xf32, #tpu.memory_space<hbm>> -> memref<1x32x1024xf32, #tpu.memory_space<hbm>>
      %dma_start3A_308 = tpu.memref_squeeze %dma_start3A_307 : memref<1x32x1024xf32, #tpu.memory_space<hbm>> -> memref<32x1024xf32, #tpu.memory_space<hbm>>
      tpu.enqueue_dma source(%arg6 : memref<32x1024xf32, #tpu.memory_space<vmem>>) target(%dma_start3A_308 : memref<32x1024xf32, #tpu.memory_space<hbm>>) target_semaphore(%run_scoped3A_303 : memref<!tpu.dma_semaphore, #tpu.memory_space<semaphore_mem>>)
      %dma_wait3A = arith.constant 0 : i32
      %dma_wait3A_309 = tpu.memref_slice %arg4[%run_scoped3A_36, %add3A_4, %dma_wait3A] : memref<4x8192x1024xf32, #tpu.memory_space<hbm>> -> memref<1x32x1024xf32, #tpu.memory_space<hbm>>
      %dma_wait3A_310 = tpu.memref_squeeze %dma_wait3A_309 : memref<1x32x1024xf32, #tpu.memory_space<hbm>> -> memref<32x1024xf32, #tpu.memory_space<hbm>>
      %dma_wait3A_311 = arith.constant 0 : i32
      %dma_wait3A_312 = tpu.memref_slice %arg4[%run_scoped3A_36, %add3A_4, %dma_wait3A_311] : memref<4x8192x1024xf32, #tpu.memory_space<hbm>> -> memref<1x32x1024xf32, #tpu.memory_space<hbm>>
      %dma_wait3A_313 = tpu.memref_squeeze %dma_wait3A_312 : memref<1x32x1024xf32, #tpu.memory_space<hbm>> -> memref<32x1024xf32, #tpu.memory_space<hbm>>
      tpu.wait_dma2 semaphore(%run_scoped3A_303 : memref<!tpu.dma_semaphore, #tpu.memory_space<semaphore_mem>>) src(%arg6 : memref<32x1024xf32, #tpu.memory_space<vmem>>) dst(%dma_wait3A_313 : memref<32x1024xf32, #tpu.memory_space<hbm>>)
      tpu.yield
    }) : () -> ()
    %mul3A_37 = arith.constant 256 : i32
    %mul3A_38 = arith.muli %add3A, %mul3A_37 : i32
    %add3A_39 = arith.constant 32 : i32
    %add3A_40 = arith.addi %mul3A_38, %add3A_39 : i32
    %add3A_41 = arith.constant 8192 : i32
    %add3A_42 = arith.addi %add3A_41, %add3A_40 : i32
    "tpu.region"() ({
      %run_scoped3A_303 = tpu.sem_alloc : memref<!tpu.dma_semaphore, #tpu.memory_space<semaphore_mem>>
      %dma_start3A = arith.constant 0 : i32
      %dma_start3A_304 = tpu.memref_slice %arg3[%add3A_42, %dma_start3A] : memref<16384x1024xf32, #tpu.memory_space<hbm>> -> memref<32x1024xf32, #tpu.memory_space<hbm>>
      %dma_start3A_305 = arith.constant 0 : i32
      %dma_start3A_306 = tpu.memref_slice %arg3[%add3A_42, %dma_start3A_305] : memref<16384x1024xf32, #tpu.memory_space<hbm>> -> memref<32x1024xf32, #tpu.memory_space<hbm>>
      tpu.enqueue_dma source(%dma_start3A_306 : memref<32x1024xf32, #tpu.memory_space<hbm>>) target(%arg5 : memref<32x1024xf32, #tpu.memory_space<vmem>>) target_semaphore(%run_scoped3A_303 : memref<!tpu.dma_semaphore, #tpu.memory_space<semaphore_mem>>)
      %dma_wait3A = arith.constant 0 : i32
      %dma_wait3A_307 = tpu.memref_slice %arg3[%add3A_42, %dma_wait3A] : memref<16384x1024xf32, #tpu.memory_space<hbm>> -> memref<32x1024xf32, #tpu.memory_space<hbm>>
      %dma_wait3A_308 = arith.constant 0 : i32
      %dma_wait3A_309 = tpu.memref_slice %arg3[%add3A_42, %dma_wait3A_308] : memref<16384x1024xf32, #tpu.memory_space<hbm>> -> memref<32x1024xf32, #tpu.memory_space<hbm>>
      tpu.wait_dma2 semaphore(%run_scoped3A_303 : memref<!tpu.dma_semaphore, #tpu.memory_space<semaphore_mem>>) src(%dma_wait3A_309 : memref<32x1024xf32, #tpu.memory_space<hbm>>) dst(%arg5 : memref<32x1024xf32, #tpu.memory_space<vmem>>)
      tpu.yield
    }) : () -> ()
    %run_scoped3A_43 = arith.constant 0 : i32
    "tpu.region"() ({
      %run_scoped3A_303 = tpu.sem_alloc : memref<!tpu.dma_semaphore, #tpu.memory_space<semaphore_mem>>
      %dma_start3A = arith.constant 0 : i32
      %dma_start3A_304 = tpu.memref_slice %arg2[%run_scoped3A_43, %add3A_40, %dma_start3A] : memref<4x8192x1024xf32, #tpu.memory_space<hbm>> -> memref<1x32x1024xf32, #tpu.memory_space<hbm>>
      %dma_start3A_305 = tpu.memref_squeeze %dma_start3A_304 : memref<1x32x1024xf32, #tpu.memory_space<hbm>> -> memref<32x1024xf32, #tpu.memory_space<hbm>>
      %dma_start3A_306 = arith.constant 0 : i32
      %dma_start3A_307 = tpu.memref_slice %arg2[%run_scoped3A_43, %add3A_40, %dma_start3A_306] : memref<4x8192x1024xf32, #tpu.memory_space<hbm>> -> memref<1x32x1024xf32, #tpu.memory_space<hbm>>
      %dma_start3A_308 = tpu.memref_squeeze %dma_start3A_307 : memref<1x32x1024xf32, #tpu.memory_space<hbm>> -> memref<32x1024xf32, #tpu.memory_space<hbm>>
      tpu.enqueue_dma source(%dma_start3A_308 : memref<32x1024xf32, #tpu.memory_space<hbm>>) target(%arg6 : memref<32x1024xf32, #tpu.memory_space<vmem>>) target_semaphore(%run_scoped3A_303 : memref<!tpu.dma_semaphore, #tpu.memory_space<semaphore_mem>>)
      %dma_wait3A = arith.constant 0 : i32
      %dma_wait3A_309 = tpu.memref_slice %arg2[%run_scoped3A_43, %add3A_40, %dma_wait3A] : memref<4x8192x1024xf32, #tpu.memory_space<hbm>> -> memref<1x32x1024xf32, #tpu.memory_space<hbm>>
      %dma_wait3A_310 = tpu.memref_squeeze %dma_wait3A_309 : memref<1x32x1024xf32, #tpu.memory_space<hbm>> -> memref<32x1024xf32, #tpu.memory_space<hbm>>
      %dma_wait3A_311 = arith.constant 0 : i32
      %dma_wait3A_312 = tpu.memref_slice %arg2[%run_scoped3A_43, %add3A_40, %dma_wait3A_311] : memref<4x8192x1024xf32, #tpu.memory_space<hbm>> -> memref<1x32x1024xf32, #tpu.memory_space<hbm>>
      %dma_wait3A_313 = tpu.memref_squeeze %dma_wait3A_312 : memref<1x32x1024xf32, #tpu.memory_space<hbm>> -> memref<32x1024xf32, #tpu.memory_space<hbm>>
      tpu.wait_dma2 semaphore(%run_scoped3A_303 : memref<!tpu.dma_semaphore, #tpu.memory_space<semaphore_mem>>) src(%dma_wait3A_313 : memref<32x1024xf32, #tpu.memory_space<hbm>>) dst(%arg6 : memref<32x1024xf32, #tpu.memory_space<vmem>>)
      tpu.yield
    }) : () -> ()
    %scan3A_44 = arith.constant 0 : i32
    %scan3A_45 = arith.constant 0 : i32
    %scan3A_46 = arith.constant 32 : i32
    %scan3A_47 = arith.addi %scan3A_45, %scan3A_46 : i32
    %scan3A_48 = arith.constant 1 : i32
    scf.for %scan3A_303 = %scan3A_45 to %scan3A_47 step %scan3A_48  : i32 {
      %scan3A_304 = arith.constant 0 : i32
      %scan3A_305 = arith.constant 64 : i32
      %scan3A_306 = arith.addi %scan3A_304, %scan3A_305 : i32
      %scan3A_307 = arith.constant 1 : i32
      scf.for %scan3A_309 = %scan3A_304 to %scan3A_306 step %scan3A_307  : i32 {
        %mul3A_310 = arith.constant 16 : i32
        %mul3A_311 = arith.muli %scan3A_309, %mul3A_310 : i32
        %get3A = arith.index_cast %scan3A_303 : i32 to index
        %get3A_312 = arith.index_cast %mul3A_311 : i32 to index
        %get3A_313 = tpu.vector_load %arg5[%get3A, %get3A_312] {strides = array<i32>} : memref<32x1024xf32, #tpu.memory_space<vmem>>, vector<1x16xf32>,
        %get3A_314 = vector.shape_cast %get3A_313 : vector<1x16xf32> to vector<16xf32>
        %swap3A = arith.index_cast %scan3A_303 : i32 to index
        %swap3A_315 = arith.index_cast %mul3A_311 : i32 to index
        %swap3A_316 = tpu.vector_load %arg6[%swap3A, %swap3A_315] {strides = array<i32>} : memref<32x1024xf32, #tpu.memory_space<vmem>>, vector<1x16xf32>,
        %swap3A_317 = vector.shape_cast %swap3A_316 : vector<1x16xf32> to vector<16xf32>
        %swap3A_318 = vector.shape_cast %get3A_314 : vector<16xf32> to vector<1x16xf32>
        tpu.vector_store %arg6[%swap3A, %swap3A_315], %swap3A_318 {add = true, strides = array<i32>} : memref<32x1024xf32, #tpu.memory_space<vmem>>, vector<1x16xf32>,
      }
      %scan3A_308 = arith.constant 64 : i32
    }
    %scan3A_49 = arith.constant 32 : i32
    %run_scoped3A_50 = arith.constant 0 : i32
    "tpu.region"() ({
      %run_scoped3A_303 = tpu.sem_alloc : memref<!tpu.dma_semaphore, #tpu.memory_space<semaphore_mem>>
      %dma_start3A = arith.constant 0 : i32
      %dma_start3A_304 = tpu.memref_slice %arg4[%run_scoped3A_50, %add3A_40, %dma_start3A] : memref<4x8192x1024xf32, #tpu.memory_space<hbm>> -> memref<1x32x1024xf32, #tpu.memory_space<hbm>>
      %dma_start3A_305 = tpu.memref_squeeze %dma_start3A_304 : memref<1x32x1024xf32, #tpu.memory_space<hbm>> -> memref<32x1024xf32, #tpu.memory_space<hbm>>
      %dma_start3A_306 = arith.constant 0 : i32
      %dma_start3A_307 = tpu.memref_slice %arg4[%run_scoped3A_50, %add3A_40, %dma_start3A_306] : memref<4x8192x1024xf32, #tpu.memory_space<hbm>> -> memref<1x32x1024xf32, #tpu.memory_space<hbm>>
      %dma_start3A_308 = tpu.memref_squeeze %dma_start3A_307 : memref<1x32x1024xf32, #tpu.memory_space<hbm>> -> memref<32x1024xf32, #tpu.memory_space<hbm>>
      tpu.enqueue_dma source(%arg6 : memref<32x1024xf32, #tpu.memory_space<vmem>>) target(%dma_start3A_308 : memref<32x1024xf32, #tpu.memory_space<hbm>>) target_semaphore(%run_scoped3A_303 : memref<!tpu.dma_semaphore, #tpu.memory_space<semaphore_mem>>)
      %dma_wait3A = arith.constant 0 : i32
      %dma_wait3A_309 = tpu.memref_slice %arg4[%run_scoped3A_50, %add3A_40, %dma_wait3A] : memref<4x8192x1024xf32, #tpu.memory_space<hbm>> -> memref<1x32x1024xf32, #tpu.memory_space<hbm>>
      %dma_wait3A_310 = tpu.memref_squeeze %dma_wait3A_309 : memref<1x32x1024xf32, #tpu.memory_space<hbm>> -> memref<32x1024xf32, #tpu.memory_space<hbm>>
      %dma_wait3A_311 = arith.constant 0 : i32
      %dma_wait3A_312 = tpu.memref_slice %arg4[%run_scoped3A_50, %add3A_40, %dma_wait3A_311] : memref<4x8192x1024xf32, #tpu.memory_space<hbm>> -> memref<1x32x1024xf32, #tpu.memory_space<hbm>>
      %dma_wait3A_313 = tpu.memref_squeeze %dma_wait3A_312 : memref<1x32x1024xf32, #tpu.memory_space<hbm>> -> memref<32x1024xf32, #tpu.memory_space<hbm>>
      tpu.wait_dma2 semaphore(%run_scoped3A_303 : memref<!tpu.dma_semaphore, #tpu.memory_space<semaphore_mem>>) src(%arg6 : memref<32x1024xf32, #tpu.memory_space<vmem>>) dst(%dma_wait3A_313 : memref<32x1024xf32, #tpu.memory_space<hbm>>)
      tpu.yield
    }) : () -> ()
    %run_scoped3A_51 = arith.constant 1 : i32
    "tpu.region"() ({
      %run_scoped3A_303 = tpu.sem_alloc : memref<!tpu.dma_semaphore, #tpu.memory_space<semaphore_mem>>
      %dma_start3A = arith.constant 0 : i32
      %dma_start3A_304 = tpu.memref_slice %arg2[%run_scoped3A_51, %add3A_40, %dma_start3A] : memref<4x8192x1024xf32, #tpu.memory_space<hbm>> -> memref<1x32x1024xf32, #tpu.memory_space<hbm>>
      %dma_start3A_305 = tpu.memref_squeeze %dma_start3A_304 : memref<1x32x1024xf32, #tpu.memory_space<hbm>> -> memref<32x1024xf32, #tpu.memory_space<hbm>>
      %dma_start3A_306 = arith.constant 0 : i32
      %dma_start3A_307 = tpu.memref_slice %arg2[%run_scoped3A_51, %add3A_40, %dma_start3A_306] : memref<4x8192x1024xf32, #tpu.memory_space<hbm>> -> memref<1x32x1024xf32, #tpu.memory_space<hbm>>
      %dma_start3A_308 = tpu.memref_squeeze %dma_start3A_307 : memref<1x32x1024xf32, #tpu.memory_space<hbm>> -> memref<32x1024xf32, #tpu.memory_space<hbm>>
      tpu.enqueue_dma source(%dma_start3A_308 : memref<32x1024xf32, #tpu.memory_space<hbm>>) target(%arg6 : memref<32x1024xf32, #tpu.memory_space<vmem>>) target_semaphore(%run_scoped3A_303 : memref<!tpu.dma_semaphore, #tpu.memory_space<semaphore_mem>>)
      %dma_wait3A = arith.constant 0 : i32
      %dma_wait3A_309 = tpu.memref_slice %arg2[%run_scoped3A_51, %add3A_40, %dma_wait3A] : memref<4x8192x1024xf32, #tpu.memory_space<hbm>> -> memref<1x32x1024xf32, #tpu.memory_space<hbm>>
      %dma_wait3A_310 = tpu.memref_squeeze %dma_wait3A_309 : memref<1x32x1024xf32, #tpu.memory_space<hbm>> -> memref<32x1024xf32, #tpu.memory_space<hbm>>
      %dma_wait3A_311 = arith.constant 0 : i32
      %dma_wait3A_312 = tpu.memref_slice %arg2[%run_scoped3A_51, %add3A_40, %dma_wait3A_311] : memref<4x8192x1024xf32, #tpu.memory_space<hbm>> -> memref<1x32x1024xf32, #tpu.memory_space<hbm>>
      %dma_wait3A_313 = tpu.memref_squeeze %dma_wait3A_312 : memref<1x32x1024xf32, #tpu.memory_space<hbm>> -> memref<32x1024xf32, #tpu.memory_space<hbm>>
      tpu.wait_dma2 semaphore(%run_scoped3A_303 : memref<!tpu.dma_semaphore, #tpu.memory_space<semaphore_mem>>) src(%dma_wait3A_313 : memref<32x1024xf32, #tpu.memory_space<hbm>>) dst(%arg6 : memref<32x1024xf32, #tpu.memory_space<vmem>>)
      tpu.yield
    }) : () -> ()
    %scan3A_52 = arith.constant 0 : i32
    %scan3A_53 = arith.constant 0 : i32
    %scan3A_54 = arith.constant 32 : i32
    %scan3A_55 = arith.addi %scan3A_53, %scan3A_54 : i32
    %scan3A_56 = arith.constant 1 : i32
    scf.for %scan3A_303 = %scan3A_53 to %scan3A_55 step %scan3A_56  : i32 {
      %scan3A_304 = arith.constant 0 : i32
      %scan3A_305 = arith.constant 64 : i32
      %scan3A_306 = arith.addi %scan3A_304, %scan3A_305 : i32
      %scan3A_307 = arith.constant 1 : i32
      scf.for %scan3A_309 = %scan3A_304 to %scan3A_306 step %scan3A_307  : i32 {
        %mul3A_310 = arith.constant 16 : i32
        %mul3A_311 = arith.muli %scan3A_309, %mul3A_310 : i32
        %get3A = arith.index_cast %scan3A_303 : i32 to index
        %get3A_312 = arith.index_cast %mul3A_311 : i32 to index
        %get3A_313 = tpu.vector_load %arg5[%get3A, %get3A_312] {strides = array<i32>} : memref<32x1024xf32, #tpu.memory_space<vmem>>, vector<1x16xf32>,
        %get3A_314 = vector.shape_cast %get3A_313 : vector<1x16xf32> to vector<16xf32>
        %swap3A = arith.index_cast %scan3A_303 : i32 to index
        %swap3A_315 = arith.index_cast %mul3A_311 : i32 to index
        %swap3A_316 = tpu.vector_load %arg6[%swap3A, %swap3A_315] {strides = array<i32>} : memref<32x1024xf32, #tpu.memory_space<vmem>>, vector<1x16xf32>,
        %swap3A_317 = vector.shape_cast %swap3A_316 : vector<1x16xf32> to vector<16xf32>
        %swap3A_318 = vector.shape_cast %get3A_314 : vector<16xf32> to vector<1x16xf32>
        tpu.vector_store %arg6[%swap3A, %swap3A_315], %swap3A_318 {add = true, strides = array<i32>} : memref<32x1024xf32, #tpu.memory_space<vmem>>, vector<1x16xf32>,
      }
      %scan3A_308 = arith.constant 64 : i32
    }
    %scan3A_57 = arith.constant 32 : i32
    %run_scoped3A_58 = arith.constant 1 : i32
    "tpu.region"() ({
      %run_scoped3A_303 = tpu.sem_alloc : memref<!tpu.dma_semaphore, #tpu.memory_space<semaphore_mem>>
      %dma_start3A = arith.constant 0 : i32
      %dma_start3A_304 = tpu.memref_slice %arg4[%run_scoped3A_58, %add3A_40, %dma_start3A] : memref<4x8192x1024xf32, #tpu.memory_space<hbm>> -> memref<1x32x1024xf32, #tpu.memory_space<hbm>>
      %dma_start3A_305 = tpu.memref_squeeze %dma_start3A_304 : memref<1x32x1024xf32, #tpu.memory_space<hbm>> -> memref<32x1024xf32, #tpu.memory_space<hbm>>
      %dma_start3A_306 = arith.constant 0 : i32
      %dma_start3A_307 = tpu.memref_slice %arg4[%run_scoped3A_58, %add3A_40, %dma_start3A_306] : memref<4x8192x1024xf32, #tpu.memory_space<hbm>> -> memref<1x32x1024xf32, #tpu.memory_space<hbm>>
      %dma_start3A_308 = tpu.memref_squeeze %dma_start3A_307 : memref<1x32x1024xf32, #tpu.memory_space<hbm>> -> memref<32x1024xf32, #tpu.memory_space<hbm>>
      tpu.enqueue_dma source(%arg6 : memref<32x1024xf32, #tpu.memory_space<vmem>>) target(%dma_start3A_308 : memref<32x1024xf32, #tpu.memory_space<hbm>>) target_semaphore(%run_scoped3A_303 : memref<!tpu.dma_semaphore, #tpu.memory_space<semaphore_mem>>)
      %dma_wait3A = arith.constant 0 : i32
      %dma_wait3A_309 = tpu.memref_slice %arg4[%run_scoped3A_58, %add3A_40, %dma_wait3A] : memref<4x8192x1024xf32, #tpu.memory_space<hbm>> -> memref<1x32x1024xf32, #tpu.memory_space<hbm>>
      %dma_wait3A_310 = tpu.memref_squeeze %dma_wait3A_309 : memref<1x32x1024xf32, #tpu.memory_space<hbm>> -> memref<32x1024xf32, #tpu.memory_space<hbm>>
      %dma_wait3A_311 = arith.constant 0 : i32
      %dma_wait3A_312 = tpu.memref_slice %arg4[%run_scoped3A_58, %add3A_40, %dma_wait3A_311] : memref<4x8192x1024xf32, #tpu.memory_space<hbm>> -> memref<1x32x1024xf32, #tpu.memory_space<hbm>>
      %dma_wait3A_313 = tpu.memref_squeeze %dma_wait3A_312 : memref<1x32x1024xf32, #tpu.memory_space<hbm>> -> memref<32x1024xf32, #tpu.memory_space<hbm>>
      tpu.wait_dma2 semaphore(%run_scoped3A_303 : memref<!tpu.dma_semaphore, #tpu.memory_space<semaphore_mem>>) src(%arg6 : memref<32x1024xf32, #tpu.memory_space<vmem>>) dst(%dma_wait3A_313 : memref<32x1024xf32, #tpu.memory_space<hbm>>)
      tpu.yield
    }) : () -> ()
    %run_scoped3A_59 = arith.constant 2 : i32
    "tpu.region"() ({
      %run_scoped3A_303 = tpu.sem_alloc : memref<!tpu.dma_semaphore, #tpu.memory_space<semaphore_mem>>
      %dma_start3A = arith.constant 0 : i32
      %dma_start3A_304 = tpu.memref_slice %arg2[%run_scoped3A_59, %add3A_40, %dma_start3A] : memref<4x8192x1024xf32, #tpu.memory_space<hbm>> -> memref<1x32x1024xf32, #tpu.memory_space<hbm>>
      %dma_start3A_305 = tpu.memref_squeeze %dma_start3A_304 : memref<1x32x1024xf32, #tpu.memory_space<hbm>> -> memref<32x1024xf32, #tpu.memory_space<hbm>>
      %dma_start3A_306 = arith.constant 0 : i32
      %dma_start3A_307 = tpu.memref_slice %arg2[%run_scoped3A_59, %add3A_40, %dma_start3A_306] : memref<4x8192x1024xf32, #tpu.memory_space<hbm>> -> memref<1x32x1024xf32, #tpu.memory_space<hbm>>
      %dma_start3A_308 = tpu.memref_squeeze %dma_start3A_307 : memref<1x32x1024xf32, #tpu.memory_space<hbm>> -> memref<32x1024xf32, #tpu.memory_space<hbm>>
      tpu.enqueue_dma source(%dma_start3A_308 : memref<32x1024xf32, #tpu.memory_space<hbm>>) target(%arg6 : memref<32x1024xf32, #tpu.memory_space<vmem>>) target_semaphore(%run_scoped3A_303 : memref<!tpu.dma_semaphore, #tpu.memory_space<semaphore_mem>>)
      %dma_wait3A = arith.constant 0 : i32
      %dma_wait3A_309 = tpu.memref_slice %arg2[%run_scoped3A_59, %add3A_40, %dma_wait3A] : memref<4x8192x1024xf32, #tpu.memory_space<hbm>> -> memref<1x32x1024xf32, #tpu.memory_space<hbm>>
      %dma_wait3A_310 = tpu.memref_squeeze %dma_wait3A_309 : memref<1x32x1024xf32, #tpu.memory_space<hbm>> -> memref<32x1024xf32, #tpu.memory_space<hbm>>
      %dma_wait3A_311 = arith.constant 0 : i32
      %dma_wait3A_312 = tpu.memref_slice %arg2[%run_scoped3A_59, %add3A_40, %dma_wait3A_311] : memref<4x8192x1024xf32, #tpu.memory_space<hbm>> -> memref<1x32x1024xf32, #tpu.memory_space<hbm>>
      %dma_wait3A_313 = tpu.memref_squeeze %dma_wait3A_312 : memref<1x32x1024xf32, #tpu.memory_space<hbm>> -> memref<32x1024xf32, #tpu.memory_space<hbm>>
      tpu.wait_dma2 semaphore(%run_scoped3A_303 : memref<!tpu.dma_semaphore, #tpu.memory_space<semaphore_mem>>) src(%dma_wait3A_313 : memref<32x1024xf32, #tpu.memory_space<hbm>>) dst(%arg6 : memref<32x1024xf32, #tpu.memory_space<vmem>>)
      tpu.yield
    }) : () -> ()
    %scan3A_60 = arith.constant 0 : i32
    %scan3A_61 = arith.constant 0 : i32
    %scan3A_62 = arith.constant 32 : i32
    %scan3A_63 = arith.addi %scan3A_61, %scan3A_62 : i32
    %scan3A_64 = arith.constant 1 : i32
    scf.for %scan3A_303 = %scan3A_61 to %scan3A_63 step %scan3A_64  : i32 {
      %scan3A_304 = arith.constant 0 : i32
      %scan3A_305 = arith.constant 64 : i32
      %scan3A_306 = arith.addi %scan3A_304, %scan3A_305 : i32
      %scan3A_307 = arith.constant 1 : i32
      scf.for %scan3A_309 = %scan3A_304 to %scan3A_306 step %scan3A_307  : i32 {
        %mul3A_310 = arith.constant 16 : i32
        %mul3A_311 = arith.muli %scan3A_309, %mul3A_310 : i32
        %get3A = arith.index_cast %scan3A_303 : i32 to index
        %get3A_312 = arith.index_cast %mul3A_311 : i32 to index
        %get3A_313 = tpu.vector_load %arg5[%get3A, %get3A_312] {strides = array<i32>} : memref<32x1024xf32, #tpu.memory_space<vmem>>, vector<1x16xf32>,
        %get3A_314 = vector.shape_cast %get3A_313 : vector<1x16xf32> to vector<16xf32>
        %swap3A = arith.index_cast %scan3A_303 : i32 to index
        %swap3A_315 = arith.index_cast %mul3A_311 : i32 to index
        %swap3A_316 = tpu.vector_load %arg6[%swap3A, %swap3A_315] {strides = array<i32>} : memref<32x1024xf32, #tpu.memory_space<vmem>>, vector<1x16xf32>,
        %swap3A_317 = vector.shape_cast %swap3A_316 : vector<1x16xf32> to vector<16xf32>
        %swap3A_318 = vector.shape_cast %get3A_314 : vector<16xf32> to vector<1x16xf32>
        tpu.vector_store %arg6[%swap3A, %swap3A_315], %swap3A_318 {add = true, strides = array<i32>} : memref<32x1024xf32, #tpu.memory_space<vmem>>, vector<1x16xf32>,
      }
      %scan3A_308 = arith.constant 64 : i32
    }
    %scan3A_65 = arith.constant 32 : i32
    %run_scoped3A_66 = arith.constant 2 : i32
    "tpu.region"() ({
      %run_scoped3A_303 = tpu.sem_alloc : memref<!tpu.dma_semaphore, #tpu.memory_space<semaphore_mem>>
      %dma_start3A = arith.constant 0 : i32
      %dma_start3A_304 = tpu.memref_slice %arg4[%run_scoped3A_66, %add3A_40, %dma_start3A] : memref<4x8192x1024xf32, #tpu.memory_space<hbm>> -> memref<1x32x1024xf32, #tpu.memory_space<hbm>>
      %dma_start3A_305 = tpu.memref_squeeze %dma_start3A_304 : memref<1x32x1024xf32, #tpu.memory_space<hbm>> -> memref<32x1024xf32, #tpu.memory_space<hbm>>
      %dma_start3A_306 = arith.constant 0 : i32
      %dma_start3A_307 = tpu.memref_slice %arg4[%run_scoped3A_66, %add3A_40, %dma_start3A_306] : memref<4x8192x1024xf32, #tpu.memory_space<hbm>> -> memref<1x32x1024xf32, #tpu.memory_space<hbm>>
      %dma_start3A_308 = tpu.memref_squeeze %dma_start3A_307 : memref<1x32x1024xf32, #tpu.memory_space<hbm>> -> memref<32x1024xf32, #tpu.memory_space<hbm>>
      tpu.enqueue_dma source(%arg6 : memref<32x1024xf32, #tpu.memory_space<vmem>>) target(%dma_start3A_308 : memref<32x1024xf32, #tpu.memory_space<hbm>>) target_semaphore(%run_scoped3A_303 : memref<!tpu.dma_semaphore, #tpu.memory_space<semaphore_mem>>)
      %dma_wait3A = arith.constant 0 : i32
      %dma_wait3A_309 = tpu.memref_slice %arg4[%run_scoped3A_66, %add3A_40, %dma_wait3A] : memref<4x8192x1024xf32, #tpu.memory_space<hbm>> -> memref<1x32x1024xf32, #tpu.memory_space<hbm>>
      %dma_wait3A_310 = tpu.memref_squeeze %dma_wait3A_309 : memref<1x32x1024xf32, #tpu.memory_space<hbm>> -> memref<32x1024xf32, #tpu.memory_space<hbm>>
      %dma_wait3A_311 = arith.constant 0 : i32
      %dma_wait3A_312 = tpu.memref_slice %arg4[%run_scoped3A_66, %add3A_40, %dma_wait3A_311] : memref<4x8192x1024xf32, #tpu.memory_space<hbm>> -> memref<1x32x1024xf32, #tpu.memory_space<hbm>>
      %dma_wait3A_313 = tpu.memref_squeeze %dma_wait3A_312 : memref<1x32x1024xf32, #tpu.memory_space<hbm>> -> memref<32x1024xf32, #tpu.memory_space<hbm>>
      tpu.wait_dma2 semaphore(%run_scoped3A_303 : memref<!tpu.dma_semaphore, #tpu.memory_space<semaphore_mem>>) src(%arg6 : memref<32x1024xf32, #tpu.memory_space<vmem>>) dst(%dma_wait3A_313 : memref<32x1024xf32, #tpu.memory_space<hbm>>)
      tpu.yield
    }) : () -> ()
    %run_scoped3A_67 = arith.constant 3 : i32
    "tpu.region"() ({
      %run_scoped3A_303 = tpu.sem_alloc : memref<!tpu.dma_semaphore, #tpu.memory_space<semaphore_mem>>
      %dma_start3A = arith.constant 0 : i32
      %dma_start3A_304 = tpu.memref_slice %arg2[%run_scoped3A_67, %add3A_40, %dma_start3A] : memref<4x8192x1024xf32, #tpu.memory_space<hbm>> -> memref<1x32x1024xf32, #tpu.memory_space<hbm>>
      %dma_start3A_305 = tpu.memref_squeeze %dma_start3A_304 : memref<1x32x1024xf32, #tpu.memory_space<hbm>> -> memref<32x1024xf32, #tpu.memory_space<hbm>>
      %dma_start3A_306 = arith.constant 0 : i32
      %dma_start3A_307 = tpu.memref_slice %arg2[%run_scoped3A_67, %add3A_40, %dma_start3A_306] : memref<4x8192x1024xf32, #tpu.memory_space<hbm>> -> memref<1x32x1024xf32, #tpu.memory_space<hbm>>
      %dma_start3A_308 = tpu.memref_squeeze %dma_start3A_307 : memref<1x32x1024xf32, #tpu.memory_space<hbm>> -> memref<32x1024xf32, #tpu.memory_space<hbm>>
      tpu.enqueue_dma source(%dma_start3A_308 : memref<32x1024xf32, #tpu.memory_space<hbm>>) target(%arg6 : memref<32x1024xf32, #tpu.memory_space<vmem>>) target_semaphore(%run_scoped3A_303 : memref<!tpu.dma_semaphore, #tpu.memory_space<semaphore_mem>>)
      %dma_wait3A = arith.constant 0 : i32
      %dma_wait3A_309 = tpu.memref_slice %arg2[%run_scoped3A_67, %add3A_40, %dma_wait3A] : memref<4x8192x1024xf32, #tpu.memory_space<hbm>> -> memref<1x32x1024xf32, #tpu.memory_space<hbm>>
      %dma_wait3A_310 = tpu.memref_squeeze %dma_wait3A_309 : memref<1x32x1024xf32, #tpu.memory_space<hbm>> -> memref<32x1024xf32, #tpu.memory_space<hbm>>
      %dma_wait3A_311 = arith.constant 0 : i32
      %dma_wait3A_312 = tpu.memref_slice %arg2[%run_scoped3A_67, %add3A_40, %dma_wait3A_311] : memref<4x8192x1024xf32, #tpu.memory_space<hbm>> -> memref<1x32x1024xf32, #tpu.memory_space<hbm>>
      %dma_wait3A_313 = tpu.memref_squeeze %dma_wait3A_312 : memref<1x32x1024xf32, #tpu.memory_space<hbm>> -> memref<32x1024xf32, #tpu.memory_space<hbm>>
      tpu.wait_dma2 semaphore(%run_scoped3A_303 : memref<!tpu.dma_semaphore, #tpu.memory_space<semaphore_mem>>) src(%dma_wait3A_313 : memref<32x1024xf32, #tpu.memory_space<hbm>>) dst(%arg6 : memref<32x1024xf32, #tpu.memory_space<vmem>>)
      tpu.yield
    }) : () -> ()
    %scan3A_68 = arith.constant 0 : i32
    %scan3A_69 = arith.constant 0 : i32
    %scan3A_70 = arith.constant 32 : i32
    %scan3A_71 = arith.addi %scan3A_69, %scan3A_70 : i32
    %scan3A_72 = arith.constant 1 : i32
    scf.for %scan3A_303 = %scan3A_69 to %scan3A_71 step %scan3A_72  : i32 {
      %scan3A_304 = arith.constant 0 : i32
      %scan3A_305 = arith.constant 64 : i32
      %scan3A_306 = arith.addi %scan3A_304, %scan3A_305 : i32
      %scan3A_307 = arith.constant 1 : i32
      scf.for %scan3A_309 = %scan3A_304 to %scan3A_306 step %scan3A_307  : i32 {
        %mul3A_310 = arith.constant 16 : i32
        %mul3A_311 = arith.muli %scan3A_309, %mul3A_310 : i32
        %get3A = arith.index_cast %scan3A_303 : i32 to index
        %get3A_312 = arith.index_cast %mul3A_311 : i32 to index
        %get3A_313 = tpu.vector_load %arg5[%get3A, %get3A_312] {strides = array<i32>} : memref<32x1024xf32, #tpu.memory_space<vmem>>, vector<1x16xf32>,
        %get3A_314 = vector.shape_cast %get3A_313 : vector<1x16xf32> to vector<16xf32>
        %swap3A = arith.index_cast %scan3A_303 : i32 to index
        %swap3A_315 = arith.index_cast %mul3A_311 : i32 to index
        %swap3A_316 = tpu.vector_load %arg6[%swap3A, %swap3A_315] {strides = array<i32>} : memref<32x1024xf32, #tpu.memory_space<vmem>>, vector<1x16xf32>,
        %swap3A_317 = vector.shape_cast %swap3A_316 : vector<1x16xf32> to vector<16xf32>
        %swap3A_318 = vector.shape_cast %get3A_314 : vector<16xf32> to vector<1x16xf32>
        tpu.vector_store %arg6[%swap3A, %swap3A_315], %swap3A_318 {add = true, strides = array<i32>} : memref<32x1024xf32, #tpu.memory_space<vmem>>, vector<1x16xf32>,
      }
      %scan3A_308 = arith.constant 64 : i32
    }
    %scan3A_73 = arith.constant 32 : i32
    %run_scoped3A_74 = arith.constant 3 : i32
    "tpu.region"() ({
      %run_scoped3A_303 = tpu.sem_alloc : memref<!tpu.dma_semaphore, #tpu.memory_space<semaphore_mem>>
      %dma_start3A = arith.constant 0 : i32
      %dma_start3A_304 = tpu.memref_slice %arg4[%run_scoped3A_74, %add3A_40, %dma_start3A] : memref<4x8192x1024xf32, #tpu.memory_space<hbm>> -> memref<1x32x1024xf32, #tpu.memory_space<hbm>>
      %dma_start3A_305 = tpu.memref_squeeze %dma_start3A_304 : memref<1x32x1024xf32, #tpu.memory_space<hbm>> -> memref<32x1024xf32, #tpu.memory_space<hbm>>
      %dma_start3A_306 = arith.constant 0 : i32
      %dma_start3A_307 = tpu.memref_slice %arg4[%run_scoped3A_74, %add3A_40, %dma_start3A_306] : memref<4x8192x1024xf32, #tpu.memory_space<hbm>> -> memref<1x32x1024xf32, #tpu.memory_space<hbm>>
      %dma_start3A_308 = tpu.memref_squeeze %dma_start3A_307 : memref<1x32x1024xf32, #tpu.memory_space<hbm>> -> memref<32x1024xf32, #tpu.memory_space<hbm>>
      tpu.enqueue_dma source(%arg6 : memref<32x1024xf32, #tpu.memory_space<vmem>>) target(%dma_start3A_308 : memref<32x1024xf32, #tpu.memory_space<hbm>>) target_semaphore(%run_scoped3A_303 : memref<!tpu.dma_semaphore, #tpu.memory_space<semaphore_mem>>)
      %dma_wait3A = arith.constant 0 : i32
      %dma_wait3A_309 = tpu.memref_slice %arg4[%run_scoped3A_74, %add3A_40, %dma_wait3A] : memref<4x8192x1024xf32, #tpu.memory_space<hbm>> -> memref<1x32x1024xf32, #tpu.memory_space<hbm>>
      %dma_wait3A_310 = tpu.memref_squeeze %dma_wait3A_309 : memref<1x32x1024xf32, #tpu.memory_space<hbm>> -> memref<32x1024xf32, #tpu.memory_space<hbm>>
      %dma_wait3A_311 = arith.constant 0 : i32
      %dma_wait3A_312 = tpu.memref_slice %arg4[%run_scoped3A_74, %add3A_40, %dma_wait3A_311] : memref<4x8192x1024xf32, #tpu.memory_space<hbm>> -> memref<1x32x1024xf32, #tpu.memory_space<hbm>>
      %dma_wait3A_313 = tpu.memref_squeeze %dma_wait3A_312 : memref<1x32x1024xf32, #tpu.memory_space<hbm>> -> memref<32x1024xf32, #tpu.memory_space<hbm>>
      tpu.wait_dma2 semaphore(%run_scoped3A_303 : memref<!tpu.dma_semaphore, #tpu.memory_space<semaphore_mem>>) src(%arg6 : memref<32x1024xf32, #tpu.memory_space<vmem>>) dst(%dma_wait3A_313 : memref<32x1024xf32, #tpu.memory_space<hbm>>)
      tpu.yield
    }) : () -> ()
    %mul3A_75 = arith.constant 256 : i32
    %mul3A_76 = arith.muli %add3A, %mul3A_75 : i32
    %add3A_77 = arith.constant 64 : i32
    %add3A_78 = arith.addi %mul3A_76, %add3A_77 : i32
    %add3A_79 = arith.constant 8192 : i32
    %add3A_80 = arith.addi %add3A_79, %add3A_78 : i32
    "tpu.region"() ({
      %run_scoped3A_303 = tpu.sem_alloc : memref<!tpu.dma_semaphore, #tpu.memory_space<semaphore_mem>>
      %dma_start3A = arith.constant 0 : i32
      %dma_start3A_304 = tpu.memref_slice %arg3[%add3A_80, %dma_start3A] : memref<16384x1024xf32, #tpu.memory_space<hbm>> -> memref<32x1024xf32, #tpu.memory_space<hbm>>
      %dma_start3A_305 = arith.constant 0 : i32
      %dma_start3A_306 = tpu.memref_slice %arg3[%add3A_80, %dma_start3A_305] : memref<16384x1024xf32, #tpu.memory_space<hbm>> -> memref<32x1024xf32, #tpu.memory_space<hbm>>
      tpu.enqueue_dma source(%dma_start3A_306 : memref<32x1024xf32, #tpu.memory_space<hbm>>) target(%arg5 : memref<32x1024xf32, #tpu.memory_space<vmem>>) target_semaphore(%run_scoped3A_303 : memref<!tpu.dma_semaphore, #tpu.memory_space<semaphore_mem>>)
      %dma_wait3A = arith.constant 0 : i32
      %dma_wait3A_307 = tpu.memref_slice %arg3[%add3A_80, %dma_wait3A] : memref<16384x1024xf32, #tpu.memory_space<hbm>> -> memref<32x1024xf32, #tpu.memory_space<hbm>>
      %dma_wait3A_308 = arith.constant 0 : i32
      %dma_wait3A_309 = tpu.memref_slice %arg3[%add3A_80, %dma_wait3A_308] : memref<16384x1024xf32, #tpu.memory_space<hbm>> -> memref<32x1024xf32, #tpu.memory_space<hbm>>
      tpu.wait_dma2 semaphore(%run_scoped3A_303 : memref<!tpu.dma_semaphore, #tpu.memory_space<semaphore_mem>>) src(%dma_wait3A_309 : memref<32x1024xf32, #tpu.memory_space<hbm>>) dst(%arg5 : memref<32x1024xf32, #tpu.memory_space<vmem>>)
      tpu.yield
    }) : () -> ()
    %run_scoped3A_81 = arith.constant 0 : i32
    "tpu.region"() ({
      %run_scoped3A_303 = tpu.sem_alloc : memref<!tpu.dma_semaphore, #tpu.memory_space<semaphore_mem>>
      %dma_start3A = arith.constant 0 : i32
      %dma_start3A_304 = tpu.memref_slice %arg2[%run_scoped3A_81, %add3A_78, %dma_start3A] : memref<4x8192x1024xf32, #tpu.memory_space<hbm>> -> memref<1x32x1024xf32, #tpu.memory_space<hbm>>
      %dma_start3A_305 = tpu.memref_squeeze %dma_start3A_304 : memref<1x32x1024xf32, #tpu.memory_space<hbm>> -> memref<32x1024xf32, #tpu.memory_space<hbm>>
      %dma_start3A_306 = arith.constant 0 : i32
      %dma_start3A_307 = tpu.memref_slice %arg2[%run_scoped3A_81, %add3A_78, %dma_start3A_306] : memref<4x8192x1024xf32, #tpu.memory_space<hbm>> -> memref<1x32x1024xf32, #tpu.memory_space<hbm>>
      %dma_start3A_308 = tpu.memref_squeeze %dma_start3A_307 : memref<1x32x1024xf32, #tpu.memory_space<hbm>> -> memref<32x1024xf32, #tpu.memory_space<hbm>>
      tpu.enqueue_dma source(%dma_start3A_308 : memref<32x1024xf32, #tpu.memory_space<hbm>>) target(%arg6 : memref<32x1024xf32, #tpu.memory_space<vmem>>) target_semaphore(%run_scoped3A_303 : memref<!tpu.dma_semaphore, #tpu.memory_space<semaphore_mem>>)
      %dma_wait3A = arith.constant 0 : i32
      %dma_wait3A_309 = tpu.memref_slice %arg2[%run_scoped3A_81, %add3A_78, %dma_wait3A] : memref<4x8192x1024xf32, #tpu.memory_space<hbm>> -> memref<1x32x1024xf32, #tpu.memory_space<hbm>>
      %dma_wait3A_310 = tpu.memref_squeeze %dma_wait3A_309 : memref<1x32x1024xf32, #tpu.memory_space<hbm>> -> memref<32x1024xf32, #tpu.memory_space<hbm>>
      %dma_wait3A_311 = arith.constant 0 : i32
      %dma_wait3A_312 = tpu.memref_slice %arg2[%run_scoped3A_81, %add3A_78, %dma_wait3A_311] : memref<4x8192x1024xf32, #tpu.memory_space<hbm>> -> memref<1x32x1024xf32, #tpu.memory_space<hbm>>
      %dma_wait3A_313 = tpu.memref_squeeze %dma_wait3A_312 : memref<1x32x1024xf32, #tpu.memory_space<hbm>> -> memref<32x1024xf32, #tpu.memory_space<hbm>>
      tpu.wait_dma2 semaphore(%run_scoped3A_303 : memref<!tpu.dma_semaphore, #tpu.memory_space<semaphore_mem>>) src(%dma_wait3A_313 : memref<32x1024xf32, #tpu.memory_space<hbm>>) dst(%arg6 : memref<32x1024xf32, #tpu.memory_space<vmem>>)
      tpu.yield
    }) : () -> ()
    %scan3A_82 = arith.constant 0 : i32
    %scan3A_83 = arith.constant 0 : i32
    %scan3A_84 = arith.constant 32 : i32
    %scan3A_85 = arith.addi %scan3A_83, %scan3A_84 : i32
    %scan3A_86 = arith.constant 1 : i32
    scf.for %scan3A_303 = %scan3A_83 to %scan3A_85 step %scan3A_86  : i32 {
      %scan3A_304 = arith.constant 0 : i32
      %scan3A_305 = arith.constant 64 : i32
      %scan3A_306 = arith.addi %scan3A_304, %scan3A_305 : i32
      %scan3A_307 = arith.constant 1 : i32
      scf.for %scan3A_309 = %scan3A_304 to %scan3A_306 step %scan3A_307  : i32 {
        %mul3A_310 = arith.constant 16 : i32
        %mul3A_311 = arith.muli %scan3A_309, %mul3A_310 : i32
        %get3A = arith.index_cast %scan3A_303 : i32 to index
        %get3A_312 = arith.index_cast %mul3A_311 : i32 to index
        %get3A_313 = tpu.vector_load %arg5[%get3A, %get3A_312] {strides = array<i32>} : memref<32x1024xf32, #tpu.memory_space<vmem>>, vector<1x16xf32>,
        %get3A_314 = vector.shape_cast %get3A_313 : vector<1x16xf32> to vector<16xf32>
        %swap3A = arith.index_cast %scan3A_303 : i32 to index
        %swap3A_315 = arith.index_cast %mul3A_311 : i32 to index
        %swap3A_316 = tpu.vector_load %arg6[%swap3A, %swap3A_315] {strides = array<i32>} : memref<32x1024xf32, #tpu.memory_space<vmem>>, vector<1x16xf32>,
        %swap3A_317 = vector.shape_cast %swap3A_316 : vector<1x16xf32> to vector<16xf32>
        %swap3A_318 = vector.shape_cast %get3A_314 : vector<16xf32> to vector<1x16xf32>
        tpu.vector_store %arg6[%swap3A, %swap3A_315], %swap3A_318 {add = true, strides = array<i32>} : memref<32x1024xf32, #tpu.memory_space<vmem>>, vector<1x16xf32>,
      }
      %scan3A_308 = arith.constant 64 : i32
    }
    %scan3A_87 = arith.constant 32 : i32
    %run_scoped3A_88 = arith.constant 0 : i32
    "tpu.region"() ({
      %run_scoped3A_303 = tpu.sem_alloc : memref<!tpu.dma_semaphore, #tpu.memory_space<semaphore_mem>>
      %dma_start3A = arith.constant 0 : i32
      %dma_start3A_304 = tpu.memref_slice %arg4[%run_scoped3A_88, %add3A_78, %dma_start3A] : memref<4x8192x1024xf32, #tpu.memory_space<hbm>> -> memref<1x32x1024xf32, #tpu.memory_space<hbm>>
      %dma_start3A_305 = tpu.memref_squeeze %dma_start3A_304 : memref<1x32x1024xf32, #tpu.memory_space<hbm>> -> memref<32x1024xf32, #tpu.memory_space<hbm>>
      %dma_start3A_306 = arith.constant 0 : i32
      %dma_start3A_307 = tpu.memref_slice %arg4[%run_scoped3A_88, %add3A_78, %dma_start3A_306] : memref<4x8192x1024xf32, #tpu.memory_space<hbm>> -> memref<1x32x1024xf32, #tpu.memory_space<hbm>>
      %dma_start3A_308 = tpu.memref_squeeze %dma_start3A_307 : memref<1x32x1024xf32, #tpu.memory_space<hbm>> -> memref<32x1024xf32, #tpu.memory_space<hbm>>
      tpu.enqueue_dma source(%arg6 : memref<32x1024xf32, #tpu.memory_space<vmem>>) target(%dma_start3A_308 : memref<32x1024xf32, #tpu.memory_space<hbm>>) target_semaphore(%run_scoped3A_303 : memref<!tpu.dma_semaphore, #tpu.memory_space<semaphore_mem>>)
      %dma_wait3A = arith.constant 0 : i32
      %dma_wait3A_309 = tpu.memref_slice %arg4[%run_scoped3A_88, %add3A_78, %dma_wait3A] : memref<4x8192x1024xf32, #tpu.memory_space<hbm>> -> memref<1x32x1024xf32, #tpu.memory_space<hbm>>
      %dma_wait3A_310 = tpu.memref_squeeze %dma_wait3A_309 : memref<1x32x1024xf32, #tpu.memory_space<hbm>> -> memref<32x1024xf32, #tpu.memory_space<hbm>>
      %dma_wait3A_311 = arith.constant 0 : i32
      %dma_wait3A_312 = tpu.memref_slice %arg4[%run_scoped3A_88, %add3A_78, %dma_wait3A_311] : memref<4x8192x1024xf32, #tpu.memory_space<hbm>> -> memref<1x32x1024xf32, #tpu.memory_space<hbm>>
      %dma_wait3A_313 = tpu.memref_squeeze %dma_wait3A_312 : memref<1x32x1024xf32, #tpu.memory_space<hbm>> -> memref<32x1024xf32, #tpu.memory_space<hbm>>
      tpu.wait_dma2 semaphore(%run_scoped3A_303 : memref<!tpu.dma_semaphore, #tpu.memory_space<semaphore_mem>>) src(%arg6 : memref<32x1024xf32, #tpu.memory_space<vmem>>) dst(%dma_wait3A_313 : memref<32x1024xf32, #tpu.memory_space<hbm>>)
      tpu.yield
    }) : () -> ()
    %run_scoped3A_89 = arith.constant 1 : i32
    "tpu.region"() ({
      %run_scoped3A_303 = tpu.sem_alloc : memref<!tpu.dma_semaphore, #tpu.memory_space<semaphore_mem>>
      %dma_start3A = arith.constant 0 : i32
      %dma_start3A_304 = tpu.memref_slice %arg2[%run_scoped3A_89, %add3A_78, %dma_start3A] : memref<4x8192x1024xf32, #tpu.memory_space<hbm>> -> memref<1x32x1024xf32, #tpu.memory_space<hbm>>
      %dma_start3A_305 = tpu.memref_squeeze %dma_start3A_304 : memref<1x32x1024xf32, #tpu.memory_space<hbm>> -> memref<32x1024xf32, #tpu.memory_space<hbm>>
      %dma_start3A_306 = arith.constant 0 : i32
      %dma_start3A_307 = tpu.memref_slice %arg2[%run_scoped3A_89, %add3A_78, %dma_start3A_306] : memref<4x8192x1024xf32, #tpu.memory_space<hbm>> -> memref<1x32x1024xf32, #tpu.memory_space<hbm>>
      %dma_start3A_308 = tpu.memref_squeeze %dma_start3A_307 : memref<1x32x1024xf32, #tpu.memory_space<hbm>> -> memref<32x1024xf32, #tpu.memory_space<hbm>>
      tpu.enqueue_dma source(%dma_start3A_308 : memref<32x1024xf32, #tpu.memory_space<hbm>>) target(%arg6 : memref<32x1024xf32, #tpu.memory_space<vmem>>) target_semaphore(%run_scoped3A_303 : memref<!tpu.dma_semaphore, #tpu.memory_space<semaphore_mem>>)
      %dma_wait3A = arith.constant 0 : i32
      %dma_wait3A_309 = tpu.memref_slice %arg2[%run_scoped3A_89, %add3A_78, %dma_wait3A] : memref<4x8192x1024xf32, #tpu.memory_space<hbm>> -> memref<1x32x1024xf32, #tpu.memory_space<hbm>>
      %dma_wait3A_310 = tpu.memref_squeeze %dma_wait3A_309 : memref<1x32x1024xf32, #tpu.memory_space<hbm>> -> memref<32x1024xf32, #tpu.memory_space<hbm>>
      %dma_wait3A_311 = arith.constant 0 : i32
      %dma_wait3A_312 = tpu.memref_slice %arg2[%run_scoped3A_89, %add3A_78, %dma_wait3A_311] : memref<4x8192x1024xf32, #tpu.memory_space<hbm>> -> memref<1x32x1024xf32, #tpu.memory_space<hbm>>
      %dma_wait3A_313 = tpu.memref_squeeze %dma_wait3A_312 : memref<1x32x1024xf32, #tpu.memory_space<hbm>> -> memref<32x1024xf32, #tpu.memory_space<hbm>>
      tpu.wait_dma2 semaphore(%run_scoped3A_303 : memref<!tpu.dma_semaphore, #tpu.memory_space<semaphore_mem>>) src(%dma_wait3A_313 : memref<32x1024xf32, #tpu.memory_space<hbm>>) dst(%arg6 : memref<32x1024xf32, #tpu.memory_space<vmem>>)
      tpu.yield
    }) : () -> ()
    %scan3A_90 = arith.constant 0 : i32
    %scan3A_91 = arith.constant 0 : i32
    %scan3A_92 = arith.constant 32 : i32
    %scan3A_93 = arith.addi %scan3A_91, %scan3A_92 : i32
    %scan3A_94 = arith.constant 1 : i32
    scf.for %scan3A_303 = %scan3A_91 to %scan3A_93 step %scan3A_94  : i32 {
      %scan3A_304 = arith.constant 0 : i32
      %scan3A_305 = arith.constant 64 : i32
      %scan3A_306 = arith.addi %scan3A_304, %scan3A_305 : i32
      %scan3A_307 = arith.constant 1 : i32
      scf.for %scan3A_309 = %scan3A_304 to %scan3A_306 step %scan3A_307  : i32 {
        %mul3A_310 = arith.constant 16 : i32
        %mul3A_311 = arith.muli %scan3A_309, %mul3A_310 : i32
        %get3A = arith.index_cast %scan3A_303 : i32 to index
        %get3A_312 = arith.index_cast %mul3A_311 : i32 to index
        %get3A_313 = tpu.vector_load %arg5[%get3A, %get3A_312] {strides = array<i32>} : memref<32x1024xf32, #tpu.memory_space<vmem>>, vector<1x16xf32>,
        %get3A_314 = vector.shape_cast %get3A_313 : vector<1x16xf32> to vector<16xf32>
        %swap3A = arith.index_cast %scan3A_303 : i32 to index
        %swap3A_315 = arith.index_cast %mul3A_311 : i32 to index
        %swap3A_316 = tpu.vector_load %arg6[%swap3A, %swap3A_315] {strides = array<i32>} : memref<32x1024xf32, #tpu.memory_space<vmem>>, vector<1x16xf32>,
        %swap3A_317 = vector.shape_cast %swap3A_316 : vector<1x16xf32> to vector<16xf32>
        %swap3A_318 = vector.shape_cast %get3A_314 : vector<16xf32> to vector<1x16xf32>
        tpu.vector_store %arg6[%swap3A, %swap3A_315], %swap3A_318 {add = true, strides = array<i32>} : memref<32x1024xf32, #tpu.memory_space<vmem>>, vector<1x16xf32>,
      }
      %scan3A_308 = arith.constant 64 : i32
    }
    %scan3A_95 = arith.constant 32 : i32
    %run_scoped3A_96 = arith.constant 1 : i32
    "tpu.region"() ({
      %run_scoped3A_303 = tpu.sem_alloc : memref<!tpu.dma_semaphore, #tpu.memory_space<semaphore_mem>>
      %dma_start3A = arith.constant 0 : i32
      %dma_start3A_304 = tpu.memref_slice %arg4[%run_scoped3A_96, %add3A_78, %dma_start3A] : memref<4x8192x1024xf32, #tpu.memory_space<hbm>> -> memref<1x32x1024xf32, #tpu.memory_space<hbm>>
      %dma_start3A_305 = tpu.memref_squeeze %dma_start3A_304 : memref<1x32x1024xf32, #tpu.memory_space<hbm>> -> memref<32x1024xf32, #tpu.memory_space<hbm>>
      %dma_start3A_306 = arith.constant 0 : i32
      %dma_start3A_307 = tpu.memref_slice %arg4[%run_scoped3A_96, %add3A_78, %dma_start3A_306] : memref<4x8192x1024xf32, #tpu.memory_space<hbm>> -> memref<1x32x1024xf32, #tpu.memory_space<hbm>>
      %dma_start3A_308 = tpu.memref_squeeze %dma_start3A_307 : memref<1x32x1024xf32, #tpu.memory_space<hbm>> -> memref<32x1024xf32, #tpu.memory_space<hbm>>
      tpu.enqueue_dma source(%arg6 : memref<32x1024xf32, #tpu.memory_space<vmem>>) target(%dma_start3A_308 : memref<32x1024xf32, #tpu.memory_space<hbm>>) target_semaphore(%run_scoped3A_303 : memref<!tpu.dma_semaphore, #tpu.memory_space<semaphore_mem>>)
      %dma_wait3A = arith.constant 0 : i32
      %dma_wait3A_309 = tpu.memref_slice %arg4[%run_scoped3A_96, %add3A_78, %dma_wait3A] : memref<4x8192x1024xf32, #tpu.memory_space<hbm>> -> memref<1x32x1024xf32, #tpu.memory_space<hbm>>
      %dma_wait3A_310 = tpu.memref_squeeze %dma_wait3A_309 : memref<1x32x1024xf32, #tpu.memory_space<hbm>> -> memref<32x1024xf32, #tpu.memory_space<hbm>>
      %dma_wait3A_311 = arith.constant 0 : i32
      %dma_wait3A_312 = tpu.memref_slice %arg4[%run_scoped3A_96, %add3A_78, %dma_wait3A_311] : memref<4x8192x1024xf32, #tpu.memory_space<hbm>> -> memref<1x32x1024xf32, #tpu.memory_space<hbm>>
      %dma_wait3A_313 = tpu.memref_squeeze %dma_wait3A_312 : memref<1x32x1024xf32, #tpu.memory_space<hbm>> -> memref<32x1024xf32, #tpu.memory_space<hbm>>
      tpu.wait_dma2 semaphore(%run_scoped3A_303 : memref<!tpu.dma_semaphore, #tpu.memory_space<semaphore_mem>>) src(%arg6 : memref<32x1024xf32, #tpu.memory_space<vmem>>) dst(%dma_wait3A_313 : memref<32x1024xf32, #tpu.memory_space<hbm>>)
      tpu.yield
    }) : () -> ()
    %run_scoped3A_97 = arith.constant 2 : i32
    "tpu.region"() ({
      %run_scoped3A_303 = tpu.sem_alloc : memref<!tpu.dma_semaphore, #tpu.memory_space<semaphore_mem>>
      %dma_start3A = arith.constant 0 : i32
      %dma_start3A_304 = tpu.memref_slice %arg2[%run_scoped3A_97, %add3A_78, %dma_start3A] : memref<4x8192x1024xf32, #tpu.memory_space<hbm>> -> memref<1x32x1024xf32, #tpu.memory_space<hbm>>
      %dma_start3A_305 = tpu.memref_squeeze %dma_start3A_304 : memref<1x32x1024xf32, #tpu.memory_space<hbm>> -> memref<32x1024xf32, #tpu.memory_space<hbm>>
      %dma_start3A_306 = arith.constant 0 : i32
      %dma_start3A_307 = tpu.memref_slice %arg2[%run_scoped3A_97, %add3A_78, %dma_start3A_306] : memref<4x8192x1024xf32, #tpu.memory_space<hbm>> -> memref<1x32x1024xf32, #tpu.memory_space<hbm>>
      %dma_start3A_308 = tpu.memref_squeeze %dma_start3A_307 : memref<1x32x1024xf32, #tpu.memory_space<hbm>> -> memref<32x1024xf32, #tpu.memory_space<hbm>>
      tpu.enqueue_dma source(%dma_start3A_308 : memref<32x1024xf32, #tpu.memory_space<hbm>>) target(%arg6 : memref<32x1024xf32, #tpu.memory_space<vmem>>) target_semaphore(%run_scoped3A_303 : memref<!tpu.dma_semaphore, #tpu.memory_space<semaphore_mem>>)
      %dma_wait3A = arith.constant 0 : i32
      %dma_wait3A_309 = tpu.memref_slice %arg2[%run_scoped3A_97, %add3A_78, %dma_wait3A] : memref<4x8192x1024xf32, #tpu.memory_space<hbm>> -> memref<1x32x1024xf32, #tpu.memory_space<hbm>>
      %dma_wait3A_310 = tpu.memref_squeeze %dma_wait3A_309 : memref<1x32x1024xf32, #tpu.memory_space<hbm>> -> memref<32x1024xf32, #tpu.memory_space<hbm>>
      %dma_wait3A_311 = arith.constant 0 : i32
      %dma_wait3A_312 = tpu.memref_slice %arg2[%run_scoped3A_97, %add3A_78, %dma_wait3A_311] : memref<4x8192x1024xf32, #tpu.memory_space<hbm>> -> memref<1x32x1024xf32, #tpu.memory_space<hbm>>
      %dma_wait3A_313 = tpu.memref_squeeze %dma_wait3A_312 : memref<1x32x1024xf32, #tpu.memory_space<hbm>> -> memref<32x1024xf32, #tpu.memory_space<hbm>>
      tpu.wait_dma2 semaphore(%run_scoped3A_303 : memref<!tpu.dma_semaphore, #tpu.memory_space<semaphore_mem>>) src(%dma_wait3A_313 : memref<32x1024xf32, #tpu.memory_space<hbm>>) dst(%arg6 : memref<32x1024xf32, #tpu.memory_space<vmem>>)
      tpu.yield
    }) : () -> ()
    %scan3A_98 = arith.constant 0 : i32
    %scan3A_99 = arith.constant 0 : i32
    %scan3A_100 = arith.constant 32 : i32
    %scan3A_101 = arith.addi %scan3A_99, %scan3A_100 : i32
    %scan3A_102 = arith.constant 1 : i32
    scf.for %scan3A_303 = %scan3A_99 to %scan3A_101 step %scan3A_102  : i32 {
      %scan3A_304 = arith.constant 0 : i32
      %scan3A_305 = arith.constant 64 : i32
      %scan3A_306 = arith.addi %scan3A_304, %scan3A_305 : i32
      %scan3A_307 = arith.constant 1 : i32
      scf.for %scan3A_309 = %scan3A_304 to %scan3A_306 step %scan3A_307  : i32 {
        %mul3A_310 = arith.constant 16 : i32
        %mul3A_311 = arith.muli %scan3A_309, %mul3A_310 : i32
        %get3A = arith.index_cast %scan3A_303 : i32 to index
        %get3A_312 = arith.index_cast %mul3A_311 : i32 to index
        %get3A_313 = tpu.vector_load %arg5[%get3A, %get3A_312] {strides = array<i32>} : memref<32x1024xf32, #tpu.memory_space<vmem>>, vector<1x16xf32>,
        %get3A_314 = vector.shape_cast %get3A_313 : vector<1x16xf32> to vector<16xf32>
        %swap3A = arith.index_cast %scan3A_303 : i32 to index
        %swap3A_315 = arith.index_cast %mul3A_311 : i32 to index
        %swap3A_316 = tpu.vector_load %arg6[%swap3A, %swap3A_315] {strides = array<i32>} : memref<32x1024xf32, #tpu.memory_space<vmem>>, vector<1x16xf32>,
        %swap3A_317 = vector.shape_cast %swap3A_316 : vector<1x16xf32> to vector<16xf32>
        %swap3A_318 = vector.shape_cast %get3A_314 : vector<16xf32> to vector<1x16xf32>
        tpu.vector_store %arg6[%swap3A, %swap3A_315], %swap3A_318 {add = true, strides = array<i32>} : memref<32x1024xf32, #tpu.memory_space<vmem>>, vector<1x16xf32>,
      }
      %scan3A_308 = arith.constant 64 : i32
    }
    %scan3A_103 = arith.constant 32 : i32
    %run_scoped3A_104 = arith.constant 2 : i32
    "tpu.region"() ({
      %run_scoped3A_303 = tpu.sem_alloc : memref<!tpu.dma_semaphore, #tpu.memory_space<semaphore_mem>>
      %dma_start3A = arith.constant 0 : i32
      %dma_start3A_304 = tpu.memref_slice %arg4[%run_scoped3A_104, %add3A_78, %dma_start3A] : memref<4x8192x1024xf32, #tpu.memory_space<hbm>> -> memref<1x32x1024xf32, #tpu.memory_space<hbm>>
      %dma_start3A_305 = tpu.memref_squeeze %dma_start3A_304 : memref<1x32x1024xf32, #tpu.memory_space<hbm>> -> memref<32x1024xf32, #tpu.memory_space<hbm>>
      %dma_start3A_306 = arith.constant 0 : i32
      %dma_start3A_307 = tpu.memref_slice %arg4[%run_scoped3A_104, %add3A_78, %dma_start3A_306] : memref<4x8192x1024xf32, #tpu.memory_space<hbm>> -> memref<1x32x1024xf32, #tpu.memory_space<hbm>>
      %dma_start3A_308 = tpu.memref_squeeze %dma_start3A_307 : memref<1x32x1024xf32, #tpu.memory_space<hbm>> -> memref<32x1024xf32, #tpu.memory_space<hbm>>
      tpu.enqueue_dma source(%arg6 : memref<32x1024xf32, #tpu.memory_space<vmem>>) target(%dma_start3A_308 : memref<32x1024xf32, #tpu.memory_space<hbm>>) target_semaphore(%run_scoped3A_303 : memref<!tpu.dma_semaphore, #tpu.memory_space<semaphore_mem>>)
      %dma_wait3A = arith.constant 0 : i32
      %dma_wait3A_309 = tpu.memref_slice %arg4[%run_scoped3A_104, %add3A_78, %dma_wait3A] : memref<4x8192x1024xf32, #tpu.memory_space<hbm>> -> memref<1x32x1024xf32, #tpu.memory_space<hbm>>
      %dma_wait3A_310 = tpu.memref_squeeze %dma_wait3A_309 : memref<1x32x1024xf32, #tpu.memory_space<hbm>> -> memref<32x1024xf32, #tpu.memory_space<hbm>>
      %dma_wait3A_311 = arith.constant 0 : i32
      %dma_wait3A_312 = tpu.memref_slice %arg4[%run_scoped3A_104, %add3A_78, %dma_wait3A_311] : memref<4x8192x1024xf32, #tpu.memory_space<hbm>> -> memref<1x32x1024xf32, #tpu.memory_space<hbm>>
      %dma_wait3A_313 = tpu.memref_squeeze %dma_wait3A_312 : memref<1x32x1024xf32, #tpu.memory_space<hbm>> -> memref<32x1024xf32, #tpu.memory_space<hbm>>
      tpu.wait_dma2 semaphore(%run_scoped3A_303 : memref<!tpu.dma_semaphore, #tpu.memory_space<semaphore_mem>>) src(%arg6 : memref<32x1024xf32, #tpu.memory_space<vmem>>) dst(%dma_wait3A_313 : memref<32x1024xf32, #tpu.memory_space<hbm>>)
      tpu.yield
    }) : () -> ()
    %run_scoped3A_105 = arith.constant 3 : i32
    "tpu.region"() ({
      %run_scoped3A_303 = tpu.sem_alloc : memref<!tpu.dma_semaphore, #tpu.memory_space<semaphore_mem>>
      %dma_start3A = arith.constant 0 : i32
      %dma_start3A_304 = tpu.memref_slice %arg2[%run_scoped3A_105, %add3A_78, %dma_start3A] : memref<4x8192x1024xf32, #tpu.memory_space<hbm>> -> memref<1x32x1024xf32, #tpu.memory_space<hbm>>
      %dma_start3A_305 = tpu.memref_squeeze %dma_start3A_304 : memref<1x32x1024xf32, #tpu.memory_space<hbm>> -> memref<32x1024xf32, #tpu.memory_space<hbm>>
      %dma_start3A_306 = arith.constant 0 : i32
      %dma_start3A_307 = tpu.memref_slice %arg2[%run_scoped3A_105, %add3A_78, %dma_start3A_306] : memref<4x8192x1024xf32, #tpu.memory_space<hbm>> -> memref<1x32x1024xf32, #tpu.memory_space<hbm>>
      %dma_start3A_308 = tpu.memref_squeeze %dma_start3A_307 : memref<1x32x1024xf32, #tpu.memory_space<hbm>> -> memref<32x1024xf32, #tpu.memory_space<hbm>>
      tpu.enqueue_dma source(%dma_start3A_308 : memref<32x1024xf32, #tpu.memory_space<hbm>>) target(%arg6 : memref<32x1024xf32, #tpu.memory_space<vmem>>) target_semaphore(%run_scoped3A_303 : memref<!tpu.dma_semaphore, #tpu.memory_space<semaphore_mem>>)
      %dma_wait3A = arith.constant 0 : i32
      %dma_wait3A_309 = tpu.memref_slice %arg2[%run_scoped3A_105, %add3A_78, %dma_wait3A] : memref<4x8192x1024xf32, #tpu.memory_space<hbm>> -> memref<1x32x1024xf32, #tpu.memory_space<hbm>>
      %dma_wait3A_310 = tpu.memref_squeeze %dma_wait3A_309 : memref<1x32x1024xf32, #tpu.memory_space<hbm>> -> memref<32x1024xf32, #tpu.memory_space<hbm>>
      %dma_wait3A_311 = arith.constant 0 : i32
      %dma_wait3A_312 = tpu.memref_slice %arg2[%run_scoped3A_105, %add3A_78, %dma_wait3A_311] : memref<4x8192x1024xf32, #tpu.memory_space<hbm>> -> memref<1x32x1024xf32, #tpu.memory_space<hbm>>
      %dma_wait3A_313 = tpu.memref_squeeze %dma_wait3A_312 : memref<1x32x1024xf32, #tpu.memory_space<hbm>> -> memref<32x1024xf32, #tpu.memory_space<hbm>>
      tpu.wait_dma2 semaphore(%run_scoped3A_303 : memref<!tpu.dma_semaphore, #tpu.memory_space<semaphore_mem>>) src(%dma_wait3A_313 : memref<32x1024xf32, #tpu.memory_space<hbm>>) dst(%arg6 : memref<32x1024xf32, #tpu.memory_space<vmem>>)
      tpu.yield
    }) : () -> ()
    %scan3A_106 = arith.constant 0 : i32
    %scan3A_107 = arith.constant 0 : i32
    %scan3A_108 = arith.constant 32 : i32
    %scan3A_109 = arith.addi %scan3A_107, %scan3A_108 : i32
    %scan3A_110 = arith.constant 1 : i32
    scf.for %scan3A_303 = %scan3A_107 to %scan3A_109 step %scan3A_110  : i32 {
      %scan3A_304 = arith.constant 0 : i32
      %scan3A_305 = arith.constant 64 : i32
      %scan3A_306 = arith.addi %scan3A_304, %scan3A_305 : i32
      %scan3A_307 = arith.constant 1 : i32
      scf.for %scan3A_309 = %scan3A_304 to %scan3A_306 step %scan3A_307  : i32 {
        %mul3A_310 = arith.constant 16 : i32
        %mul3A_311 = arith.muli %scan3A_309, %mul3A_310 : i32
        %get3A = arith.index_cast %scan3A_303 : i32 to index
        %get3A_312 = arith.index_cast %mul3A_311 : i32 to index
        %get3A_313 = tpu.vector_load %arg5[%get3A, %get3A_312] {strides = array<i32>} : memref<32x1024xf32, #tpu.memory_space<vmem>>, vector<1x16xf32>,
        %get3A_314 = vector.shape_cast %get3A_313 : vector<1x16xf32> to vector<16xf32>
        %swap3A = arith.index_cast %scan3A_303 : i32 to index
        %swap3A_315 = arith.index_cast %mul3A_311 : i32 to index
        %swap3A_316 = tpu.vector_load %arg6[%swap3A, %swap3A_315] {strides = array<i32>} : memref<32x1024xf32, #tpu.memory_space<vmem>>, vector<1x16xf32>,
        %swap3A_317 = vector.shape_cast %swap3A_316 : vector<1x16xf32> to vector<16xf32>
        %swap3A_318 = vector.shape_cast %get3A_314 : vector<16xf32> to vector<1x16xf32>
        tpu.vector_store %arg6[%swap3A, %swap3A_315], %swap3A_318 {add = true, strides = array<i32>} : memref<32x1024xf32, #tpu.memory_space<vmem>>, vector<1x16xf32>,
      }
      %scan3A_308 = arith.constant 64 : i32
    }
    %scan3A_111 = arith.constant 32 : i32
    %run_scoped3A_112 = arith.constant 3 : i32
    "tpu.region"() ({
      %run_scoped3A_303 = tpu.sem_alloc : memref<!tpu.dma_semaphore, #tpu.memory_space<semaphore_mem>>
      %dma_start3A = arith.constant 0 : i32
      %dma_start3A_304 = tpu.memref_slice %arg4[%run_scoped3A_112, %add3A_78, %dma_start3A] : memref<4x8192x1024xf32, #tpu.memory_space<hbm>> -> memref<1x32x1024xf32, #tpu.memory_space<hbm>>
      %dma_start3A_305 = tpu.memref_squeeze %dma_start3A_304 : memref<1x32x1024xf32, #tpu.memory_space<hbm>> -> memref<32x1024xf32, #tpu.memory_space<hbm>>
      %dma_start3A_306 = arith.constant 0 : i32
      %dma_start3A_307 = tpu.memref_slice %arg4[%run_scoped3A_112, %add3A_78, %dma_start3A_306] : memref<4x8192x1024xf32, #tpu.memory_space<hbm>> -> memref<1x32x1024xf32, #tpu.memory_space<hbm>>
      %dma_start3A_308 = tpu.memref_squeeze %dma_start3A_307 : memref<1x32x1024xf32, #tpu.memory_space<hbm>> -> memref<32x1024xf32, #tpu.memory_space<hbm>>
      tpu.enqueue_dma source(%arg6 : memref<32x1024xf32, #tpu.memory_space<vmem>>) target(%dma_start3A_308 : memref<32x1024xf32, #tpu.memory_space<hbm>>) target_semaphore(%run_scoped3A_303 : memref<!tpu.dma_semaphore, #tpu.memory_space<semaphore_mem>>)
      %dma_wait3A = arith.constant 0 : i32
      %dma_wait3A_309 = tpu.memref_slice %arg4[%run_scoped3A_112, %add3A_78, %dma_wait3A] : memref<4x8192x1024xf32, #tpu.memory_space<hbm>> -> memref<1x32x1024xf32, #tpu.memory_space<hbm>>
      %dma_wait3A_310 = tpu.memref_squeeze %dma_wait3A_309 : memref<1x32x1024xf32, #tpu.memory_space<hbm>> -> memref<32x1024xf32, #tpu.memory_space<hbm>>
      %dma_wait3A_311 = arith.constant 0 : i32
      %dma_wait3A_312 = tpu.memref_slice %arg4[%run_scoped3A_112, %add3A_78, %dma_wait3A_311] : memref<4x8192x1024xf32, #tpu.memory_space<hbm>> -> memref<1x32x1024xf32, #tpu.memory_space<hbm>>
      %dma_wait3A_313 = tpu.memref_squeeze %dma_wait3A_312 : memref<1x32x1024xf32, #tpu.memory_space<hbm>> -> memref<32x1024xf32, #tpu.memory_space<hbm>>
      tpu.wait_dma2 semaphore(%run_scoped3A_303 : memref<!tpu.dma_semaphore, #tpu.memory_space<semaphore_mem>>) src(%arg6 : memref<32x1024xf32, #tpu.memory_space<vmem>>) dst(%dma_wait3A_313 : memref<32x1024xf32, #tpu.memory_space<hbm>>)
      tpu.yield
    }) : () -> ()
    %mul3A_113 = arith.constant 256 : i32
    %mul3A_114 = arith.muli %add3A, %mul3A_113 : i32
    %add3A_115 = arith.constant 96 : i32
    %add3A_116 = arith.addi %mul3A_114, %add3A_115 : i32
    %add3A_117 = arith.constant 8192 : i32
    %add3A_118 = arith.addi %add3A_117, %add3A_116 : i32
    "tpu.region"() ({
      %run_scoped3A_303 = tpu.sem_alloc : memref<!tpu.dma_semaphore, #tpu.memory_space<semaphore_mem>>
      %dma_start3A = arith.constant 0 : i32
      %dma_start3A_304 = tpu.memref_slice %arg3[%add3A_118, %dma_start3A] : memref<16384x1024xf32, #tpu.memory_space<hbm>> -> memref<32x1024xf32, #tpu.memory_space<hbm>>
      %dma_start3A_305 = arith.constant 0 : i32
      %dma_start3A_306 = tpu.memref_slice %arg3[%add3A_118, %dma_start3A_305] : memref<16384x1024xf32, #tpu.memory_space<hbm>> -> memref<32x1024xf32, #tpu.memory_space<hbm>>
      tpu.enqueue_dma source(%dma_start3A_306 : memref<32x1024xf32, #tpu.memory_space<hbm>>) target(%arg5 : memref<32x1024xf32, #tpu.memory_space<vmem>>) target_semaphore(%run_scoped3A_303 : memref<!tpu.dma_semaphore, #tpu.memory_space<semaphore_mem>>)
      %dma_wait3A = arith.constant 0 : i32
      %dma_wait3A_307 = tpu.memref_slice %arg3[%add3A_118, %dma_wait3A] : memref<16384x1024xf32, #tpu.memory_space<hbm>> -> memref<32x1024xf32, #tpu.memory_space<hbm>>
      %dma_wait3A_308 = arith.constant 0 : i32
      %dma_wait3A_309 = tpu.memref_slice %arg3[%add3A_118, %dma_wait3A_308] : memref<16384x1024xf32, #tpu.memory_space<hbm>> -> memref<32x1024xf32, #tpu.memory_space<hbm>>
      tpu.wait_dma2 semaphore(%run_scoped3A_303 : memref<!tpu.dma_semaphore, #tpu.memory_space<semaphore_mem>>) src(%dma_wait3A_309 : memref<32x1024xf32, #tpu.memory_space<hbm>>) dst(%arg5 : memref<32x1024xf32, #tpu.memory_space<vmem>>)
      tpu.yield
    }) : () -> ()
    %run_scoped3A_119 = arith.constant 0 : i32
    "tpu.region"() ({
      %run_scoped3A_303 = tpu.sem_alloc : memref<!tpu.dma_semaphore, #tpu.memory_space<semaphore_mem>>
      %dma_start3A = arith.constant 0 : i32
      %dma_start3A_304 = tpu.memref_slice %arg2[%run_scoped3A_119, %add3A_116, %dma_start3A] : memref<4x8192x1024xf32, #tpu.memory_space<hbm>> -> memref<1x32x1024xf32, #tpu.memory_space<hbm>>
      %dma_start3A_305 = tpu.memref_squeeze %dma_start3A_304 : memref<1x32x1024xf32, #tpu.memory_space<hbm>> -> memref<32x1024xf32, #tpu.memory_space<hbm>>
      %dma_start3A_306 = arith.constant 0 : i32
      %dma_start3A_307 = tpu.memref_slice %arg2[%run_scoped3A_119, %add3A_116, %dma_start3A_306] : memref<4x8192x1024xf32, #tpu.memory_space<hbm>> -> memref<1x32x1024xf32, #tpu.memory_space<hbm>>
      %dma_start3A_308 = tpu.memref_squeeze %dma_start3A_307 : memref<1x32x1024xf32, #tpu.memory_space<hbm>> -> memref<32x1024xf32, #tpu.memory_space<hbm>>
      tpu.enqueue_dma source(%dma_start3A_308 : memref<32x1024xf32, #tpu.memory_space<hbm>>) target(%arg6 : memref<32x1024xf32, #tpu.memory_space<vmem>>) target_semaphore(%run_scoped3A_303 : memref<!tpu.dma_semaphore, #tpu.memory_space<semaphore_mem>>)
      %dma_wait3A = arith.constant 0 : i32
      %dma_wait3A_309 = tpu.memref_slice %arg2[%run_scoped3A_119, %add3A_116, %dma_wait3A] : memref<4x8192x1024xf32, #tpu.memory_space<hbm>> -> memref<1x32x1024xf32, #tpu.memory_space<hbm>>
      %dma_wait3A_310 = tpu.memref_squeeze %dma_wait3A_309 : memref<1x32x1024xf32, #tpu.memory_space<hbm>> -> memref<32x1024xf32, #tpu.memory_space<hbm>>
      %dma_wait3A_311 = arith.constant 0 : i32
      %dma_wait3A_312 = tpu.memref_slice %arg2[%run_scoped3A_119, %add3A_116, %dma_wait3A_311] : memref<4x8192x1024xf32, #tpu.memory_space<hbm>> -> memref<1x32x1024xf32, #tpu.memory_space<hbm>>
      %dma_wait3A_313 = tpu.memref_squeeze %dma_wait3A_312 : memref<1x32x1024xf32, #tpu.memory_space<hbm>> -> memref<32x1024xf32, #tpu.memory_space<hbm>>
      tpu.wait_dma2 semaphore(%run_scoped3A_303 : memref<!tpu.dma_semaphore, #tpu.memory_space<semaphore_mem>>) src(%dma_wait3A_313 : memref<32x1024xf32, #tpu.memory_space<hbm>>) dst(%arg6 : memref<32x1024xf32, #tpu.memory_space<vmem>>)
      tpu.yield
    }) : () -> ()
    %scan3A_120 = arith.constant 0 : i32
    %scan3A_121 = arith.constant 0 : i32
    %scan3A_122 = arith.constant 32 : i32
    %scan3A_123 = arith.addi %scan3A_121, %scan3A_122 : i32
    %scan3A_124 = arith.constant 1 : i32
    scf.for %scan3A_303 = %scan3A_121 to %scan3A_123 step %scan3A_124  : i32 {
      %scan3A_304 = arith.constant 0 : i32
      %scan3A_305 = arith.constant 64 : i32
      %scan3A_306 = arith.addi %scan3A_304, %scan3A_305 : i32
      %scan3A_307 = arith.constant 1 : i32
      scf.for %scan3A_309 = %scan3A_304 to %scan3A_306 step %scan3A_307  : i32 {
        %mul3A_310 = arith.constant 16 : i32
        %mul3A_311 = arith.muli %scan3A_309, %mul3A_310 : i32
        %get3A = arith.index_cast %scan3A_303 : i32 to index
        %get3A_312 = arith.index_cast %mul3A_311 : i32 to index
        %get3A_313 = tpu.vector_load %arg5[%get3A, %get3A_312] {strides = array<i32>} : memref<32x1024xf32, #tpu.memory_space<vmem>>, vector<1x16xf32>,
        %get3A_314 = vector.shape_cast %get3A_313 : vector<1x16xf32> to vector<16xf32>
        %swap3A = arith.index_cast %scan3A_303 : i32 to index
        %swap3A_315 = arith.index_cast %mul3A_311 : i32 to index
        %swap3A_316 = tpu.vector_load %arg6[%swap3A, %swap3A_315] {strides = array<i32>} : memref<32x1024xf32, #tpu.memory_space<vmem>>, vector<1x16xf32>,
        %swap3A_317 = vector.shape_cast %swap3A_316 : vector<1x16xf32> to vector<16xf32>
        %swap3A_318 = vector.shape_cast %get3A_314 : vector<16xf32> to vector<1x16xf32>
        tpu.vector_store %arg6[%swap3A, %swap3A_315], %swap3A_318 {add = true, strides = array<i32>} : memref<32x1024xf32, #tpu.memory_space<vmem>>, vector<1x16xf32>,
      }
      %scan3A_308 = arith.constant 64 : i32
    }
    %scan3A_125 = arith.constant 32 : i32
    %run_scoped3A_126 = arith.constant 0 : i32
    "tpu.region"() ({
      %run_scoped3A_303 = tpu.sem_alloc : memref<!tpu.dma_semaphore, #tpu.memory_space<semaphore_mem>>
      %dma_start3A = arith.constant 0 : i32
      %dma_start3A_304 = tpu.memref_slice %arg4[%run_scoped3A_126, %add3A_116, %dma_start3A] : memref<4x8192x1024xf32, #tpu.memory_space<hbm>> -> memref<1x32x1024xf32, #tpu.memory_space<hbm>>
      %dma_start3A_305 = tpu.memref_squeeze %dma_start3A_304 : memref<1x32x1024xf32, #tpu.memory_space<hbm>> -> memref<32x1024xf32, #tpu.memory_space<hbm>>
      %dma_start3A_306 = arith.constant 0 : i32
      %dma_start3A_307 = tpu.memref_slice %arg4[%run_scoped3A_126, %add3A_116, %dma_start3A_306] : memref<4x8192x1024xf32, #tpu.memory_space<hbm>> -> memref<1x32x1024xf32, #tpu.memory_space<hbm>>
      %dma_start3A_308 = tpu.memref_squeeze %dma_start3A_307 : memref<1x32x1024xf32, #tpu.memory_space<hbm>> -> memref<32x1024xf32, #tpu.memory_space<hbm>>
      tpu.enqueue_dma source(%arg6 : memref<32x1024xf32, #tpu.memory_space<vmem>>) target(%dma_start3A_308 : memref<32x1024xf32, #tpu.memory_space<hbm>>) target_semaphore(%run_scoped3A_303 : memref<!tpu.dma_semaphore, #tpu.memory_space<semaphore_mem>>)
      %dma_wait3A = arith.constant 0 : i32
      %dma_wait3A_309 = tpu.memref_slice %arg4[%run_scoped3A_126, %add3A_116, %dma_wait3A] : memref<4x8192x1024xf32, #tpu.memory_space<hbm>> -> memref<1x32x1024xf32, #tpu.memory_space<hbm>>
      %dma_wait3A_310 = tpu.memref_squeeze %dma_wait3A_309 : memref<1x32x1024xf32, #tpu.memory_space<hbm>> -> memref<32x1024xf32, #tpu.memory_space<hbm>>
      %dma_wait3A_311 = arith.constant 0 : i32
      %dma_wait3A_312 = tpu.memref_slice %arg4[%run_scoped3A_126, %add3A_116, %dma_wait3A_311] : memref<4x8192x1024xf32, #tpu.memory_space<hbm>> -> memref<1x32x1024xf32, #tpu.memory_space<hbm>>
      %dma_wait3A_313 = tpu.memref_squeeze %dma_wait3A_312 : memref<1x32x1024xf32, #tpu.memory_space<hbm>> -> memref<32x1024xf32, #tpu.memory_space<hbm>>
      tpu.wait_dma2 semaphore(%run_scoped3A_303 : memref<!tpu.dma_semaphore, #tpu.memory_space<semaphore_mem>>) src(%arg6 : memref<32x1024xf32, #tpu.memory_space<vmem>>) dst(%dma_wait3A_313 : memref<32x1024xf32, #tpu.memory_space<hbm>>)
      tpu.yield
    }) : () -> ()
    %run_scoped3A_127 = arith.constant 1 : i32
    "tpu.region"() ({
      %run_scoped3A_303 = tpu.sem_alloc : memref<!tpu.dma_semaphore, #tpu.memory_space<semaphore_mem>>
      %dma_start3A = arith.constant 0 : i32
      %dma_start3A_304 = tpu.memref_slice %arg2[%run_scoped3A_127, %add3A_116, %dma_start3A] : memref<4x8192x1024xf32, #tpu.memory_space<hbm>> -> memref<1x32x1024xf32, #tpu.memory_space<hbm>>
      %dma_start3A_305 = tpu.memref_squeeze %dma_start3A_304 : memref<1x32x1024xf32, #tpu.memory_space<hbm>> -> memref<32x1024xf32, #tpu.memory_space<hbm>>
      %dma_start3A_306 = arith.constant 0 : i32
      %dma_start3A_307 = tpu.memref_slice %arg2[%run_scoped3A_127, %add3A_116, %dma_start3A_306] : memref<4x8192x1024xf32, #tpu.memory_space<hbm>> -> memref<1x32x1024xf32, #tpu.memory_space<hbm>>
      %dma_start3A_308 = tpu.memref_squeeze %dma_start3A_307 : memref<1x32x1024xf32, #tpu.memory_space<hbm>> -> memref<32x1024xf32, #tpu.memory_space<hbm>>
      tpu.enqueue_dma source(%dma_start3A_308 : memref<32x1024xf32, #tpu.memory_space<hbm>>) target(%arg6 : memref<32x1024xf32, #tpu.memory_space<vmem>>) target_semaphore(%run_scoped3A_303 : memref<!tpu.dma_semaphore, #tpu.memory_space<semaphore_mem>>)
      %dma_wait3A = arith.constant 0 : i32
      %dma_wait3A_309 = tpu.memref_slice %arg2[%run_scoped3A_127, %add3A_116, %dma_wait3A] : memref<4x8192x1024xf32, #tpu.memory_space<hbm>> -> memref<1x32x1024xf32, #tpu.memory_space<hbm>>
      %dma_wait3A_310 = tpu.memref_squeeze %dma_wait3A_309 : memref<1x32x1024xf32, #tpu.memory_space<hbm>> -> memref<32x1024xf32, #tpu.memory_space<hbm>>
      %dma_wait3A_311 = arith.constant 0 : i32
      %dma_wait3A_312 = tpu.memref_slice %arg2[%run_scoped3A_127, %add3A_116, %dma_wait3A_311] : memref<4x8192x1024xf32, #tpu.memory_space<hbm>> -> memref<1x32x1024xf32, #tpu.memory_space<hbm>>
      %dma_wait3A_313 = tpu.memref_squeeze %dma_wait3A_312 : memref<1x32x1024xf32, #tpu.memory_space<hbm>> -> memref<32x1024xf32, #tpu.memory_space<hbm>>
      tpu.wait_dma2 semaphore(%run_scoped3A_303 : memref<!tpu.dma_semaphore, #tpu.memory_space<semaphore_mem>>) src(%dma_wait3A_313 : memref<32x1024xf32, #tpu.memory_space<hbm>>) dst(%arg6 : memref<32x1024xf32, #tpu.memory_space<vmem>>)
      tpu.yield
    }) : () -> ()
    %scan3A_128 = arith.constant 0 : i32
    %scan3A_129 = arith.constant 0 : i32
    %scan3A_130 = arith.constant 32 : i32
    %scan3A_131 = arith.addi %scan3A_129, %scan3A_130 : i32
    %scan3A_132 = arith.constant 1 : i32
    scf.for %scan3A_303 = %scan3A_129 to %scan3A_131 step %scan3A_132  : i32 {
      %scan3A_304 = arith.constant 0 : i32
      %scan3A_305 = arith.constant 64 : i32
      %scan3A_306 = arith.addi %scan3A_304, %scan3A_305 : i32
      %scan3A_307 = arith.constant 1 : i32
      scf.for %scan3A_309 = %scan3A_304 to %scan3A_306 step %scan3A_307  : i32 {
        %mul3A_310 = arith.constant 16 : i32
        %mul3A_311 = arith.muli %scan3A_309, %mul3A_310 : i32
        %get3A = arith.index_cast %scan3A_303 : i32 to index
        %get3A_312 = arith.index_cast %mul3A_311 : i32 to index
        %get3A_313 = tpu.vector_load %arg5[%get3A, %get3A_312] {strides = array<i32>} : memref<32x1024xf32, #tpu.memory_space<vmem>>, vector<1x16xf32>,
        %get3A_314 = vector.shape_cast %get3A_313 : vector<1x16xf32> to vector<16xf32>
        %swap3A = arith.index_cast %scan3A_303 : i32 to index
        %swap3A_315 = arith.index_cast %mul3A_311 : i32 to index
        %swap3A_316 = tpu.vector_load %arg6[%swap3A, %swap3A_315] {strides = array<i32>} : memref<32x1024xf32, #tpu.memory_space<vmem>>, vector<1x16xf32>,
        %swap3A_317 = vector.shape_cast %swap3A_316 : vector<1x16xf32> to vector<16xf32>
        %swap3A_318 = vector.shape_cast %get3A_314 : vector<16xf32> to vector<1x16xf32>
        tpu.vector_store %arg6[%swap3A, %swap3A_315], %swap3A_318 {add = true, strides = array<i32>} : memref<32x1024xf32, #tpu.memory_space<vmem>>, vector<1x16xf32>,
      }
      %scan3A_308 = arith.constant 64 : i32
    }
    %scan3A_133 = arith.constant 32 : i32
    %run_scoped3A_134 = arith.constant 1 : i32
    "tpu.region"() ({
      %run_scoped3A_303 = tpu.sem_alloc : memref<!tpu.dma_semaphore, #tpu.memory_space<semaphore_mem>>
      %dma_start3A = arith.constant 0 : i32
      %dma_start3A_304 = tpu.memref_slice %arg4[%run_scoped3A_134, %add3A_116, %dma_start3A] : memref<4x8192x1024xf32, #tpu.memory_space<hbm>> -> memref<1x32x1024xf32, #tpu.memory_space<hbm>>
      %dma_start3A_305 = tpu.memref_squeeze %dma_start3A_304 : memref<1x32x1024xf32, #tpu.memory_space<hbm>> -> memref<32x1024xf32, #tpu.memory_space<hbm>>
      %dma_start3A_306 = arith.constant 0 : i32
      %dma_start3A_307 = tpu.memref_slice %arg4[%run_scoped3A_134, %add3A_116, %dma_start3A_306] : memref<4x8192x1024xf32, #tpu.memory_space<hbm>> -> memref<1x32x1024xf32, #tpu.memory_space<hbm>>
      %dma_start3A_308 = tpu.memref_squeeze %dma_start3A_307 : memref<1x32x1024xf32, #tpu.memory_space<hbm>> -> memref<32x1024xf32, #tpu.memory_space<hbm>>
      tpu.enqueue_dma source(%arg6 : memref<32x1024xf32, #tpu.memory_space<vmem>>) target(%dma_start3A_308 : memref<32x1024xf32, #tpu.memory_space<hbm>>) target_semaphore(%run_scoped3A_303 : memref<!tpu.dma_semaphore, #tpu.memory_space<semaphore_mem>>)
      %dma_wait3A = arith.constant 0 : i32
      %dma_wait3A_309 = tpu.memref_slice %arg4[%run_scoped3A_134, %add3A_116, %dma_wait3A] : memref<4x8192x1024xf32, #tpu.memory_space<hbm>> -> memref<1x32x1024xf32, #tpu.memory_space<hbm>>
      %dma_wait3A_310 = tpu.memref_squeeze %dma_wait3A_309 : memref<1x32x1024xf32, #tpu.memory_space<hbm>> -> memref<32x1024xf32, #tpu.memory_space<hbm>>
      %dma_wait3A_311 = arith.constant 0 : i32
      %dma_wait3A_312 = tpu.memref_slice %arg4[%run_scoped3A_134, %add3A_116, %dma_wait3A_311] : memref<4x8192x1024xf32, #tpu.memory_space<hbm>> -> memref<1x32x1024xf32, #tpu.memory_space<hbm>>
      %dma_wait3A_313 = tpu.memref_squeeze %dma_wait3A_312 : memref<1x32x1024xf32, #tpu.memory_space<hbm>> -> memref<32x1024xf32, #tpu.memory_space<hbm>>
      tpu.wait_dma2 semaphore(%run_scoped3A_303 : memref<!tpu.dma_semaphore, #tpu.memory_space<semaphore_mem>>) src(%arg6 : memref<32x1024xf32, #tpu.memory_space<vmem>>) dst(%dma_wait3A_313 : memref<32x1024xf32, #tpu.memory_space<hbm>>)
      tpu.yield
    }) : () -> ()
    %run_scoped3A_135 = arith.constant 2 : i32
    "tpu.region"() ({
      %run_scoped3A_303 = tpu.sem_alloc : memref<!tpu.dma_semaphore, #tpu.memory_space<semaphore_mem>>
      %dma_start3A = arith.constant 0 : i32
      %dma_start3A_304 = tpu.memref_slice %arg2[%run_scoped3A_135, %add3A_116, %dma_start3A] : memref<4x8192x1024xf32, #tpu.memory_space<hbm>> -> memref<1x32x1024xf32, #tpu.memory_space<hbm>>
      %dma_start3A_305 = tpu.memref_squeeze %dma_start3A_304 : memref<1x32x1024xf32, #tpu.memory_space<hbm>> -> memref<32x1024xf32, #tpu.memory_space<hbm>>
      %dma_start3A_306 = arith.constant 0 : i32
      %dma_start3A_307 = tpu.memref_slice %arg2[%run_scoped3A_135, %add3A_116, %dma_start3A_306] : memref<4x8192x1024xf32, #tpu.memory_space<hbm>> -> memref<1x32x1024xf32, #tpu.memory_space<hbm>>
      %dma_start3A_308 = tpu.memref_squeeze %dma_start3A_307 : memref<1x32x1024xf32, #tpu.memory_space<hbm>> -> memref<32x1024xf32, #tpu.memory_space<hbm>>
      tpu.enqueue_dma source(%dma_start3A_308 : memref<32x1024xf32, #tpu.memory_space<hbm>>) target(%arg6 : memref<32x1024xf32, #tpu.memory_space<vmem>>) target_semaphore(%run_scoped3A_303 : memref<!tpu.dma_semaphore, #tpu.memory_space<semaphore_mem>>)
      %dma_wait3A = arith.constant 0 : i32
      %dma_wait3A_309 = tpu.memref_slice %arg2[%run_scoped3A_135, %add3A_116, %dma_wait3A] : memref<4x8192x1024xf32, #tpu.memory_space<hbm>> -> memref<1x32x1024xf32, #tpu.memory_space<hbm>>
      %dma_wait3A_310 = tpu.memref_squeeze %dma_wait3A_309 : memref<1x32x1024xf32, #tpu.memory_space<hbm>> -> memref<32x1024xf32, #tpu.memory_space<hbm>>
      %dma_wait3A_311 = arith.constant 0 : i32
      %dma_wait3A_312 = tpu.memref_slice %arg2[%run_scoped3A_135, %add3A_116, %dma_wait3A_311] : memref<4x8192x1024xf32, #tpu.memory_space<hbm>> -> memref<1x32x1024xf32, #tpu.memory_space<hbm>>
      %dma_wait3A_313 = tpu.memref_squeeze %dma_wait3A_312 : memref<1x32x1024xf32, #tpu.memory_space<hbm>> -> memref<32x1024xf32, #tpu.memory_space<hbm>>
      tpu.wait_dma2 semaphore(%run_scoped3A_303 : memref<!tpu.dma_semaphore, #tpu.memory_space<semaphore_mem>>) src(%dma_wait3A_313 : memref<32x1024xf32, #tpu.memory_space<hbm>>) dst(%arg6 : memref<32x1024xf32, #tpu.memory_space<vmem>>)
      tpu.yield
    }) : () -> ()
    %scan3A_136 = arith.constant 0 : i32
    %scan3A_137 = arith.constant 0 : i32
    %scan3A_138 = arith.constant 32 : i32
    %scan3A_139 = arith.addi %scan3A_137, %scan3A_138 : i32
    %scan3A_140 = arith.constant 1 : i32
    scf.for %scan3A_303 = %scan3A_137 to %scan3A_139 step %scan3A_140  : i32 {
      %scan3A_304 = arith.constant 0 : i32
      %scan3A_305 = arith.constant 64 : i32
      %scan3A_306 = arith.addi %scan3A_304, %scan3A_305 : i32
      %scan3A_307 = arith.constant 1 : i32
      scf.for %scan3A_309 = %scan3A_304 to %scan3A_306 step %scan3A_307  : i32 {
        %mul3A_310 = arith.constant 16 : i32
        %mul3A_311 = arith.muli %scan3A_309, %mul3A_310 : i32
        %get3A = arith.index_cast %scan3A_303 : i32 to index
        %get3A_312 = arith.index_cast %mul3A_311 : i32 to index
        %get3A_313 = tpu.vector_load %arg5[%get3A, %get3A_312] {strides = array<i32>} : memref<32x1024xf32, #tpu.memory_space<vmem>>, vector<1x16xf32>,
        %get3A_314 = vector.shape_cast %get3A_313 : vector<1x16xf32> to vector<16xf32>
        %swap3A = arith.index_cast %scan3A_303 : i32 to index
        %swap3A_315 = arith.index_cast %mul3A_311 : i32 to index
        %swap3A_316 = tpu.vector_load %arg6[%swap3A, %swap3A_315] {strides = array<i32>} : memref<32x1024xf32, #tpu.memory_space<vmem>>, vector<1x16xf32>,
        %swap3A_317 = vector.shape_cast %swap3A_316 : vector<1x16xf32> to vector<16xf32>
        %swap3A_318 = vector.shape_cast %get3A_314 : vector<16xf32> to vector<1x16xf32>
        tpu.vector_store %arg6[%swap3A, %swap3A_315], %swap3A_318 {add = true, strides = array<i32>} : memref<32x1024xf32, #tpu.memory_space<vmem>>, vector<1x16xf32>,
      }
      %scan3A_308 = arith.constant 64 : i32
    }
    %scan3A_141 = arith.constant 32 : i32
    %run_scoped3A_142 = arith.constant 2 : i32
    "tpu.region"() ({
      %run_scoped3A_303 = tpu.sem_alloc : memref<!tpu.dma_semaphore, #tpu.memory_space<semaphore_mem>>
      %dma_start3A = arith.constant 0 : i32
      %dma_start3A_304 = tpu.memref_slice %arg4[%run_scoped3A_142, %add3A_116, %dma_start3A] : memref<4x8192x1024xf32, #tpu.memory_space<hbm>> -> memref<1x32x1024xf32, #tpu.memory_space<hbm>>
      %dma_start3A_305 = tpu.memref_squeeze %dma_start3A_304 : memref<1x32x1024xf32, #tpu.memory_space<hbm>> -> memref<32x1024xf32, #tpu.memory_space<hbm>>
      %dma_start3A_306 = arith.constant 0 : i32
      %dma_start3A_307 = tpu.memref_slice %arg4[%run_scoped3A_142, %add3A_116, %dma_start3A_306] : memref<4x8192x1024xf32, #tpu.memory_space<hbm>> -> memref<1x32x1024xf32, #tpu.memory_space<hbm>>
      %dma_start3A_308 = tpu.memref_squeeze %dma_start3A_307 : memref<1x32x1024xf32, #tpu.memory_space<hbm>> -> memref<32x1024xf32, #tpu.memory_space<hbm>>
      tpu.enqueue_dma source(%arg6 : memref<32x1024xf32, #tpu.memory_space<vmem>>) target(%dma_start3A_308 : memref<32x1024xf32, #tpu.memory_space<hbm>>) target_semaphore(%run_scoped3A_303 : memref<!tpu.dma_semaphore, #tpu.memory_space<semaphore_mem>>)
      %dma_wait3A = arith.constant 0 : i32
      %dma_wait3A_309 = tpu.memref_slice %arg4[%run_scoped3A_142, %add3A_116, %dma_wait3A] : memref<4x8192x1024xf32, #tpu.memory_space<hbm>> -> memref<1x32x1024xf32, #tpu.memory_space<hbm>>
      %dma_wait3A_310 = tpu.memref_squeeze %dma_wait3A_309 : memref<1x32x1024xf32, #tpu.memory_space<hbm>> -> memref<32x1024xf32, #tpu.memory_space<hbm>>
      %dma_wait3A_311 = arith.constant 0 : i32
      %dma_wait3A_312 = tpu.memref_slice %arg4[%run_scoped3A_142, %add3A_116, %dma_wait3A_311] : memref<4x8192x1024xf32, #tpu.memory_space<hbm>> -> memref<1x32x1024xf32, #tpu.memory_space<hbm>>
      %dma_wait3A_313 = tpu.memref_squeeze %dma_wait3A_312 : memref<1x32x1024xf32, #tpu.memory_space<hbm>> -> memref<32x1024xf32, #tpu.memory_space<hbm>>
      tpu.wait_dma2 semaphore(%run_scoped3A_303 : memref<!tpu.dma_semaphore, #tpu.memory_space<semaphore_mem>>) src(%arg6 : memref<32x1024xf32, #tpu.memory_space<vmem>>) dst(%dma_wait3A_313 : memref<32x1024xf32, #tpu.memory_space<hbm>>)
      tpu.yield
    }) : () -> ()
    %run_scoped3A_143 = arith.constant 3 : i32
    "tpu.region"() ({
      %run_scoped3A_303 = tpu.sem_alloc : memref<!tpu.dma_semaphore, #tpu.memory_space<semaphore_mem>>
      %dma_start3A = arith.constant 0 : i32
      %dma_start3A_304 = tpu.memref_slice %arg2[%run_scoped3A_143, %add3A_116, %dma_start3A] : memref<4x8192x1024xf32, #tpu.memory_space<hbm>> -> memref<1x32x1024xf32, #tpu.memory_space<hbm>>
      %dma_start3A_305 = tpu.memref_squeeze %dma_start3A_304 : memref<1x32x1024xf32, #tpu.memory_space<hbm>> -> memref<32x1024xf32, #tpu.memory_space<hbm>>
      %dma_start3A_306 = arith.constant 0 : i32
      %dma_start3A_307 = tpu.memref_slice %arg2[%run_scoped3A_143, %add3A_116, %dma_start3A_306] : memref<4x8192x1024xf32, #tpu.memory_space<hbm>> -> memref<1x32x1024xf32, #tpu.memory_space<hbm>>
      %dma_start3A_308 = tpu.memref_squeeze %dma_start3A_307 : memref<1x32x1024xf32, #tpu.memory_space<hbm>> -> memref<32x1024xf32, #tpu.memory_space<hbm>>
      tpu.enqueue_dma source(%dma_start3A_308 : memref<32x1024xf32, #tpu.memory_space<hbm>>) target(%arg6 : memref<32x1024xf32, #tpu.memory_space<vmem>>) target_semaphore(%run_scoped3A_303 : memref<!tpu.dma_semaphore, #tpu.memory_space<semaphore_mem>>)
      %dma_wait3A = arith.constant 0 : i32
      %dma_wait3A_309 = tpu.memref_slice %arg2[%run_scoped3A_143, %add3A_116, %dma_wait3A] : memref<4x8192x1024xf32, #tpu.memory_space<hbm>> -> memref<1x32x1024xf32, #tpu.memory_space<hbm>>
      %dma_wait3A_310 = tpu.memref_squeeze %dma_wait3A_309 : memref<1x32x1024xf32, #tpu.memory_space<hbm>> -> memref<32x1024xf32, #tpu.memory_space<hbm>>
      %dma_wait3A_311 = arith.constant 0 : i32
      %dma_wait3A_312 = tpu.memref_slice %arg2[%run_scoped3A_143, %add3A_116, %dma_wait3A_311] : memref<4x8192x1024xf32, #tpu.memory_space<hbm>> -> memref<1x32x1024xf32, #tpu.memory_space<hbm>>
      %dma_wait3A_313 = tpu.memref_squeeze %dma_wait3A_312 : memref<1x32x1024xf32, #tpu.memory_space<hbm>> -> memref<32x1024xf32, #tpu.memory_space<hbm>>
      tpu.wait_dma2 semaphore(%run_scoped3A_303 : memref<!tpu.dma_semaphore, #tpu.memory_space<semaphore_mem>>) src(%dma_wait3A_313 : memref<32x1024xf32, #tpu.memory_space<hbm>>) dst(%arg6 : memref<32x1024xf32, #tpu.memory_space<vmem>>)
      tpu.yield
    }) : () -> ()
    %scan3A_144 = arith.constant 0 : i32
    %scan3A_145 = arith.constant 0 : i32
    %scan3A_146 = arith.constant 32 : i32
    %scan3A_147 = arith.addi %scan3A_145, %scan3A_146 : i32
    %scan3A_148 = arith.constant 1 : i32
    scf.for %scan3A_303 = %scan3A_145 to %scan3A_147 step %scan3A_148  : i32 {
      %scan3A_304 = arith.constant 0 : i32
      %scan3A_305 = arith.constant 64 : i32
      %scan3A_306 = arith.addi %scan3A_304, %scan3A_305 : i32
      %scan3A_307 = arith.constant 1 : i32
      scf.for %scan3A_309 = %scan3A_304 to %scan3A_306 step %scan3A_307  : i32 {
        %mul3A_310 = arith.constant 16 : i32
        %mul3A_311 = arith.muli %scan3A_309, %mul3A_310 : i32
        %get3A = arith.index_cast %scan3A_303 : i32 to index
        %get3A_312 = arith.index_cast %mul3A_311 : i32 to index
        %get3A_313 = tpu.vector_load %arg5[%get3A, %get3A_312] {strides = array<i32>} : memref<32x1024xf32, #tpu.memory_space<vmem>>, vector<1x16xf32>,
        %get3A_314 = vector.shape_cast %get3A_313 : vector<1x16xf32> to vector<16xf32>
        %swap3A = arith.index_cast %scan3A_303 : i32 to index
        %swap3A_315 = arith.index_cast %mul3A_311 : i32 to index
        %swap3A_316 = tpu.vector_load %arg6[%swap3A, %swap3A_315] {strides = array<i32>} : memref<32x1024xf32, #tpu.memory_space<vmem>>, vector<1x16xf32>,
        %swap3A_317 = vector.shape_cast %swap3A_316 : vector<1x16xf32> to vector<16xf32>
        %swap3A_318 = vector.shape_cast %get3A_314 : vector<16xf32> to vector<1x16xf32>
        tpu.vector_store %arg6[%swap3A, %swap3A_315], %swap3A_318 {add = true, strides = array<i32>} : memref<32x1024xf32, #tpu.memory_space<vmem>>, vector<1x16xf32>,
      }
      %scan3A_308 = arith.constant 64 : i32
    }
    %scan3A_149 = arith.constant 32 : i32
    %run_scoped3A_150 = arith.constant 3 : i32
    "tpu.region"() ({
      %run_scoped3A_303 = tpu.sem_alloc : memref<!tpu.dma_semaphore, #tpu.memory_space<semaphore_mem>>
      %dma_start3A = arith.constant 0 : i32
      %dma_start3A_304 = tpu.memref_slice %arg4[%run_scoped3A_150, %add3A_116, %dma_start3A] : memref<4x8192x1024xf32, #tpu.memory_space<hbm>> -> memref<1x32x1024xf32, #tpu.memory_space<hbm>>
      %dma_start3A_305 = tpu.memref_squeeze %dma_start3A_304 : memref<1x32x1024xf32, #tpu.memory_space<hbm>> -> memref<32x1024xf32, #tpu.memory_space<hbm>>
      %dma_start3A_306 = arith.constant 0 : i32
      %dma_start3A_307 = tpu.memref_slice %arg4[%run_scoped3A_150, %add3A_116, %dma_start3A_306] : memref<4x8192x1024xf32, #tpu.memory_space<hbm>> -> memref<1x32x1024xf32, #tpu.memory_space<hbm>>
      %dma_start3A_308 = tpu.memref_squeeze %dma_start3A_307 : memref<1x32x1024xf32, #tpu.memory_space<hbm>> -> memref<32x1024xf32, #tpu.memory_space<hbm>>
      tpu.enqueue_dma source(%arg6 : memref<32x1024xf32, #tpu.memory_space<vmem>>) target(%dma_start3A_308 : memref<32x1024xf32, #tpu.memory_space<hbm>>) target_semaphore(%run_scoped3A_303 : memref<!tpu.dma_semaphore, #tpu.memory_space<semaphore_mem>>)
      %dma_wait3A = arith.constant 0 : i32
      %dma_wait3A_309 = tpu.memref_slice %arg4[%run_scoped3A_150, %add3A_116, %dma_wait3A] : memref<4x8192x1024xf32, #tpu.memory_space<hbm>> -> memref<1x32x1024xf32, #tpu.memory_space<hbm>>
      %dma_wait3A_310 = tpu.memref_squeeze %dma_wait3A_309 : memref<1x32x1024xf32, #tpu.memory_space<hbm>> -> memref<32x1024xf32, #tpu.memory_space<hbm>>
      %dma_wait3A_311 = arith.constant 0 : i32
      %dma_wait3A_312 = tpu.memref_slice %arg4[%run_scoped3A_150, %add3A_116, %dma_wait3A_311] : memref<4x8192x1024xf32, #tpu.memory_space<hbm>> -> memref<1x32x1024xf32, #tpu.memory_space<hbm>>
      %dma_wait3A_313 = tpu.memref_squeeze %dma_wait3A_312 : memref<1x32x1024xf32, #tpu.memory_space<hbm>> -> memref<32x1024xf32, #tpu.memory_space<hbm>>
      tpu.wait_dma2 semaphore(%run_scoped3A_303 : memref<!tpu.dma_semaphore, #tpu.memory_space<semaphore_mem>>) src(%arg6 : memref<32x1024xf32, #tpu.memory_space<vmem>>) dst(%dma_wait3A_313 : memref<32x1024xf32, #tpu.memory_space<hbm>>)
      tpu.yield
    }) : () -> ()
    %mul3A_151 = arith.constant 256 : i32
    %mul3A_152 = arith.muli %add3A, %mul3A_151 : i32
    %add3A_153 = arith.constant 128 : i32
    %add3A_154 = arith.addi %mul3A_152, %add3A_153 : i32
    %add3A_155 = arith.constant 8192 : i32
    %add3A_156 = arith.addi %add3A_155, %add3A_154 : i32
    "tpu.region"() ({
      %run_scoped3A_303 = tpu.sem_alloc : memref<!tpu.dma_semaphore, #tpu.memory_space<semaphore_mem>>
      %dma_start3A = arith.constant 0 : i32
      %dma_start3A_304 = tpu.memref_slice %arg3[%add3A_156, %dma_start3A] : memref<16384x1024xf32, #tpu.memory_space<hbm>> -> memref<32x1024xf32, #tpu.memory_space<hbm>>
      %dma_start3A_305 = arith.constant 0 : i32
      %dma_start3A_306 = tpu.memref_slice %arg3[%add3A_156, %dma_start3A_305] : memref<16384x1024xf32, #tpu.memory_space<hbm>> -> memref<32x1024xf32, #tpu.memory_space<hbm>>
      tpu.enqueue_dma source(%dma_start3A_306 : memref<32x1024xf32, #tpu.memory_space<hbm>>) target(%arg5 : memref<32x1024xf32, #tpu.memory_space<vmem>>) target_semaphore(%run_scoped3A_303 : memref<!tpu.dma_semaphore, #tpu.memory_space<semaphore_mem>>)
      %dma_wait3A = arith.constant 0 : i32
      %dma_wait3A_307 = tpu.memref_slice %arg3[%add3A_156, %dma_wait3A] : memref<16384x1024xf32, #tpu.memory_space<hbm>> -> memref<32x1024xf32, #tpu.memory_space<hbm>>
      %dma_wait3A_308 = arith.constant 0 : i32
      %dma_wait3A_309 = tpu.memref_slice %arg3[%add3A_156, %dma_wait3A_308] : memref<16384x1024xf32, #tpu.memory_space<hbm>> -> memref<32x1024xf32, #tpu.memory_space<hbm>>
      tpu.wait_dma2 semaphore(%run_scoped3A_303 : memref<!tpu.dma_semaphore, #tpu.memory_space<semaphore_mem>>) src(%dma_wait3A_309 : memref<32x1024xf32, #tpu.memory_space<hbm>>) dst(%arg5 : memref<32x1024xf32, #tpu.memory_space<vmem>>)
      tpu.yield
    }) : () -> ()
    %run_scoped3A_157 = arith.constant 0 : i32
    "tpu.region"() ({
      %run_scoped3A_303 = tpu.sem_alloc : memref<!tpu.dma_semaphore, #tpu.memory_space<semaphore_mem>>
      %dma_start3A = arith.constant 0 : i32
      %dma_start3A_304 = tpu.memref_slice %arg2[%run_scoped3A_157, %add3A_154, %dma_start3A] : memref<4x8192x1024xf32, #tpu.memory_space<hbm>> -> memref<1x32x1024xf32, #tpu.memory_space<hbm>>
      %dma_start3A_305 = tpu.memref_squeeze %dma_start3A_304 : memref<1x32x1024xf32, #tpu.memory_space<hbm>> -> memref<32x1024xf32, #tpu.memory_space<hbm>>
      %dma_start3A_306 = arith.constant 0 : i32
      %dma_start3A_307 = tpu.memref_slice %arg2[%run_scoped3A_157, %add3A_154, %dma_start3A_306] : memref<4x8192x1024xf32, #tpu.memory_space<hbm>> -> memref<1x32x1024xf32, #tpu.memory_space<hbm>>
      %dma_start3A_308 = tpu.memref_squeeze %dma_start3A_307 : memref<1x32x1024xf32, #tpu.memory_space<hbm>> -> memref<32x1024xf32, #tpu.memory_space<hbm>>
      tpu.enqueue_dma source(%dma_start3A_308 : memref<32x1024xf32, #tpu.memory_space<hbm>>) target(%arg6 : memref<32x1024xf32, #tpu.memory_space<vmem>>) target_semaphore(%run_scoped3A_303 : memref<!tpu.dma_semaphore, #tpu.memory_space<semaphore_mem>>)
      %dma_wait3A = arith.constant 0 : i32
      %dma_wait3A_309 = tpu.memref_slice %arg2[%run_scoped3A_157, %add3A_154, %dma_wait3A] : memref<4x8192x1024xf32, #tpu.memory_space<hbm>> -> memref<1x32x1024xf32, #tpu.memory_space<hbm>>
      %dma_wait3A_310 = tpu.memref_squeeze %dma_wait3A_309 : memref<1x32x1024xf32, #tpu.memory_space<hbm>> -> memref<32x1024xf32, #tpu.memory_space<hbm>>
      %dma_wait3A_311 = arith.constant 0 : i32
      %dma_wait3A_312 = tpu.memref_slice %arg2[%run_scoped3A_157, %add3A_154, %dma_wait3A_311] : memref<4x8192x1024xf32, #tpu.memory_space<hbm>> -> memref<1x32x1024xf32, #tpu.memory_space<hbm>>
      %dma_wait3A_313 = tpu.memref_squeeze %dma_wait3A_312 : memref<1x32x1024xf32, #tpu.memory_space<hbm>> -> memref<32x1024xf32, #tpu.memory_space<hbm>>
      tpu.wait_dma2 semaphore(%run_scoped3A_303 : memref<!tpu.dma_semaphore, #tpu.memory_space<semaphore_mem>>) src(%dma_wait3A_313 : memref<32x1024xf32, #tpu.memory_space<hbm>>) dst(%arg6 : memref<32x1024xf32, #tpu.memory_space<vmem>>)
      tpu.yield
    }) : () -> ()
    %scan3A_158 = arith.constant 0 : i32
    %scan3A_159 = arith.constant 0 : i32
    %scan3A_160 = arith.constant 32 : i32
    %scan3A_161 = arith.addi %scan3A_159, %scan3A_160 : i32
    %scan3A_162 = arith.constant 1 : i32
    scf.for %scan3A_303 = %scan3A_159 to %scan3A_161 step %scan3A_162  : i32 {
      %scan3A_304 = arith.constant 0 : i32
      %scan3A_305 = arith.constant 64 : i32
      %scan3A_306 = arith.addi %scan3A_304, %scan3A_305 : i32
      %scan3A_307 = arith.constant 1 : i32
      scf.for %scan3A_309 = %scan3A_304 to %scan3A_306 step %scan3A_307  : i32 {
        %mul3A_310 = arith.constant 16 : i32
        %mul3A_311 = arith.muli %scan3A_309, %mul3A_310 : i32
        %get3A = arith.index_cast %scan3A_303 : i32 to index
        %get3A_312 = arith.index_cast %mul3A_311 : i32 to index
        %get3A_313 = tpu.vector_load %arg5[%get3A, %get3A_312] {strides = array<i32>} : memref<32x1024xf32, #tpu.memory_space<vmem>>, vector<1x16xf32>,
        %get3A_314 = vector.shape_cast %get3A_313 : vector<1x16xf32> to vector<16xf32>
        %swap3A = arith.index_cast %scan3A_303 : i32 to index
        %swap3A_315 = arith.index_cast %mul3A_311 : i32 to index
        %swap3A_316 = tpu.vector_load %arg6[%swap3A, %swap3A_315] {strides = array<i32>} : memref<32x1024xf32, #tpu.memory_space<vmem>>, vector<1x16xf32>,
        %swap3A_317 = vector.shape_cast %swap3A_316 : vector<1x16xf32> to vector<16xf32>
        %swap3A_318 = vector.shape_cast %get3A_314 : vector<16xf32> to vector<1x16xf32>
        tpu.vector_store %arg6[%swap3A, %swap3A_315], %swap3A_318 {add = true, strides = array<i32>} : memref<32x1024xf32, #tpu.memory_space<vmem>>, vector<1x16xf32>,
      }
      %scan3A_308 = arith.constant 64 : i32
    }
    %scan3A_163 = arith.constant 32 : i32
    %run_scoped3A_164 = arith.constant 0 : i32
    "tpu.region"() ({
      %run_scoped3A_303 = tpu.sem_alloc : memref<!tpu.dma_semaphore, #tpu.memory_space<semaphore_mem>>
      %dma_start3A = arith.constant 0 : i32
      %dma_start3A_304 = tpu.memref_slice %arg4[%run_scoped3A_164, %add3A_154, %dma_start3A] : memref<4x8192x1024xf32, #tpu.memory_space<hbm>> -> memref<1x32x1024xf32, #tpu.memory_space<hbm>>
      %dma_start3A_305 = tpu.memref_squeeze %dma_start3A_304 : memref<1x32x1024xf32, #tpu.memory_space<hbm>> -> memref<32x1024xf32, #tpu.memory_space<hbm>>
      %dma_start3A_306 = arith.constant 0 : i32
      %dma_start3A_307 = tpu.memref_slice %arg4[%run_scoped3A_164, %add3A_154, %dma_start3A_306] : memref<4x8192x1024xf32, #tpu.memory_space<hbm>> -> memref<1x32x1024xf32, #tpu.memory_space<hbm>>
      %dma_start3A_308 = tpu.memref_squeeze %dma_start3A_307 : memref<1x32x1024xf32, #tpu.memory_space<hbm>> -> memref<32x1024xf32, #tpu.memory_space<hbm>>
      tpu.enqueue_dma source(%arg6 : memref<32x1024xf32, #tpu.memory_space<vmem>>) target(%dma_start3A_308 : memref<32x1024xf32, #tpu.memory_space<hbm>>) target_semaphore(%run_scoped3A_303 : memref<!tpu.dma_semaphore, #tpu.memory_space<semaphore_mem>>)
      %dma_wait3A = arith.constant 0 : i32
      %dma_wait3A_309 = tpu.memref_slice %arg4[%run_scoped3A_164, %add3A_154, %dma_wait3A] : memref<4x8192x1024xf32, #tpu.memory_space<hbm>> -> memref<1x32x1024xf32, #tpu.memory_space<hbm>>
      %dma_wait3A_310 = tpu.memref_squeeze %dma_wait3A_309 : memref<1x32x1024xf32, #tpu.memory_space<hbm>> -> memref<32x1024xf32, #tpu.memory_space<hbm>>
      %dma_wait3A_311 = arith.constant 0 : i32
      %dma_wait3A_312 = tpu.memref_slice %arg4[%run_scoped3A_164, %add3A_154, %dma_wait3A_311] : memref<4x8192x1024xf32, #tpu.memory_space<hbm>> -> memref<1x32x1024xf32, #tpu.memory_space<hbm>>
      %dma_wait3A_313 = tpu.memref_squeeze %dma_wait3A_312 : memref<1x32x1024xf32, #tpu.memory_space<hbm>> -> memref<32x1024xf32, #tpu.memory_space<hbm>>
      tpu.wait_dma2 semaphore(%run_scoped3A_303 : memref<!tpu.dma_semaphore, #tpu.memory_space<semaphore_mem>>) src(%arg6 : memref<32x1024xf32, #tpu.memory_space<vmem>>) dst(%dma_wait3A_313 : memref<32x1024xf32, #tpu.memory_space<hbm>>)
      tpu.yield
    }) : () -> ()
    %run_scoped3A_165 = arith.constant 1 : i32
    "tpu.region"() ({
      %run_scoped3A_303 = tpu.sem_alloc : memref<!tpu.dma_semaphore, #tpu.memory_space<semaphore_mem>>
      %dma_start3A = arith.constant 0 : i32
      %dma_start3A_304 = tpu.memref_slice %arg2[%run_scoped3A_165, %add3A_154, %dma_start3A] : memref<4x8192x1024xf32, #tpu.memory_space<hbm>> -> memref<1x32x1024xf32, #tpu.memory_space<hbm>>
      %dma_start3A_305 = tpu.memref_squeeze %dma_start3A_304 : memref<1x32x1024xf32, #tpu.memory_space<hbm>> -> memref<32x1024xf32, #tpu.memory_space<hbm>>
      %dma_start3A_306 = arith.constant 0 : i32
      %dma_start3A_307 = tpu.memref_slice %arg2[%run_scoped3A_165, %add3A_154, %dma_start3A_306] : memref<4x8192x1024xf32, #tpu.memory_space<hbm>> -> memref<1x32x1024xf32, #tpu.memory_space<hbm>>
      %dma_start3A_308 = tpu.memref_squeeze %dma_start3A_307 : memref<1x32x1024xf32, #tpu.memory_space<hbm>> -> memref<32x1024xf32, #tpu.memory_space<hbm>>
      tpu.enqueue_dma source(%dma_start3A_308 : memref<32x1024xf32, #tpu.memory_space<hbm>>) target(%arg6 : memref<32x1024xf32, #tpu.memory_space<vmem>>) target_semaphore(%run_scoped3A_303 : memref<!tpu.dma_semaphore, #tpu.memory_space<semaphore_mem>>)
      %dma_wait3A = arith.constant 0 : i32
      %dma_wait3A_309 = tpu.memref_slice %arg2[%run_scoped3A_165, %add3A_154, %dma_wait3A] : memref<4x8192x1024xf32, #tpu.memory_space<hbm>> -> memref<1x32x1024xf32, #tpu.memory_space<hbm>>
      %dma_wait3A_310 = tpu.memref_squeeze %dma_wait3A_309 : memref<1x32x1024xf32, #tpu.memory_space<hbm>> -> memref<32x1024xf32, #tpu.memory_space<hbm>>
      %dma_wait3A_311 = arith.constant 0 : i32
      %dma_wait3A_312 = tpu.memref_slice %arg2[%run_scoped3A_165, %add3A_154, %dma_wait3A_311] : memref<4x8192x1024xf32, #tpu.memory_space<hbm>> -> memref<1x32x1024xf32, #tpu.memory_space<hbm>>
      %dma_wait3A_313 = tpu.memref_squeeze %dma_wait3A_312 : memref<1x32x1024xf32, #tpu.memory_space<hbm>> -> memref<32x1024xf32, #tpu.memory_space<hbm>>
      tpu.wait_dma2 semaphore(%run_scoped3A_303 : memref<!tpu.dma_semaphore, #tpu.memory_space<semaphore_mem>>) src(%dma_wait3A_313 : memref<32x1024xf32, #tpu.memory_space<hbm>>) dst(%arg6 : memref<32x1024xf32, #tpu.memory_space<vmem>>)
      tpu.yield
    }) : () -> ()
    %scan3A_166 = arith.constant 0 : i32
    %scan3A_167 = arith.constant 0 : i32
    %scan3A_168 = arith.constant 32 : i32
    %scan3A_169 = arith.addi %scan3A_167, %scan3A_168 : i32
    %scan3A_170 = arith.constant 1 : i32
    scf.for %scan3A_303 = %scan3A_167 to %scan3A_169 step %scan3A_170  : i32 {
      %scan3A_304 = arith.constant 0 : i32
      %scan3A_305 = arith.constant 64 : i32
      %scan3A_306 = arith.addi %scan3A_304, %scan3A_305 : i32
      %scan3A_307 = arith.constant 1 : i32
      scf.for %scan3A_309 = %scan3A_304 to %scan3A_306 step %scan3A_307  : i32 {
        %mul3A_310 = arith.constant 16 : i32
        %mul3A_311 = arith.muli %scan3A_309, %mul3A_310 : i32
        %get3A = arith.index_cast %scan3A_303 : i32 to index
        %get3A_312 = arith.index_cast %mul3A_311 : i32 to index
        %get3A_313 = tpu.vector_load %arg5[%get3A, %get3A_312] {strides = array<i32>} : memref<32x1024xf32, #tpu.memory_space<vmem>>, vector<1x16xf32>,
        %get3A_314 = vector.shape_cast %get3A_313 : vector<1x16xf32> to vector<16xf32>
        %swap3A = arith.index_cast %scan3A_303 : i32 to index
        %swap3A_315 = arith.index_cast %mul3A_311 : i32 to index
        %swap3A_316 = tpu.vector_load %arg6[%swap3A, %swap3A_315] {strides = array<i32>} : memref<32x1024xf32, #tpu.memory_space<vmem>>, vector<1x16xf32>,
        %swap3A_317 = vector.shape_cast %swap3A_316 : vector<1x16xf32> to vector<16xf32>
        %swap3A_318 = vector.shape_cast %get3A_314 : vector<16xf32> to vector<1x16xf32>
        tpu.vector_store %arg6[%swap3A, %swap3A_315], %swap3A_318 {add = true, strides = array<i32>} : memref<32x1024xf32, #tpu.memory_space<vmem>>, vector<1x16xf32>,
      }
      %scan3A_308 = arith.constant 64 : i32
    }
    %scan3A_171 = arith.constant 32 : i32
    %run_scoped3A_172 = arith.constant 1 : i32
    "tpu.region"() ({
      %run_scoped3A_303 = tpu.sem_alloc : memref<!tpu.dma_semaphore, #tpu.memory_space<semaphore_mem>>
      %dma_start3A = arith.constant 0 : i32
      %dma_start3A_304 = tpu.memref_slice %arg4[%run_scoped3A_172, %add3A_154, %dma_start3A] : memref<4x8192x1024xf32, #tpu.memory_space<hbm>> -> memref<1x32x1024xf32, #tpu.memory_space<hbm>>
      %dma_start3A_305 = tpu.memref_squeeze %dma_start3A_304 : memref<1x32x1024xf32, #tpu.memory_space<hbm>> -> memref<32x1024xf32, #tpu.memory_space<hbm>>
      %dma_start3A_306 = arith.constant 0 : i32
      %dma_start3A_307 = tpu.memref_slice %arg4[%run_scoped3A_172, %add3A_154, %dma_start3A_306] : memref<4x8192x1024xf32, #tpu.memory_space<hbm>> -> memref<1x32x1024xf32, #tpu.memory_space<hbm>>
      %dma_start3A_308 = tpu.memref_squeeze %dma_start3A_307 : memref<1x32x1024xf32, #tpu.memory_space<hbm>> -> memref<32x1024xf32, #tpu.memory_space<hbm>>
      tpu.enqueue_dma source(%arg6 : memref<32x1024xf32, #tpu.memory_space<vmem>>) target(%dma_start3A_308 : memref<32x1024xf32, #tpu.memory_space<hbm>>) target_semaphore(%run_scoped3A_303 : memref<!tpu.dma_semaphore, #tpu.memory_space<semaphore_mem>>)
      %dma_wait3A = arith.constant 0 : i32
      %dma_wait3A_309 = tpu.memref_slice %arg4[%run_scoped3A_172, %add3A_154, %dma_wait3A] : memref<4x8192x1024xf32, #tpu.memory_space<hbm>> -> memref<1x32x1024xf32, #tpu.memory_space<hbm>>
      %dma_wait3A_310 = tpu.memref_squeeze %dma_wait3A_309 : memref<1x32x1024xf32, #tpu.memory_space<hbm>> -> memref<32x1024xf32, #tpu.memory_space<hbm>>
      %dma_wait3A_311 = arith.constant 0 : i32
      %dma_wait3A_312 = tpu.memref_slice %arg4[%run_scoped3A_172, %add3A_154, %dma_wait3A_311] : memref<4x8192x1024xf32, #tpu.memory_space<hbm>> -> memref<1x32x1024xf32, #tpu.memory_space<hbm>>
      %dma_wait3A_313 = tpu.memref_squeeze %dma_wait3A_312 : memref<1x32x1024xf32, #tpu.memory_space<hbm>> -> memref<32x1024xf32, #tpu.memory_space<hbm>>
      tpu.wait_dma2 semaphore(%run_scoped3A_303 : memref<!tpu.dma_semaphore, #tpu.memory_space<semaphore_mem>>) src(%arg6 : memref<32x1024xf32, #tpu.memory_space<vmem>>) dst(%dma_wait3A_313 : memref<32x1024xf32, #tpu.memory_space<hbm>>)
      tpu.yield
    }) : () -> ()
    %run_scoped3A_173 = arith.constant 2 : i32
    "tpu.region"() ({
      %run_scoped3A_303 = tpu.sem_alloc : memref<!tpu.dma_semaphore, #tpu.memory_space<semaphore_mem>>
      %dma_start3A = arith.constant 0 : i32
      %dma_start3A_304 = tpu.memref_slice %arg2[%run_scoped3A_173, %add3A_154, %dma_start3A] : memref<4x8192x1024xf32, #tpu.memory_space<hbm>> -> memref<1x32x1024xf32, #tpu.memory_space<hbm>>
      %dma_start3A_305 = tpu.memref_squeeze %dma_start3A_304 : memref<1x32x1024xf32, #tpu.memory_space<hbm>> -> memref<32x1024xf32, #tpu.memory_space<hbm>>
      %dma_start3A_306 = arith.constant 0 : i32
      %dma_start3A_307 = tpu.memref_slice %arg2[%run_scoped3A_173, %add3A_154, %dma_start3A_306] : memref<4x8192x1024xf32, #tpu.memory_space<hbm>> -> memref<1x32x1024xf32, #tpu.memory_space<hbm>>
      %dma_start3A_308 = tpu.memref_squeeze %dma_start3A_307 : memref<1x32x1024xf32, #tpu.memory_space<hbm>> -> memref<32x1024xf32, #tpu.memory_space<hbm>>
      tpu.enqueue_dma source(%dma_start3A_308 : memref<32x1024xf32, #tpu.memory_space<hbm>>) target(%arg6 : memref<32x1024xf32, #tpu.memory_space<vmem>>) target_semaphore(%run_scoped3A_303 : memref<!tpu.dma_semaphore, #tpu.memory_space<semaphore_mem>>)
      %dma_wait3A = arith.constant 0 : i32
      %dma_wait3A_309 = tpu.memref_slice %arg2[%run_scoped3A_173, %add3A_154, %dma_wait3A] : memref<4x8192x1024xf32, #tpu.memory_space<hbm>> -> memref<1x32x1024xf32, #tpu.memory_space<hbm>>
      %dma_wait3A_310 = tpu.memref_squeeze %dma_wait3A_309 : memref<1x32x1024xf32, #tpu.memory_space<hbm>> -> memref<32x1024xf32, #tpu.memory_space<hbm>>
      %dma_wait3A_311 = arith.constant 0 : i32
      %dma_wait3A_312 = tpu.memref_slice %arg2[%run_scoped3A_173, %add3A_154, %dma_wait3A_311] : memref<4x8192x1024xf32, #tpu.memory_space<hbm>> -> memref<1x32x1024xf32, #tpu.memory_space<hbm>>
      %dma_wait3A_313 = tpu.memref_squeeze %dma_wait3A_312 : memref<1x32x1024xf32, #tpu.memory_space<hbm>> -> memref<32x1024xf32, #tpu.memory_space<hbm>>
      tpu.wait_dma2 semaphore(%run_scoped3A_303 : memref<!tpu.dma_semaphore, #tpu.memory_space<semaphore_mem>>) src(%dma_wait3A_313 : memref<32x1024xf32, #tpu.memory_space<hbm>>) dst(%arg6 : memref<32x1024xf32, #tpu.memory_space<vmem>>)
      tpu.yield
    }) : () -> ()
    %scan3A_174 = arith.constant 0 : i32
    %scan3A_175 = arith.constant 0 : i32
    %scan3A_176 = arith.constant 32 : i32
    %scan3A_177 = arith.addi %scan3A_175, %scan3A_176 : i32
    %scan3A_178 = arith.constant 1 : i32
    scf.for %scan3A_303 = %scan3A_175 to %scan3A_177 step %scan3A_178  : i32 {
      %scan3A_304 = arith.constant 0 : i32
      %scan3A_305 = arith.constant 64 : i32
      %scan3A_306 = arith.addi %scan3A_304, %scan3A_305 : i32
      %scan3A_307 = arith.constant 1 : i32
      scf.for %scan3A_309 = %scan3A_304 to %scan3A_306 step %scan3A_307  : i32 {
        %mul3A_310 = arith.constant 16 : i32
        %mul3A_311 = arith.muli %scan3A_309, %mul3A_310 : i32
        %get3A = arith.index_cast %scan3A_303 : i32 to index
        %get3A_312 = arith.index_cast %mul3A_311 : i32 to index
        %get3A_313 = tpu.vector_load %arg5[%get3A, %get3A_312] {strides = array<i32>} : memref<32x1024xf32, #tpu.memory_space<vmem>>, vector<1x16xf32>,
        %get3A_314 = vector.shape_cast %get3A_313 : vector<1x16xf32> to vector<16xf32>
        %swap3A = arith.index_cast %scan3A_303 : i32 to index
        %swap3A_315 = arith.index_cast %mul3A_311 : i32 to index
        %swap3A_316 = tpu.vector_load %arg6[%swap3A, %swap3A_315] {strides = array<i32>} : memref<32x1024xf32, #tpu.memory_space<vmem>>, vector<1x16xf32>,
        %swap3A_317 = vector.shape_cast %swap3A_316 : vector<1x16xf32> to vector<16xf32>
        %swap3A_318 = vector.shape_cast %get3A_314 : vector<16xf32> to vector<1x16xf32>
        tpu.vector_store %arg6[%swap3A, %swap3A_315], %swap3A_318 {add = true, strides = array<i32>} : memref<32x1024xf32, #tpu.memory_space<vmem>>, vector<1x16xf32>,
      }
      %scan3A_308 = arith.constant 64 : i32
    }
    %scan3A_179 = arith.constant 32 : i32
    %run_scoped3A_180 = arith.constant 2 : i32
    "tpu.region"() ({
      %run_scoped3A_303 = tpu.sem_alloc : memref<!tpu.dma_semaphore, #tpu.memory_space<semaphore_mem>>
      %dma_start3A = arith.constant 0 : i32
      %dma_start3A_304 = tpu.memref_slice %arg4[%run_scoped3A_180, %add3A_154, %dma_start3A] : memref<4x8192x1024xf32, #tpu.memory_space<hbm>> -> memref<1x32x1024xf32, #tpu.memory_space<hbm>>
      %dma_start3A_305 = tpu.memref_squeeze %dma_start3A_304 : memref<1x32x1024xf32, #tpu.memory_space<hbm>> -> memref<32x1024xf32, #tpu.memory_space<hbm>>
      %dma_start3A_306 = arith.constant 0 : i32
      %dma_start3A_307 = tpu.memref_slice %arg4[%run_scoped3A_180, %add3A_154, %dma_start3A_306] : memref<4x8192x1024xf32, #tpu.memory_space<hbm>> -> memref<1x32x1024xf32, #tpu.memory_space<hbm>>
      %dma_start3A_308 = tpu.memref_squeeze %dma_start3A_307 : memref<1x32x1024xf32, #tpu.memory_space<hbm>> -> memref<32x1024xf32, #tpu.memory_space<hbm>>
      tpu.enqueue_dma source(%arg6 : memref<32x1024xf32, #tpu.memory_space<vmem>>) target(%dma_start3A_308 : memref<32x1024xf32, #tpu.memory_space<hbm>>) target_semaphore(%run_scoped3A_303 : memref<!tpu.dma_semaphore, #tpu.memory_space<semaphore_mem>>)
      %dma_wait3A = arith.constant 0 : i32
      %dma_wait3A_309 = tpu.memref_slice %arg4[%run_scoped3A_180, %add3A_154, %dma_wait3A] : memref<4x8192x1024xf32, #tpu.memory_space<hbm>> -> memref<1x32x1024xf32, #tpu.memory_space<hbm>>
      %dma_wait3A_310 = tpu.memref_squeeze %dma_wait3A_309 : memref<1x32x1024xf32, #tpu.memory_space<hbm>> -> memref<32x1024xf32, #tpu.memory_space<hbm>>
      %dma_wait3A_311 = arith.constant 0 : i32
      %dma_wait3A_312 = tpu.memref_slice %arg4[%run_scoped3A_180, %add3A_154, %dma_wait3A_311] : memref<4x8192x1024xf32, #tpu.memory_space<hbm>> -> memref<1x32x1024xf32, #tpu.memory_space<hbm>>
      %dma_wait3A_313 = tpu.memref_squeeze %dma_wait3A_312 : memref<1x32x1024xf32, #tpu.memory_space<hbm>> -> memref<32x1024xf32, #tpu.memory_space<hbm>>
      tpu.wait_dma2 semaphore(%run_scoped3A_303 : memref<!tpu.dma_semaphore, #tpu.memory_space<semaphore_mem>>) src(%arg6 : memref<32x1024xf32, #tpu.memory_space<vmem>>) dst(%dma_wait3A_313 : memref<32x1024xf32, #tpu.memory_space<hbm>>)
      tpu.yield
    }) : () -> ()
    %run_scoped3A_181 = arith.constant 3 : i32
    "tpu.region"() ({
      %run_scoped3A_303 = tpu.sem_alloc : memref<!tpu.dma_semaphore, #tpu.memory_space<semaphore_mem>>
      %dma_start3A = arith.constant 0 : i32
      %dma_start3A_304 = tpu.memref_slice %arg2[%run_scoped3A_181, %add3A_154, %dma_start3A] : memref<4x8192x1024xf32, #tpu.memory_space<hbm>> -> memref<1x32x1024xf32, #tpu.memory_space<hbm>>
      %dma_start3A_305 = tpu.memref_squeeze %dma_start3A_304 : memref<1x32x1024xf32, #tpu.memory_space<hbm>> -> memref<32x1024xf32, #tpu.memory_space<hbm>>
      %dma_start3A_306 = arith.constant 0 : i32
      %dma_start3A_307 = tpu.memref_slice %arg2[%run_scoped3A_181, %add3A_154, %dma_start3A_306] : memref<4x8192x1024xf32, #tpu.memory_space<hbm>> -> memref<1x32x1024xf32, #tpu.memory_space<hbm>>
      %dma_start3A_308 = tpu.memref_squeeze %dma_start3A_307 : memref<1x32x1024xf32, #tpu.memory_space<hbm>> -> memref<32x1024xf32, #tpu.memory_space<hbm>>
      tpu.enqueue_dma source(%dma_start3A_308 : memref<32x1024xf32, #tpu.memory_space<hbm>>) target(%arg6 : memref<32x1024xf32, #tpu.memory_space<vmem>>) target_semaphore(%run_scoped3A_303 : memref<!tpu.dma_semaphore, #tpu.memory_space<semaphore_mem>>)
      %dma_wait3A = arith.constant 0 : i32
      %dma_wait3A_309 = tpu.memref_slice %arg2[%run_scoped3A_181, %add3A_154, %dma_wait3A] : memref<4x8192x1024xf32, #tpu.memory_space<hbm>> -> memref<1x32x1024xf32, #tpu.memory_space<hbm>>
      %dma_wait3A_310 = tpu.memref_squeeze %dma_wait3A_309 : memref<1x32x1024xf32, #tpu.memory_space<hbm>> -> memref<32x1024xf32, #tpu.memory_space<hbm>>
      %dma_wait3A_311 = arith.constant 0 : i32
      %dma_wait3A_312 = tpu.memref_slice %arg2[%run_scoped3A_181, %add3A_154, %dma_wait3A_311] : memref<4x8192x1024xf32, #tpu.memory_space<hbm>> -> memref<1x32x1024xf32, #tpu.memory_space<hbm>>
      %dma_wait3A_313 = tpu.memref_squeeze %dma_wait3A_312 : memref<1x32x1024xf32, #tpu.memory_space<hbm>> -> memref<32x1024xf32, #tpu.memory_space<hbm>>
      tpu.wait_dma2 semaphore(%run_scoped3A_303 : memref<!tpu.dma_semaphore, #tpu.memory_space<semaphore_mem>>) src(%dma_wait3A_313 : memref<32x1024xf32, #tpu.memory_space<hbm>>) dst(%arg6 : memref<32x1024xf32, #tpu.memory_space<vmem>>)
      tpu.yield
    }) : () -> ()
    %scan3A_182 = arith.constant 0 : i32
    %scan3A_183 = arith.constant 0 : i32
    %scan3A_184 = arith.constant 32 : i32
    %scan3A_185 = arith.addi %scan3A_183, %scan3A_184 : i32
    %scan3A_186 = arith.constant 1 : i32
    scf.for %scan3A_303 = %scan3A_183 to %scan3A_185 step %scan3A_186  : i32 {
      %scan3A_304 = arith.constant 0 : i32
      %scan3A_305 = arith.constant 64 : i32
      %scan3A_306 = arith.addi %scan3A_304, %scan3A_305 : i32
      %scan3A_307 = arith.constant 1 : i32
      scf.for %scan3A_309 = %scan3A_304 to %scan3A_306 step %scan3A_307  : i32 {
        %mul3A_310 = arith.constant 16 : i32
        %mul3A_311 = arith.muli %scan3A_309, %mul3A_310 : i32
        %get3A = arith.index_cast %scan3A_303 : i32 to index
        %get3A_312 = arith.index_cast %mul3A_311 : i32 to index
        %get3A_313 = tpu.vector_load %arg5[%get3A, %get3A_312] {strides = array<i32>} : memref<32x1024xf32, #tpu.memory_space<vmem>>, vector<1x16xf32>,
        %get3A_314 = vector.shape_cast %get3A_313 : vector<1x16xf32> to vector<16xf32>
        %swap3A = arith.index_cast %scan3A_303 : i32 to index
        %swap3A_315 = arith.index_cast %mul3A_311 : i32 to index
        %swap3A_316 = tpu.vector_load %arg6[%swap3A, %swap3A_315] {strides = array<i32>} : memref<32x1024xf32, #tpu.memory_space<vmem>>, vector<1x16xf32>,
        %swap3A_317 = vector.shape_cast %swap3A_316 : vector<1x16xf32> to vector<16xf32>
        %swap3A_318 = vector.shape_cast %get3A_314 : vector<16xf32> to vector<1x16xf32>
        tpu.vector_store %arg6[%swap3A, %swap3A_315], %swap3A_318 {add = true, strides = array<i32>} : memref<32x1024xf32, #tpu.memory_space<vmem>>, vector<1x16xf32>,
      }
      %scan3A_308 = arith.constant 64 : i32
    }
    %scan3A_187 = arith.constant 32 : i32
    %run_scoped3A_188 = arith.constant 3 : i32
    "tpu.region"() ({
      %run_scoped3A_303 = tpu.sem_alloc : memref<!tpu.dma_semaphore, #tpu.memory_space<semaphore_mem>>
      %dma_start3A = arith.constant 0 : i32
      %dma_start3A_304 = tpu.memref_slice %arg4[%run_scoped3A_188, %add3A_154, %dma_start3A] : memref<4x8192x1024xf32, #tpu.memory_space<hbm>> -> memref<1x32x1024xf32, #tpu.memory_space<hbm>>
      %dma_start3A_305 = tpu.memref_squeeze %dma_start3A_304 : memref<1x32x1024xf32, #tpu.memory_space<hbm>> -> memref<32x1024xf32, #tpu.memory_space<hbm>>
      %dma_start3A_306 = arith.constant 0 : i32
      %dma_start3A_307 = tpu.memref_slice %arg4[%run_scoped3A_188, %add3A_154, %dma_start3A_306] : memref<4x8192x1024xf32, #tpu.memory_space<hbm>> -> memref<1x32x1024xf32, #tpu.memory_space<hbm>>
      %dma_start3A_308 = tpu.memref_squeeze %dma_start3A_307 : memref<1x32x1024xf32, #tpu.memory_space<hbm>> -> memref<32x1024xf32, #tpu.memory_space<hbm>>
      tpu.enqueue_dma source(%arg6 : memref<32x1024xf32, #tpu.memory_space<vmem>>) target(%dma_start3A_308 : memref<32x1024xf32, #tpu.memory_space<hbm>>) target_semaphore(%run_scoped3A_303 : memref<!tpu.dma_semaphore, #tpu.memory_space<semaphore_mem>>)
      %dma_wait3A = arith.constant 0 : i32
      %dma_wait3A_309 = tpu.memref_slice %arg4[%run_scoped3A_188, %add3A_154, %dma_wait3A] : memref<4x8192x1024xf32, #tpu.memory_space<hbm>> -> memref<1x32x1024xf32, #tpu.memory_space<hbm>>
      %dma_wait3A_310 = tpu.memref_squeeze %dma_wait3A_309 : memref<1x32x1024xf32, #tpu.memory_space<hbm>> -> memref<32x1024xf32, #tpu.memory_space<hbm>>
      %dma_wait3A_311 = arith.constant 0 : i32
      %dma_wait3A_312 = tpu.memref_slice %arg4[%run_scoped3A_188, %add3A_154, %dma_wait3A_311] : memref<4x8192x1024xf32, #tpu.memory_space<hbm>> -> memref<1x32x1024xf32, #tpu.memory_space<hbm>>
      %dma_wait3A_313 = tpu.memref_squeeze %dma_wait3A_312 : memref<1x32x1024xf32, #tpu.memory_space<hbm>> -> memref<32x1024xf32, #tpu.memory_space<hbm>>
      tpu.wait_dma2 semaphore(%run_scoped3A_303 : memref<!tpu.dma_semaphore, #tpu.memory_space<semaphore_mem>>) src(%arg6 : memref<32x1024xf32, #tpu.memory_space<vmem>>) dst(%dma_wait3A_313 : memref<32x1024xf32, #tpu.memory_space<hbm>>)
      tpu.yield
    }) : () -> ()
    %mul3A_189 = arith.constant 256 : i32
    %mul3A_190 = arith.muli %add3A, %mul3A_189 : i32
    %add3A_191 = arith.constant 160 : i32
    %add3A_192 = arith.addi %mul3A_190, %add3A_191 : i32
    %add3A_193 = arith.constant 8192 : i32
    %add3A_194 = arith.addi %add3A_193, %add3A_192 : i32
    "tpu.region"() ({
      %run_scoped3A_303 = tpu.sem_alloc : memref<!tpu.dma_semaphore, #tpu.memory_space<semaphore_mem>>
      %dma_start3A = arith.constant 0 : i32
      %dma_start3A_304 = tpu.memref_slice %arg3[%add3A_194, %dma_start3A] : memref<16384x1024xf32, #tpu.memory_space<hbm>> -> memref<32x1024xf32, #tpu.memory_space<hbm>>
      %dma_start3A_305 = arith.constant 0 : i32
      %dma_start3A_306 = tpu.memref_slice %arg3[%add3A_194, %dma_start3A_305] : memref<16384x1024xf32, #tpu.memory_space<hbm>> -> memref<32x1024xf32, #tpu.memory_space<hbm>>
      tpu.enqueue_dma source(%dma_start3A_306 : memref<32x1024xf32, #tpu.memory_space<hbm>>) target(%arg5 : memref<32x1024xf32, #tpu.memory_space<vmem>>) target_semaphore(%run_scoped3A_303 : memref<!tpu.dma_semaphore, #tpu.memory_space<semaphore_mem>>)
      %dma_wait3A = arith.constant 0 : i32
      %dma_wait3A_307 = tpu.memref_slice %arg3[%add3A_194, %dma_wait3A] : memref<16384x1024xf32, #tpu.memory_space<hbm>> -> memref<32x1024xf32, #tpu.memory_space<hbm>>
      %dma_wait3A_308 = arith.constant 0 : i32
      %dma_wait3A_309 = tpu.memref_slice %arg3[%add3A_194, %dma_wait3A_308] : memref<16384x1024xf32, #tpu.memory_space<hbm>> -> memref<32x1024xf32, #tpu.memory_space<hbm>>
      tpu.wait_dma2 semaphore(%run_scoped3A_303 : memref<!tpu.dma_semaphore, #tpu.memory_space<semaphore_mem>>) src(%dma_wait3A_309 : memref<32x1024xf32, #tpu.memory_space<hbm>>) dst(%arg5 : memref<32x1024xf32, #tpu.memory_space<vmem>>)
      tpu.yield
    }) : () -> ()
    %run_scoped3A_195 = arith.constant 0 : i32
    "tpu.region"() ({
      %run_scoped3A_303 = tpu.sem_alloc : memref<!tpu.dma_semaphore, #tpu.memory_space<semaphore_mem>>
      %dma_start3A = arith.constant 0 : i32
      %dma_start3A_304 = tpu.memref_slice %arg2[%run_scoped3A_195, %add3A_192, %dma_start3A] : memref<4x8192x1024xf32, #tpu.memory_space<hbm>> -> memref<1x32x1024xf32, #tpu.memory_space<hbm>>
      %dma_start3A_305 = tpu.memref_squeeze %dma_start3A_304 : memref<1x32x1024xf32, #tpu.memory_space<hbm>> -> memref<32x1024xf32, #tpu.memory_space<hbm>>
      %dma_start3A_306 = arith.constant 0 : i32
      %dma_start3A_307 = tpu.memref_slice %arg2[%run_scoped3A_195, %add3A_192, %dma_start3A_306] : memref<4x8192x1024xf32, #tpu.memory_space<hbm>> -> memref<1x32x1024xf32, #tpu.memory_space<hbm>>
      %dma_start3A_308 = tpu.memref_squeeze %dma_start3A_307 : memref<1x32x1024xf32, #tpu.memory_space<hbm>> -> memref<32x1024xf32, #tpu.memory_space<hbm>>
      tpu.enqueue_dma source(%dma_start3A_308 : memref<32x1024xf32, #tpu.memory_space<hbm>>) target(%arg6 : memref<32x1024xf32, #tpu.memory_space<vmem>>) target_semaphore(%run_scoped3A_303 : memref<!tpu.dma_semaphore, #tpu.memory_space<semaphore_mem>>)
      %dma_wait3A = arith.constant 0 : i32
      %dma_wait3A_309 = tpu.memref_slice %arg2[%run_scoped3A_195, %add3A_192, %dma_wait3A] : memref<4x8192x1024xf32, #tpu.memory_space<hbm>> -> memref<1x32x1024xf32, #tpu.memory_space<hbm>>
      %dma_wait3A_310 = tpu.memref_squeeze %dma_wait3A_309 : memref<1x32x1024xf32, #tpu.memory_space<hbm>> -> memref<32x1024xf32, #tpu.memory_space<hbm>>
      %dma_wait3A_311 = arith.constant 0 : i32
      %dma_wait3A_312 = tpu.memref_slice %arg2[%run_scoped3A_195, %add3A_192, %dma_wait3A_311] : memref<4x8192x1024xf32, #tpu.memory_space<hbm>> -> memref<1x32x1024xf32, #tpu.memory_space<hbm>>
      %dma_wait3A_313 = tpu.memref_squeeze %dma_wait3A_312 : memref<1x32x1024xf32, #tpu.memory_space<hbm>> -> memref<32x1024xf32, #tpu.memory_space<hbm>>
      tpu.wait_dma2 semaphore(%run_scoped3A_303 : memref<!tpu.dma_semaphore, #tpu.memory_space<semaphore_mem>>) src(%dma_wait3A_313 : memref<32x1024xf32, #tpu.memory_space<hbm>>) dst(%arg6 : memref<32x1024xf32, #tpu.memory_space<vmem>>)
      tpu.yield
    }) : () -> ()
    %scan3A_196 = arith.constant 0 : i32
    %scan3A_197 = arith.constant 0 : i32
    %scan3A_198 = arith.constant 32 : i32
    %scan3A_199 = arith.addi %scan3A_197, %scan3A_198 : i32
    %scan3A_200 = arith.constant 1 : i32
    scf.for %scan3A_303 = %scan3A_197 to %scan3A_199 step %scan3A_200  : i32 {
      %scan3A_304 = arith.constant 0 : i32
      %scan3A_305 = arith.constant 64 : i32
      %scan3A_306 = arith.addi %scan3A_304, %scan3A_305 : i32
      %scan3A_307 = arith.constant 1 : i32
      scf.for %scan3A_309 = %scan3A_304 to %scan3A_306 step %scan3A_307  : i32 {
        %mul3A_310 = arith.constant 16 : i32
        %mul3A_311 = arith.muli %scan3A_309, %mul3A_310 : i32
        %get3A = arith.index_cast %scan3A_303 : i32 to index
        %get3A_312 = arith.index_cast %mul3A_311 : i32 to index
        %get3A_313 = tpu.vector_load %arg5[%get3A, %get3A_312] {strides = array<i32>} : memref<32x1024xf32, #tpu.memory_space<vmem>>, vector<1x16xf32>,
        %get3A_314 = vector.shape_cast %get3A_313 : vector<1x16xf32> to vector<16xf32>
        %swap3A = arith.index_cast %scan3A_303 : i32 to index
        %swap3A_315 = arith.index_cast %mul3A_311 : i32 to index
        %swap3A_316 = tpu.vector_load %arg6[%swap3A, %swap3A_315] {strides = array<i32>} : memref<32x1024xf32, #tpu.memory_space<vmem>>, vector<1x16xf32>,
        %swap3A_317 = vector.shape_cast %swap3A_316 : vector<1x16xf32> to vector<16xf32>
        %swap3A_318 = vector.shape_cast %get3A_314 : vector<16xf32> to vector<1x16xf32>
        tpu.vector_store %arg6[%swap3A, %swap3A_315], %swap3A_318 {add = true, strides = array<i32>} : memref<32x1024xf32, #tpu.memory_space<vmem>>, vector<1x16xf32>,
      }
      %scan3A_308 = arith.constant 64 : i32
    }
    %scan3A_201 = arith.constant 32 : i32
    %run_scoped3A_202 = arith.constant 0 : i32
    "tpu.region"() ({
      %run_scoped3A_303 = tpu.sem_alloc : memref<!tpu.dma_semaphore, #tpu.memory_space<semaphore_mem>>
      %dma_start3A = arith.constant 0 : i32
      %dma_start3A_304 = tpu.memref_slice %arg4[%run_scoped3A_202, %add3A_192, %dma_start3A] : memref<4x8192x1024xf32, #tpu.memory_space<hbm>> -> memref<1x32x1024xf32, #tpu.memory_space<hbm>>
      %dma_start3A_305 = tpu.memref_squeeze %dma_start3A_304 : memref<1x32x1024xf32, #tpu.memory_space<hbm>> -> memref<32x1024xf32, #tpu.memory_space<hbm>>
      %dma_start3A_306 = arith.constant 0 : i32
      %dma_start3A_307 = tpu.memref_slice %arg4[%run_scoped3A_202, %add3A_192, %dma_start3A_306] : memref<4x8192x1024xf32, #tpu.memory_space<hbm>> -> memref<1x32x1024xf32, #tpu.memory_space<hbm>>
      %dma_start3A_308 = tpu.memref_squeeze %dma_start3A_307 : memref<1x32x1024xf32, #tpu.memory_space<hbm>> -> memref<32x1024xf32, #tpu.memory_space<hbm>>
      tpu.enqueue_dma source(%arg6 : memref<32x1024xf32, #tpu.memory_space<vmem>>) target(%dma_start3A_308 : memref<32x1024xf32, #tpu.memory_space<hbm>>) target_semaphore(%run_scoped3A_303 : memref<!tpu.dma_semaphore, #tpu.memory_space<semaphore_mem>>)
      %dma_wait3A = arith.constant 0 : i32
      %dma_wait3A_309 = tpu.memref_slice %arg4[%run_scoped3A_202, %add3A_192, %dma_wait3A] : memref<4x8192x1024xf32, #tpu.memory_space<hbm>> -> memref<1x32x1024xf32, #tpu.memory_space<hbm>>
      %dma_wait3A_310 = tpu.memref_squeeze %dma_wait3A_309 : memref<1x32x1024xf32, #tpu.memory_space<hbm>> -> memref<32x1024xf32, #tpu.memory_space<hbm>>
      %dma_wait3A_311 = arith.constant 0 : i32
      %dma_wait3A_312 = tpu.memref_slice %arg4[%run_scoped3A_202, %add3A_192, %dma_wait3A_311] : memref<4x8192x1024xf32, #tpu.memory_space<hbm>> -> memref<1x32x1024xf32, #tpu.memory_space<hbm>>
      %dma_wait3A_313 = tpu.memref_squeeze %dma_wait3A_312 : memref<1x32x1024xf32, #tpu.memory_space<hbm>> -> memref<32x1024xf32, #tpu.memory_space<hbm>>
      tpu.wait_dma2 semaphore(%run_scoped3A_303 : memref<!tpu.dma_semaphore, #tpu.memory_space<semaphore_mem>>) src(%arg6 : memref<32x1024xf32, #tpu.memory_space<vmem>>) dst(%dma_wait3A_313 : memref<32x1024xf32, #tpu.memory_space<hbm>>)
      tpu.yield
    }) : () -> ()
    %run_scoped3A_203 = arith.constant 1 : i32
    "tpu.region"() ({
      %run_scoped3A_303 = tpu.sem_alloc : memref<!tpu.dma_semaphore, #tpu.memory_space<semaphore_mem>>
      %dma_start3A = arith.constant 0 : i32
      %dma_start3A_304 = tpu.memref_slice %arg2[%run_scoped3A_203, %add3A_192, %dma_start3A] : memref<4x8192x1024xf32, #tpu.memory_space<hbm>> -> memref<1x32x1024xf32, #tpu.memory_space<hbm>>
      %dma_start3A_305 = tpu.memref_squeeze %dma_start3A_304 : memref<1x32x1024xf32, #tpu.memory_space<hbm>> -> memref<32x1024xf32, #tpu.memory_space<hbm>>
      %dma_start3A_306 = arith.constant 0 : i32
      %dma_start3A_307 = tpu.memref_slice %arg2[%run_scoped3A_203, %add3A_192, %dma_start3A_306] : memref<4x8192x1024xf32, #tpu.memory_space<hbm>> -> memref<1x32x1024xf32, #tpu.memory_space<hbm>>
      %dma_start3A_308 = tpu.memref_squeeze %dma_start3A_307 : memref<1x32x1024xf32, #tpu.memory_space<hbm>> -> memref<32x1024xf32, #tpu.memory_space<hbm>>
      tpu.enqueue_dma source(%dma_start3A_308 : memref<32x1024xf32, #tpu.memory_space<hbm>>) target(%arg6 : memref<32x1024xf32, #tpu.memory_space<vmem>>) target_semaphore(%run_scoped3A_303 : memref<!tpu.dma_semaphore, #tpu.memory_space<semaphore_mem>>)
      %dma_wait3A = arith.constant 0 : i32
      %dma_wait3A_309 = tpu.memref_slice %arg2[%run_scoped3A_203, %add3A_192, %dma_wait3A] : memref<4x8192x1024xf32, #tpu.memory_space<hbm>> -> memref<1x32x1024xf32, #tpu.memory_space<hbm>>
      %dma_wait3A_310 = tpu.memref_squeeze %dma_wait3A_309 : memref<1x32x1024xf32, #tpu.memory_space<hbm>> -> memref<32x1024xf32, #tpu.memory_space<hbm>>
      %dma_wait3A_311 = arith.constant 0 : i32
      %dma_wait3A_312 = tpu.memref_slice %arg2[%run_scoped3A_203, %add3A_192, %dma_wait3A_311] : memref<4x8192x1024xf32, #tpu.memory_space<hbm>> -> memref<1x32x1024xf32, #tpu.memory_space<hbm>>
      %dma_wait3A_313 = tpu.memref_squeeze %dma_wait3A_312 : memref<1x32x1024xf32, #tpu.memory_space<hbm>> -> memref<32x1024xf32, #tpu.memory_space<hbm>>
      tpu.wait_dma2 semaphore(%run_scoped3A_303 : memref<!tpu.dma_semaphore, #tpu.memory_space<semaphore_mem>>) src(%dma_wait3A_313 : memref<32x1024xf32, #tpu.memory_space<hbm>>) dst(%arg6 : memref<32x1024xf32, #tpu.memory_space<vmem>>)
      tpu.yield
    }) : () -> ()
    %scan3A_204 = arith.constant 0 : i32
    %scan3A_205 = arith.constant 0 : i32
    %scan3A_206 = arith.constant 32 : i32
    %scan3A_207 = arith.addi %scan3A_205, %scan3A_206 : i32
    %scan3A_208 = arith.constant 1 : i32
    scf.for %scan3A_303 = %scan3A_205 to %scan3A_207 step %scan3A_208  : i32 {
      %scan3A_304 = arith.constant 0 : i32
      %scan3A_305 = arith.constant 64 : i32
      %scan3A_306 = arith.addi %scan3A_304, %scan3A_305 : i32
      %scan3A_307 = arith.constant 1 : i32
      scf.for %scan3A_309 = %scan3A_304 to %scan3A_306 step %scan3A_307  : i32 {
        %mul3A_310 = arith.constant 16 : i32
        %mul3A_311 = arith.muli %scan3A_309, %mul3A_310 : i32
        %get3A = arith.index_cast %scan3A_303 : i32 to index
        %get3A_312 = arith.index_cast %mul3A_311 : i32 to index
        %get3A_313 = tpu.vector_load %arg5[%get3A, %get3A_312] {strides = array<i32>} : memref<32x1024xf32, #tpu.memory_space<vmem>>, vector<1x16xf32>,
        %get3A_314 = vector.shape_cast %get3A_313 : vector<1x16xf32> to vector<16xf32>
        %swap3A = arith.index_cast %scan3A_303 : i32 to index
        %swap3A_315 = arith.index_cast %mul3A_311 : i32 to index
        %swap3A_316 = tpu.vector_load %arg6[%swap3A, %swap3A_315] {strides = array<i32>} : memref<32x1024xf32, #tpu.memory_space<vmem>>, vector<1x16xf32>,
        %swap3A_317 = vector.shape_cast %swap3A_316 : vector<1x16xf32> to vector<16xf32>
        %swap3A_318 = vector.shape_cast %get3A_314 : vector<16xf32> to vector<1x16xf32>
        tpu.vector_store %arg6[%swap3A, %swap3A_315], %swap3A_318 {add = true, strides = array<i32>} : memref<32x1024xf32, #tpu.memory_space<vmem>>, vector<1x16xf32>,
      }
      %scan3A_308 = arith.constant 64 : i32
    }
    %scan3A_209 = arith.constant 32 : i32
    %run_scoped3A_210 = arith.constant 1 : i32
    "tpu.region"() ({
      %run_scoped3A_303 = tpu.sem_alloc : memref<!tpu.dma_semaphore, #tpu.memory_space<semaphore_mem>>
      %dma_start3A = arith.constant 0 : i32
      %dma_start3A_304 = tpu.memref_slice %arg4[%run_scoped3A_210, %add3A_192, %dma_start3A] : memref<4x8192x1024xf32, #tpu.memory_space<hbm>> -> memref<1x32x1024xf32, #tpu.memory_space<hbm>>
      %dma_start3A_305 = tpu.memref_squeeze %dma_start3A_304 : memref<1x32x1024xf32, #tpu.memory_space<hbm>> -> memref<32x1024xf32, #tpu.memory_space<hbm>>
      %dma_start3A_306 = arith.constant 0 : i32
      %dma_start3A_307 = tpu.memref_slice %arg4[%run_scoped3A_210, %add3A_192, %dma_start3A_306] : memref<4x8192x1024xf32, #tpu.memory_space<hbm>> -> memref<1x32x1024xf32, #tpu.memory_space<hbm>>
      %dma_start3A_308 = tpu.memref_squeeze %dma_start3A_307 : memref<1x32x1024xf32, #tpu.memory_space<hbm>> -> memref<32x1024xf32, #tpu.memory_space<hbm>>
      tpu.enqueue_dma source(%arg6 : memref<32x1024xf32, #tpu.memory_space<vmem>>) target(%dma_start3A_308 : memref<32x1024xf32, #tpu.memory_space<hbm>>) target_semaphore(%run_scoped3A_303 : memref<!tpu.dma_semaphore, #tpu.memory_space<semaphore_mem>>)
      %dma_wait3A = arith.constant 0 : i32
      %dma_wait3A_309 = tpu.memref_slice %arg4[%run_scoped3A_210, %add3A_192, %dma_wait3A] : memref<4x8192x1024xf32, #tpu.memory_space<hbm>> -> memref<1x32x1024xf32, #tpu.memory_space<hbm>>
      %dma_wait3A_310 = tpu.memref_squeeze %dma_wait3A_309 : memref<1x32x1024xf32, #tpu.memory_space<hbm>> -> memref<32x1024xf32, #tpu.memory_space<hbm>>
      %dma_wait3A_311 = arith.constant 0 : i32
      %dma_wait3A_312 = tpu.memref_slice %arg4[%run_scoped3A_210, %add3A_192, %dma_wait3A_311] : memref<4x8192x1024xf32, #tpu.memory_space<hbm>> -> memref<1x32x1024xf32, #tpu.memory_space<hbm>>
      %dma_wait3A_313 = tpu.memref_squeeze %dma_wait3A_312 : memref<1x32x1024xf32, #tpu.memory_space<hbm>> -> memref<32x1024xf32, #tpu.memory_space<hbm>>
      tpu.wait_dma2 semaphore(%run_scoped3A_303 : memref<!tpu.dma_semaphore, #tpu.memory_space<semaphore_mem>>) src(%arg6 : memref<32x1024xf32, #tpu.memory_space<vmem>>) dst(%dma_wait3A_313 : memref<32x1024xf32, #tpu.memory_space<hbm>>)
      tpu.yield
    }) : () -> ()
    %run_scoped3A_211 = arith.constant 2 : i32
    "tpu.region"() ({
      %run_scoped3A_303 = tpu.sem_alloc : memref<!tpu.dma_semaphore, #tpu.memory_space<semaphore_mem>>
      %dma_start3A = arith.constant 0 : i32
      %dma_start3A_304 = tpu.memref_slice %arg2[%run_scoped3A_211, %add3A_192, %dma_start3A] : memref<4x8192x1024xf32, #tpu.memory_space<hbm>> -> memref<1x32x1024xf32, #tpu.memory_space<hbm>>
      %dma_start3A_305 = tpu.memref_squeeze %dma_start3A_304 : memref<1x32x1024xf32, #tpu.memory_space<hbm>> -> memref<32x1024xf32, #tpu.memory_space<hbm>>
      %dma_start3A_306 = arith.constant 0 : i32
      %dma_start3A_307 = tpu.memref_slice %arg2[%run_scoped3A_211, %add3A_192, %dma_start3A_306] : memref<4x8192x1024xf32, #tpu.memory_space<hbm>> -> memref<1x32x1024xf32, #tpu.memory_space<hbm>>
      %dma_start3A_308 = tpu.memref_squeeze %dma_start3A_307 : memref<1x32x1024xf32, #tpu.memory_space<hbm>> -> memref<32x1024xf32, #tpu.memory_space<hbm>>
      tpu.enqueue_dma source(%dma_start3A_308 : memref<32x1024xf32, #tpu.memory_space<hbm>>) target(%arg6 : memref<32x1024xf32, #tpu.memory_space<vmem>>) target_semaphore(%run_scoped3A_303 : memref<!tpu.dma_semaphore, #tpu.memory_space<semaphore_mem>>)
      %dma_wait3A = arith.constant 0 : i32
      %dma_wait3A_309 = tpu.memref_slice %arg2[%run_scoped3A_211, %add3A_192, %dma_wait3A] : memref<4x8192x1024xf32, #tpu.memory_space<hbm>> -> memref<1x32x1024xf32, #tpu.memory_space<hbm>>
      %dma_wait3A_310 = tpu.memref_squeeze %dma_wait3A_309 : memref<1x32x1024xf32, #tpu.memory_space<hbm>> -> memref<32x1024xf32, #tpu.memory_space<hbm>>
      %dma_wait3A_311 = arith.constant 0 : i32
      %dma_wait3A_312 = tpu.memref_slice %arg2[%run_scoped3A_211, %add3A_192, %dma_wait3A_311] : memref<4x8192x1024xf32, #tpu.memory_space<hbm>> -> memref<1x32x1024xf32, #tpu.memory_space<hbm>>
      %dma_wait3A_313 = tpu.memref_squeeze %dma_wait3A_312 : memref<1x32x1024xf32, #tpu.memory_space<hbm>> -> memref<32x1024xf32, #tpu.memory_space<hbm>>
      tpu.wait_dma2 semaphore(%run_scoped3A_303 : memref<!tpu.dma_semaphore, #tpu.memory_space<semaphore_mem>>) src(%dma_wait3A_313 : memref<32x1024xf32, #tpu.memory_space<hbm>>) dst(%arg6 : memref<32x1024xf32, #tpu.memory_space<vmem>>)
      tpu.yield
    }) : () -> ()
    %scan3A_212 = arith.constant 0 : i32
    %scan3A_213 = arith.constant 0 : i32
    %scan3A_214 = arith.constant 32 : i32
    %scan3A_215 = arith.addi %scan3A_213, %scan3A_214 : i32
    %scan3A_216 = arith.constant 1 : i32
    scf.for %scan3A_303 = %scan3A_213 to %scan3A_215 step %scan3A_216  : i32 {
      %scan3A_304 = arith.constant 0 : i32
      %scan3A_305 = arith.constant 64 : i32
      %scan3A_306 = arith.addi %scan3A_304, %scan3A_305 : i32
      %scan3A_307 = arith.constant 1 : i32
      scf.for %scan3A_309 = %scan3A_304 to %scan3A_306 step %scan3A_307  : i32 {
        %mul3A_310 = arith.constant 16 : i32
        %mul3A_311 = arith.muli %scan3A_309, %mul3A_310 : i32
        %get3A = arith.index_cast %scan3A_303 : i32 to index
        %get3A_312 = arith.index_cast %mul3A_311 : i32 to index
        %get3A_313 = tpu.vector_load %arg5[%get3A, %get3A_312] {strides = array<i32>} : memref<32x1024xf32, #tpu.memory_space<vmem>>, vector<1x16xf32>,
        %get3A_314 = vector.shape_cast %get3A_313 : vector<1x16xf32> to vector<16xf32>
        %swap3A = arith.index_cast %scan3A_303 : i32 to index
        %swap3A_315 = arith.index_cast %mul3A_311 : i32 to index
        %swap3A_316 = tpu.vector_load %arg6[%swap3A, %swap3A_315] {strides = array<i32>} : memref<32x1024xf32, #tpu.memory_space<vmem>>, vector<1x16xf32>,
        %swap3A_317 = vector.shape_cast %swap3A_316 : vector<1x16xf32> to vector<16xf32>
        %swap3A_318 = vector.shape_cast %get3A_314 : vector<16xf32> to vector<1x16xf32>
        tpu.vector_store %arg6[%swap3A, %swap3A_315], %swap3A_318 {add = true, strides = array<i32>} : memref<32x1024xf32, #tpu.memory_space<vmem>>, vector<1x16xf32>,
      }
      %scan3A_308 = arith.constant 64 : i32
    }
    %scan3A_217 = arith.constant 32 : i32
    %run_scoped3A_218 = arith.constant 2 : i32
    "tpu.region"() ({
      %run_scoped3A_303 = tpu.sem_alloc : memref<!tpu.dma_semaphore, #tpu.memory_space<semaphore_mem>>
      %dma_start3A = arith.constant 0 : i32
      %dma_start3A_304 = tpu.memref_slice %arg4[%run_scoped3A_218, %add3A_192, %dma_start3A] : memref<4x8192x1024xf32, #tpu.memory_space<hbm>> -> memref<1x32x1024xf32, #tpu.memory_space<hbm>>
      %dma_start3A_305 = tpu.memref_squeeze %dma_start3A_304 : memref<1x32x1024xf32, #tpu.memory_space<hbm>> -> memref<32x1024xf32, #tpu.memory_space<hbm>>
      %dma_start3A_306 = arith.constant 0 : i32
      %dma_start3A_307 = tpu.memref_slice %arg4[%run_scoped3A_218, %add3A_192, %dma_start3A_306] : memref<4x8192x1024xf32, #tpu.memory_space<hbm>> -> memref<1x32x1024xf32, #tpu.memory_space<hbm>>
      %dma_start3A_308 = tpu.memref_squeeze %dma_start3A_307 : memref<1x32x1024xf32, #tpu.memory_space<hbm>> -> memref<32x1024xf32, #tpu.memory_space<hbm>>
      tpu.enqueue_dma source(%arg6 : memref<32x1024xf32, #tpu.memory_space<vmem>>) target(%dma_start3A_308 : memref<32x1024xf32, #tpu.memory_space<hbm>>) target_semaphore(%run_scoped3A_303 : memref<!tpu.dma_semaphore, #tpu.memory_space<semaphore_mem>>)
      %dma_wait3A = arith.constant 0 : i32
      %dma_wait3A_309 = tpu.memref_slice %arg4[%run_scoped3A_218, %add3A_192, %dma_wait3A] : memref<4x8192x1024xf32, #tpu.memory_space<hbm>> -> memref<1x32x1024xf32, #tpu.memory_space<hbm>>
      %dma_wait3A_310 = tpu.memref_squeeze %dma_wait3A_309 : memref<1x32x1024xf32, #tpu.memory_space<hbm>> -> memref<32x1024xf32, #tpu.memory_space<hbm>>
      %dma_wait3A_311 = arith.constant 0 : i32
      %dma_wait3A_312 = tpu.memref_slice %arg4[%run_scoped3A_218, %add3A_192, %dma_wait3A_311] : memref<4x8192x1024xf32, #tpu.memory_space<hbm>> -> memref<1x32x1024xf32, #tpu.memory_space<hbm>>
      %dma_wait3A_313 = tpu.memref_squeeze %dma_wait3A_312 : memref<1x32x1024xf32, #tpu.memory_space<hbm>> -> memref<32x1024xf32, #tpu.memory_space<hbm>>
      tpu.wait_dma2 semaphore(%run_scoped3A_303 : memref<!tpu.dma_semaphore, #tpu.memory_space<semaphore_mem>>) src(%arg6 : memref<32x1024xf32, #tpu.memory_space<vmem>>) dst(%dma_wait3A_313 : memref<32x1024xf32, #tpu.memory_space<hbm>>)
      tpu.yield
    }) : () -> ()
    %run_scoped3A_219 = arith.constant 3 : i32
    "tpu.region"() ({
      %run_scoped3A_303 = tpu.sem_alloc : memref<!tpu.dma_semaphore, #tpu.memory_space<semaphore_mem>>
      %dma_start3A = arith.constant 0 : i32
      %dma_start3A_304 = tpu.memref_slice %arg2[%run_scoped3A_219, %add3A_192, %dma_start3A] : memref<4x8192x1024xf32, #tpu.memory_space<hbm>> -> memref<1x32x1024xf32, #tpu.memory_space<hbm>>
      %dma_start3A_305 = tpu.memref_squeeze %dma_start3A_304 : memref<1x32x1024xf32, #tpu.memory_space<hbm>> -> memref<32x1024xf32, #tpu.memory_space<hbm>>
      %dma_start3A_306 = arith.constant 0 : i32
      %dma_start3A_307 = tpu.memref_slice %arg2[%run_scoped3A_219, %add3A_192, %dma_start3A_306] : memref<4x8192x1024xf32, #tpu.memory_space<hbm>> -> memref<1x32x1024xf32, #tpu.memory_space<hbm>>
      %dma_start3A_308 = tpu.memref_squeeze %dma_start3A_307 : memref<1x32x1024xf32, #tpu.memory_space<hbm>> -> memref<32x1024xf32, #tpu.memory_space<hbm>>
      tpu.enqueue_dma source(%dma_start3A_308 : memref<32x1024xf32, #tpu.memory_space<hbm>>) target(%arg6 : memref<32x1024xf32, #tpu.memory_space<vmem>>) target_semaphore(%run_scoped3A_303 : memref<!tpu.dma_semaphore, #tpu.memory_space<semaphore_mem>>)
      %dma_wait3A = arith.constant 0 : i32
      %dma_wait3A_309 = tpu.memref_slice %arg2[%run_scoped3A_219, %add3A_192, %dma_wait3A] : memref<4x8192x1024xf32, #tpu.memory_space<hbm>> -> memref<1x32x1024xf32, #tpu.memory_space<hbm>>
      %dma_wait3A_310 = tpu.memref_squeeze %dma_wait3A_309 : memref<1x32x1024xf32, #tpu.memory_space<hbm>> -> memref<32x1024xf32, #tpu.memory_space<hbm>>
      %dma_wait3A_311 = arith.constant 0 : i32
      %dma_wait3A_312 = tpu.memref_slice %arg2[%run_scoped3A_219, %add3A_192, %dma_wait3A_311] : memref<4x8192x1024xf32, #tpu.memory_space<hbm>> -> memref<1x32x1024xf32, #tpu.memory_space<hbm>>
      %dma_wait3A_313 = tpu.memref_squeeze %dma_wait3A_312 : memref<1x32x1024xf32, #tpu.memory_space<hbm>> -> memref<32x1024xf32, #tpu.memory_space<hbm>>
      tpu.wait_dma2 semaphore(%run_scoped3A_303 : memref<!tpu.dma_semaphore, #tpu.memory_space<semaphore_mem>>) src(%dma_wait3A_313 : memref<32x1024xf32, #tpu.memory_space<hbm>>) dst(%arg6 : memref<32x1024xf32, #tpu.memory_space<vmem>>)
      tpu.yield
    }) : () -> ()
    %scan3A_220 = arith.constant 0 : i32
    %scan3A_221 = arith.constant 0 : i32
    %scan3A_222 = arith.constant 32 : i32
    %scan3A_223 = arith.addi %scan3A_221, %scan3A_222 : i32
    %scan3A_224 = arith.constant 1 : i32
    scf.for %scan3A_303 = %scan3A_221 to %scan3A_223 step %scan3A_224  : i32 {
      %scan3A_304 = arith.constant 0 : i32
      %scan3A_305 = arith.constant 64 : i32
      %scan3A_306 = arith.addi %scan3A_304, %scan3A_305 : i32
      %scan3A_307 = arith.constant 1 : i32
      scf.for %scan3A_309 = %scan3A_304 to %scan3A_306 step %scan3A_307  : i32 {
        %mul3A_310 = arith.constant 16 : i32
        %mul3A_311 = arith.muli %scan3A_309, %mul3A_310 : i32
        %get3A = arith.index_cast %scan3A_303 : i32 to index
        %get3A_312 = arith.index_cast %mul3A_311 : i32 to index
        %get3A_313 = tpu.vector_load %arg5[%get3A, %get3A_312] {strides = array<i32>} : memref<32x1024xf32, #tpu.memory_space<vmem>>, vector<1x16xf32>,
        %get3A_314 = vector.shape_cast %get3A_313 : vector<1x16xf32> to vector<16xf32>
        %swap3A = arith.index_cast %scan3A_303 : i32 to index
        %swap3A_315 = arith.index_cast %mul3A_311 : i32 to index
        %swap3A_316 = tpu.vector_load %arg6[%swap3A, %swap3A_315] {strides = array<i32>} : memref<32x1024xf32, #tpu.memory_space<vmem>>, vector<1x16xf32>,
        %swap3A_317 = vector.shape_cast %swap3A_316 : vector<1x16xf32> to vector<16xf32>
        %swap3A_318 = vector.shape_cast %get3A_314 : vector<16xf32> to vector<1x16xf32>
        tpu.vector_store %arg6[%swap3A, %swap3A_315], %swap3A_318 {add = true, strides = array<i32>} : memref<32x1024xf32, #tpu.memory_space<vmem>>, vector<1x16xf32>,
      }
      %scan3A_308 = arith.constant 64 : i32
    }
    %scan3A_225 = arith.constant 32 : i32
    %run_scoped3A_226 = arith.constant 3 : i32
    "tpu.region"() ({
      %run_scoped3A_303 = tpu.sem_alloc : memref<!tpu.dma_semaphore, #tpu.memory_space<semaphore_mem>>
      %dma_start3A = arith.constant 0 : i32
      %dma_start3A_304 = tpu.memref_slice %arg4[%run_scoped3A_226, %add3A_192, %dma_start3A] : memref<4x8192x1024xf32, #tpu.memory_space<hbm>> -> memref<1x32x1024xf32, #tpu.memory_space<hbm>>
      %dma_start3A_305 = tpu.memref_squeeze %dma_start3A_304 : memref<1x32x1024xf32, #tpu.memory_space<hbm>> -> memref<32x1024xf32, #tpu.memory_space<hbm>>
      %dma_start3A_306 = arith.constant 0 : i32
      %dma_start3A_307 = tpu.memref_slice %arg4[%run_scoped3A_226, %add3A_192, %dma_start3A_306] : memref<4x8192x1024xf32, #tpu.memory_space<hbm>> -> memref<1x32x1024xf32, #tpu.memory_space<hbm>>
      %dma_start3A_308 = tpu.memref_squeeze %dma_start3A_307 : memref<1x32x1024xf32, #tpu.memory_space<hbm>> -> memref<32x1024xf32, #tpu.memory_space<hbm>>
      tpu.enqueue_dma source(%arg6 : memref<32x1024xf32, #tpu.memory_space<vmem>>) target(%dma_start3A_308 : memref<32x1024xf32, #tpu.memory_space<hbm>>) target_semaphore(%run_scoped3A_303 : memref<!tpu.dma_semaphore, #tpu.memory_space<semaphore_mem>>)
      %dma_wait3A = arith.constant 0 : i32
      %dma_wait3A_309 = tpu.memref_slice %arg4[%run_scoped3A_226, %add3A_192, %dma_wait3A] : memref<4x8192x1024xf32, #tpu.memory_space<hbm>> -> memref<1x32x1024xf32, #tpu.memory_space<hbm>>
      %dma_wait3A_310 = tpu.memref_squeeze %dma_wait3A_309 : memref<1x32x1024xf32, #tpu.memory_space<hbm>> -> memref<32x1024xf32, #tpu.memory_space<hbm>>
      %dma_wait3A_311 = arith.constant 0 : i32
      %dma_wait3A_312 = tpu.memref_slice %arg4[%run_scoped3A_226, %add3A_192, %dma_wait3A_311] : memref<4x8192x1024xf32, #tpu.memory_space<hbm>> -> memref<1x32x1024xf32, #tpu.memory_space<hbm>>
      %dma_wait3A_313 = tpu.memref_squeeze %dma_wait3A_312 : memref<1x32x1024xf32, #tpu.memory_space<hbm>> -> memref<32x1024xf32, #tpu.memory_space<hbm>>
      tpu.wait_dma2 semaphore(%run_scoped3A_303 : memref<!tpu.dma_semaphore, #tpu.memory_space<semaphore_mem>>) src(%arg6 : memref<32x1024xf32, #tpu.memory_space<vmem>>) dst(%dma_wait3A_313 : memref<32x1024xf32, #tpu.memory_space<hbm>>)
      tpu.yield
    }) : () -> ()
    %mul3A_227 = arith.constant 256 : i32
    %mul3A_228 = arith.muli %add3A, %mul3A_227 : i32
    %add3A_229 = arith.constant 192 : i32
    %add3A_230 = arith.addi %mul3A_228, %add3A_229 : i32
    %add3A_231 = arith.constant 8192 : i32
    %add3A_232 = arith.addi %add3A_231, %add3A_230 : i32
    "tpu.region"() ({
      %run_scoped3A_303 = tpu.sem_alloc : memref<!tpu.dma_semaphore, #tpu.memory_space<semaphore_mem>>
      %dma_start3A = arith.constant 0 : i32
      %dma_start3A_304 = tpu.memref_slice %arg3[%add3A_232, %dma_start3A] : memref<16384x1024xf32, #tpu.memory_space<hbm>> -> memref<32x1024xf32, #tpu.memory_space<hbm>>
      %dma_start3A_305 = arith.constant 0 : i32
      %dma_start3A_306 = tpu.memref_slice %arg3[%add3A_232, %dma_start3A_305] : memref<16384x1024xf32, #tpu.memory_space<hbm>> -> memref<32x1024xf32, #tpu.memory_space<hbm>>
      tpu.enqueue_dma source(%dma_start3A_306 : memref<32x1024xf32, #tpu.memory_space<hbm>>) target(%arg5 : memref<32x1024xf32, #tpu.memory_space<vmem>>) target_semaphore(%run_scoped3A_303 : memref<!tpu.dma_semaphore, #tpu.memory_space<semaphore_mem>>)
      %dma_wait3A = arith.constant 0 : i32
      %dma_wait3A_307 = tpu.memref_slice %arg3[%add3A_232, %dma_wait3A] : memref<16384x1024xf32, #tpu.memory_space<hbm>> -> memref<32x1024xf32, #tpu.memory_space<hbm>>
      %dma_wait3A_308 = arith.constant 0 : i32
      %dma_wait3A_309 = tpu.memref_slice %arg3[%add3A_232, %dma_wait3A_308] : memref<16384x1024xf32, #tpu.memory_space<hbm>> -> memref<32x1024xf32, #tpu.memory_space<hbm>>
      tpu.wait_dma2 semaphore(%run_scoped3A_303 : memref<!tpu.dma_semaphore, #tpu.memory_space<semaphore_mem>>) src(%dma_wait3A_309 : memref<32x1024xf32, #tpu.memory_space<hbm>>) dst(%arg5 : memref<32x1024xf32, #tpu.memory_space<vmem>>)
      tpu.yield
    }) : () -> ()
    %run_scoped3A_233 = arith.constant 0 : i32
    "tpu.region"() ({
      %run_scoped3A_303 = tpu.sem_alloc : memref<!tpu.dma_semaphore, #tpu.memory_space<semaphore_mem>>
      %dma_start3A = arith.constant 0 : i32
      %dma_start3A_304 = tpu.memref_slice %arg2[%run_scoped3A_233, %add3A_230, %dma_start3A] : memref<4x8192x1024xf32, #tpu.memory_space<hbm>> -> memref<1x32x1024xf32, #tpu.memory_space<hbm>>
      %dma_start3A_305 = tpu.memref_squeeze %dma_start3A_304 : memref<1x32x1024xf32, #tpu.memory_space<hbm>> -> memref<32x1024xf32, #tpu.memory_space<hbm>>
      %dma_start3A_306 = arith.constant 0 : i32
      %dma_start3A_307 = tpu.memref_slice %arg2[%run_scoped3A_233, %add3A_230, %dma_start3A_306] : memref<4x8192x1024xf32, #tpu.memory_space<hbm>> -> memref<1x32x1024xf32, #tpu.memory_space<hbm>>
      %dma_start3A_308 = tpu.memref_squeeze %dma_start3A_307 : memref<1x32x1024xf32, #tpu.memory_space<hbm>> -> memref<32x1024xf32, #tpu.memory_space<hbm>>
      tpu.enqueue_dma source(%dma_start3A_308 : memref<32x1024xf32, #tpu.memory_space<hbm>>) target(%arg6 : memref<32x1024xf32, #tpu.memory_space<vmem>>) target_semaphore(%run_scoped3A_303 : memref<!tpu.dma_semaphore, #tpu.memory_space<semaphore_mem>>)
      %dma_wait3A = arith.constant 0 : i32
      %dma_wait3A_309 = tpu.memref_slice %arg2[%run_scoped3A_233, %add3A_230, %dma_wait3A] : memref<4x8192x1024xf32, #tpu.memory_space<hbm>> -> memref<1x32x1024xf32, #tpu.memory_space<hbm>>
      %dma_wait3A_310 = tpu.memref_squeeze %dma_wait3A_309 : memref<1x32x1024xf32, #tpu.memory_space<hbm>> -> memref<32x1024xf32, #tpu.memory_space<hbm>>
      %dma_wait3A_311 = arith.constant 0 : i32
      %dma_wait3A_312 = tpu.memref_slice %arg2[%run_scoped3A_233, %add3A_230, %dma_wait3A_311] : memref<4x8192x1024xf32, #tpu.memory_space<hbm>> -> memref<1x32x1024xf32, #tpu.memory_space<hbm>>
      %dma_wait3A_313 = tpu.memref_squeeze %dma_wait3A_312 : memref<1x32x1024xf32, #tpu.memory_space<hbm>> -> memref<32x1024xf32, #tpu.memory_space<hbm>>
      tpu.wait_dma2 semaphore(%run_scoped3A_303 : memref<!tpu.dma_semaphore, #tpu.memory_space<semaphore_mem>>) src(%dma_wait3A_313 : memref<32x1024xf32, #tpu.memory_space<hbm>>) dst(%arg6 : memref<32x1024xf32, #tpu.memory_space<vmem>>)
      tpu.yield
    }) : () -> ()
    %scan3A_234 = arith.constant 0 : i32
    %scan3A_235 = arith.constant 0 : i32
    %scan3A_236 = arith.constant 32 : i32
    %scan3A_237 = arith.addi %scan3A_235, %scan3A_236 : i32
    %scan3A_238 = arith.constant 1 : i32
    scf.for %scan3A_303 = %scan3A_235 to %scan3A_237 step %scan3A_238  : i32 {
      %scan3A_304 = arith.constant 0 : i32
      %scan3A_305 = arith.constant 64 : i32
      %scan3A_306 = arith.addi %scan3A_304, %scan3A_305 : i32
      %scan3A_307 = arith.constant 1 : i32
      scf.for %scan3A_309 = %scan3A_304 to %scan3A_306 step %scan3A_307  : i32 {
        %mul3A_310 = arith.constant 16 : i32
        %mul3A_311 = arith.muli %scan3A_309, %mul3A_310 : i32
        %get3A = arith.index_cast %scan3A_303 : i32 to index
        %get3A_312 = arith.index_cast %mul3A_311 : i32 to index
        %get3A_313 = tpu.vector_load %arg5[%get3A, %get3A_312] {strides = array<i32>} : memref<32x1024xf32, #tpu.memory_space<vmem>>, vector<1x16xf32>,
        %get3A_314 = vector.shape_cast %get3A_313 : vector<1x16xf32> to vector<16xf32>
        %swap3A = arith.index_cast %scan3A_303 : i32 to index
        %swap3A_315 = arith.index_cast %mul3A_311 : i32 to index
        %swap3A_316 = tpu.vector_load %arg6[%swap3A, %swap3A_315] {strides = array<i32>} : memref<32x1024xf32, #tpu.memory_space<vmem>>, vector<1x16xf32>,
        %swap3A_317 = vector.shape_cast %swap3A_316 : vector<1x16xf32> to vector<16xf32>
        %swap3A_318 = vector.shape_cast %get3A_314 : vector<16xf32> to vector<1x16xf32>
        tpu.vector_store %arg6[%swap3A, %swap3A_315], %swap3A_318 {add = true, strides = array<i32>} : memref<32x1024xf32, #tpu.memory_space<vmem>>, vector<1x16xf32>,
      }
      %scan3A_308 = arith.constant 64 : i32
    }
    %scan3A_239 = arith.constant 32 : i32
    %run_scoped3A_240 = arith.constant 0 : i32
    "tpu.region"() ({
      %run_scoped3A_303 = tpu.sem_alloc : memref<!tpu.dma_semaphore, #tpu.memory_space<semaphore_mem>>
      %dma_start3A = arith.constant 0 : i32
      %dma_start3A_304 = tpu.memref_slice %arg4[%run_scoped3A_240, %add3A_230, %dma_start3A] : memref<4x8192x1024xf32, #tpu.memory_space<hbm>> -> memref<1x32x1024xf32, #tpu.memory_space<hbm>>
      %dma_start3A_305 = tpu.memref_squeeze %dma_start3A_304 : memref<1x32x1024xf32, #tpu.memory_space<hbm>> -> memref<32x1024xf32, #tpu.memory_space<hbm>>
      %dma_start3A_306 = arith.constant 0 : i32
      %dma_start3A_307 = tpu.memref_slice %arg4[%run_scoped3A_240, %add3A_230, %dma_start3A_306] : memref<4x8192x1024xf32, #tpu.memory_space<hbm>> -> memref<1x32x1024xf32, #tpu.memory_space<hbm>>
      %dma_start3A_308 = tpu.memref_squeeze %dma_start3A_307 : memref<1x32x1024xf32, #tpu.memory_space<hbm>> -> memref<32x1024xf32, #tpu.memory_space<hbm>>
      tpu.enqueue_dma source(%arg6 : memref<32x1024xf32, #tpu.memory_space<vmem>>) target(%dma_start3A_308 : memref<32x1024xf32, #tpu.memory_space<hbm>>) target_semaphore(%run_scoped3A_303 : memref<!tpu.dma_semaphore, #tpu.memory_space<semaphore_mem>>)
      %dma_wait3A = arith.constant 0 : i32
      %dma_wait3A_309 = tpu.memref_slice %arg4[%run_scoped3A_240, %add3A_230, %dma_wait3A] : memref<4x8192x1024xf32, #tpu.memory_space<hbm>> -> memref<1x32x1024xf32, #tpu.memory_space<hbm>>
      %dma_wait3A_310 = tpu.memref_squeeze %dma_wait3A_309 : memref<1x32x1024xf32, #tpu.memory_space<hbm>> -> memref<32x1024xf32, #tpu.memory_space<hbm>>
      %dma_wait3A_311 = arith.constant 0 : i32
      %dma_wait3A_312 = tpu.memref_slice %arg4[%run_scoped3A_240, %add3A_230, %dma_wait3A_311] : memref<4x8192x1024xf32, #tpu.memory_space<hbm>> -> memref<1x32x1024xf32, #tpu.memory_space<hbm>>
      %dma_wait3A_313 = tpu.memref_squeeze %dma_wait3A_312 : memref<1x32x1024xf32, #tpu.memory_space<hbm>> -> memref<32x1024xf32, #tpu.memory_space<hbm>>
      tpu.wait_dma2 semaphore(%run_scoped3A_303 : memref<!tpu.dma_semaphore, #tpu.memory_space<semaphore_mem>>) src(%arg6 : memref<32x1024xf32, #tpu.memory_space<vmem>>) dst(%dma_wait3A_313 : memref<32x1024xf32, #tpu.memory_space<hbm>>)
      tpu.yield
    }) : () -> ()
    %run_scoped3A_241 = arith.constant 1 : i32
    "tpu.region"() ({
      %run_scoped3A_303 = tpu.sem_alloc : memref<!tpu.dma_semaphore, #tpu.memory_space<semaphore_mem>>
      %dma_start3A = arith.constant 0 : i32
      %dma_start3A_304 = tpu.memref_slice %arg2[%run_scoped3A_241, %add3A_230, %dma_start3A] : memref<4x8192x1024xf32, #tpu.memory_space<hbm>> -> memref<1x32x1024xf32, #tpu.memory_space<hbm>>
      %dma_start3A_305 = tpu.memref_squeeze %dma_start3A_304 : memref<1x32x1024xf32, #tpu.memory_space<hbm>> -> memref<32x1024xf32, #tpu.memory_space<hbm>>
      %dma_start3A_306 = arith.constant 0 : i32
      %dma_start3A_307 = tpu.memref_slice %arg2[%run_scoped3A_241, %add3A_230, %dma_start3A_306] : memref<4x8192x1024xf32, #tpu.memory_space<hbm>> -> memref<1x32x1024xf32, #tpu.memory_space<hbm>>
      %dma_start3A_308 = tpu.memref_squeeze %dma_start3A_307 : memref<1x32x1024xf32, #tpu.memory_space<hbm>> -> memref<32x1024xf32, #tpu.memory_space<hbm>>
      tpu.enqueue_dma source(%dma_start3A_308 : memref<32x1024xf32, #tpu.memory_space<hbm>>) target(%arg6 : memref<32x1024xf32, #tpu.memory_space<vmem>>) target_semaphore(%run_scoped3A_303 : memref<!tpu.dma_semaphore, #tpu.memory_space<semaphore_mem>>)
      %dma_wait3A = arith.constant 0 : i32
      %dma_wait3A_309 = tpu.memref_slice %arg2[%run_scoped3A_241, %add3A_230, %dma_wait3A] : memref<4x8192x1024xf32, #tpu.memory_space<hbm>> -> memref<1x32x1024xf32, #tpu.memory_space<hbm>>
      %dma_wait3A_310 = tpu.memref_squeeze %dma_wait3A_309 : memref<1x32x1024xf32, #tpu.memory_space<hbm>> -> memref<32x1024xf32, #tpu.memory_space<hbm>>
      %dma_wait3A_311 = arith.constant 0 : i32
      %dma_wait3A_312 = tpu.memref_slice %arg2[%run_scoped3A_241, %add3A_230, %dma_wait3A_311] : memref<4x8192x1024xf32, #tpu.memory_space<hbm>> -> memref<1x32x1024xf32, #tpu.memory_space<hbm>>
      %dma_wait3A_313 = tpu.memref_squeeze %dma_wait3A_312 : memref<1x32x1024xf32, #tpu.memory_space<hbm>> -> memref<32x1024xf32, #tpu.memory_space<hbm>>
      tpu.wait_dma2 semaphore(%run_scoped3A_303 : memref<!tpu.dma_semaphore, #tpu.memory_space<semaphore_mem>>) src(%dma_wait3A_313 : memref<32x1024xf32, #tpu.memory_space<hbm>>) dst(%arg6 : memref<32x1024xf32, #tpu.memory_space<vmem>>)
      tpu.yield
    }) : () -> ()
    %scan3A_242 = arith.constant 0 : i32
    %scan3A_243 = arith.constant 0 : i32
    %scan3A_244 = arith.constant 32 : i32
    %scan3A_245 = arith.addi %scan3A_243, %scan3A_244 : i32
    %scan3A_246 = arith.constant 1 : i32
    scf.for %scan3A_303 = %scan3A_243 to %scan3A_245 step %scan3A_246  : i32 {
      %scan3A_304 = arith.constant 0 : i32
      %scan3A_305 = arith.constant 64 : i32
      %scan3A_306 = arith.addi %scan3A_304, %scan3A_305 : i32
      %scan3A_307 = arith.constant 1 : i32
      scf.for %scan3A_309 = %scan3A_304 to %scan3A_306 step %scan3A_307  : i32 {
        %mul3A_310 = arith.constant 16 : i32
        %mul3A_311 = arith.muli %scan3A_309, %mul3A_310 : i32
        %get3A = arith.index_cast %scan3A_303 : i32 to index
        %get3A_312 = arith.index_cast %mul3A_311 : i32 to index
        %get3A_313 = tpu.vector_load %arg5[%get3A, %get3A_312] {strides = array<i32>} : memref<32x1024xf32, #tpu.memory_space<vmem>>, vector<1x16xf32>,
        %get3A_314 = vector.shape_cast %get3A_313 : vector<1x16xf32> to vector<16xf32>
        %swap3A = arith.index_cast %scan3A_303 : i32 to index
        %swap3A_315 = arith.index_cast %mul3A_311 : i32 to index
        %swap3A_316 = tpu.vector_load %arg6[%swap3A, %swap3A_315] {strides = array<i32>} : memref<32x1024xf32, #tpu.memory_space<vmem>>, vector<1x16xf32>,
        %swap3A_317 = vector.shape_cast %swap3A_316 : vector<1x16xf32> to vector<16xf32>
        %swap3A_318 = vector.shape_cast %get3A_314 : vector<16xf32> to vector<1x16xf32>
        tpu.vector_store %arg6[%swap3A, %swap3A_315], %swap3A_318 {add = true, strides = array<i32>} : memref<32x1024xf32, #tpu.memory_space<vmem>>, vector<1x16xf32>,
      }
      %scan3A_308 = arith.constant 64 : i32
    }
    %scan3A_247 = arith.constant 32 : i32
    %run_scoped3A_248 = arith.constant 1 : i32
    "tpu.region"() ({
      %run_scoped3A_303 = tpu.sem_alloc : memref<!tpu.dma_semaphore, #tpu.memory_space<semaphore_mem>>
      %dma_start3A = arith.constant 0 : i32
      %dma_start3A_304 = tpu.memref_slice %arg4[%run_scoped3A_248, %add3A_230, %dma_start3A] : memref<4x8192x1024xf32, #tpu.memory_space<hbm>> -> memref<1x32x1024xf32, #tpu.memory_space<hbm>>
      %dma_start3A_305 = tpu.memref_squeeze %dma_start3A_304 : memref<1x32x1024xf32, #tpu.memory_space<hbm>> -> memref<32x1024xf32, #tpu.memory_space<hbm>>
      %dma_start3A_306 = arith.constant 0 : i32
      %dma_start3A_307 = tpu.memref_slice %arg4[%run_scoped3A_248, %add3A_230, %dma_start3A_306] : memref<4x8192x1024xf32, #tpu.memory_space<hbm>> -> memref<1x32x1024xf32, #tpu.memory_space<hbm>>
      %dma_start3A_308 = tpu.memref_squeeze %dma_start3A_307 : memref<1x32x1024xf32, #tpu.memory_space<hbm>> -> memref<32x1024xf32, #tpu.memory_space<hbm>>
      tpu.enqueue_dma source(%arg6 : memref<32x1024xf32, #tpu.memory_space<vmem>>) target(%dma_start3A_308 : memref<32x1024xf32, #tpu.memory_space<hbm>>) target_semaphore(%run_scoped3A_303 : memref<!tpu.dma_semaphore, #tpu.memory_space<semaphore_mem>>)
      %dma_wait3A = arith.constant 0 : i32
      %dma_wait3A_309 = tpu.memref_slice %arg4[%run_scoped3A_248, %add3A_230, %dma_wait3A] : memref<4x8192x1024xf32, #tpu.memory_space<hbm>> -> memref<1x32x1024xf32, #tpu.memory_space<hbm>>
      %dma_wait3A_310 = tpu.memref_squeeze %dma_wait3A_309 : memref<1x32x1024xf32, #tpu.memory_space<hbm>> -> memref<32x1024xf32, #tpu.memory_space<hbm>>
      %dma_wait3A_311 = arith.constant 0 : i32
      %dma_wait3A_312 = tpu.memref_slice %arg4[%run_scoped3A_248, %add3A_230, %dma_wait3A_311] : memref<4x8192x1024xf32, #tpu.memory_space<hbm>> -> memref<1x32x1024xf32, #tpu.memory_space<hbm>>
      %dma_wait3A_313 = tpu.memref_squeeze %dma_wait3A_312 : memref<1x32x1024xf32, #tpu.memory_space<hbm>> -> memref<32x1024xf32, #tpu.memory_space<hbm>>
      tpu.wait_dma2 semaphore(%run_scoped3A_303 : memref<!tpu.dma_semaphore, #tpu.memory_space<semaphore_mem>>) src(%arg6 : memref<32x1024xf32, #tpu.memory_space<vmem>>) dst(%dma_wait3A_313 : memref<32x1024xf32, #tpu.memory_space<hbm>>)
      tpu.yield
    }) : () -> ()
    %run_scoped3A_249 = arith.constant 2 : i32
    "tpu.region"() ({
      %run_scoped3A_303 = tpu.sem_alloc : memref<!tpu.dma_semaphore, #tpu.memory_space<semaphore_mem>>
      %dma_start3A = arith.constant 0 : i32
      %dma_start3A_304 = tpu.memref_slice %arg2[%run_scoped3A_249, %add3A_230, %dma_start3A] : memref<4x8192x1024xf32, #tpu.memory_space<hbm>> -> memref<1x32x1024xf32, #tpu.memory_space<hbm>>
      %dma_start3A_305 = tpu.memref_squeeze %dma_start3A_304 : memref<1x32x1024xf32, #tpu.memory_space<hbm>> -> memref<32x1024xf32, #tpu.memory_space<hbm>>
      %dma_start3A_306 = arith.constant 0 : i32
      %dma_start3A_307 = tpu.memref_slice %arg2[%run_scoped3A_249, %add3A_230, %dma_start3A_306] : memref<4x8192x1024xf32, #tpu.memory_space<hbm>> -> memref<1x32x1024xf32, #tpu.memory_space<hbm>>
      %dma_start3A_308 = tpu.memref_squeeze %dma_start3A_307 : memref<1x32x1024xf32, #tpu.memory_space<hbm>> -> memref<32x1024xf32, #tpu.memory_space<hbm>>
      tpu.enqueue_dma source(%dma_start3A_308 : memref<32x1024xf32, #tpu.memory_space<hbm>>) target(%arg6 : memref<32x1024xf32, #tpu.memory_space<vmem>>) target_semaphore(%run_scoped3A_303 : memref<!tpu.dma_semaphore, #tpu.memory_space<semaphore_mem>>)
      %dma_wait3A = arith.constant 0 : i32
      %dma_wait3A_309 = tpu.memref_slice %arg2[%run_scoped3A_249, %add3A_230, %dma_wait3A] : memref<4x8192x1024xf32, #tpu.memory_space<hbm>> -> memref<1x32x1024xf32, #tpu.memory_space<hbm>>
      %dma_wait3A_310 = tpu.memref_squeeze %dma_wait3A_309 : memref<1x32x1024xf32, #tpu.memory_space<hbm>> -> memref<32x1024xf32, #tpu.memory_space<hbm>>
      %dma_wait3A_311 = arith.constant 0 : i32
      %dma_wait3A_312 = tpu.memref_slice %arg2[%run_scoped3A_249, %add3A_230, %dma_wait3A_311] : memref<4x8192x1024xf32, #tpu.memory_space<hbm>> -> memref<1x32x1024xf32, #tpu.memory_space<hbm>>
      %dma_wait3A_313 = tpu.memref_squeeze %dma_wait3A_312 : memref<1x32x1024xf32, #tpu.memory_space<hbm>> -> memref<32x1024xf32, #tpu.memory_space<hbm>>
      tpu.wait_dma2 semaphore(%run_scoped3A_303 : memref<!tpu.dma_semaphore, #tpu.memory_space<semaphore_mem>>) src(%dma_wait3A_313 : memref<32x1024xf32, #tpu.memory_space<hbm>>) dst(%arg6 : memref<32x1024xf32, #tpu.memory_space<vmem>>)
      tpu.yield
    }) : () -> ()
    %scan3A_250 = arith.constant 0 : i32
    %scan3A_251 = arith.constant 0 : i32
    %scan3A_252 = arith.constant 32 : i32
    %scan3A_253 = arith.addi %scan3A_251, %scan3A_252 : i32
    %scan3A_254 = arith.constant 1 : i32
    scf.for %scan3A_303 = %scan3A_251 to %scan3A_253 step %scan3A_254  : i32 {
      %scan3A_304 = arith.constant 0 : i32
      %scan3A_305 = arith.constant 64 : i32
      %scan3A_306 = arith.addi %scan3A_304, %scan3A_305 : i32
      %scan3A_307 = arith.constant 1 : i32
      scf.for %scan3A_309 = %scan3A_304 to %scan3A_306 step %scan3A_307  : i32 {
        %mul3A_310 = arith.constant 16 : i32
        %mul3A_311 = arith.muli %scan3A_309, %mul3A_310 : i32
        %get3A = arith.index_cast %scan3A_303 : i32 to index
        %get3A_312 = arith.index_cast %mul3A_311 : i32 to index
        %get3A_313 = tpu.vector_load %arg5[%get3A, %get3A_312] {strides = array<i32>} : memref<32x1024xf32, #tpu.memory_space<vmem>>, vector<1x16xf32>,
        %get3A_314 = vector.shape_cast %get3A_313 : vector<1x16xf32> to vector<16xf32>
        %swap3A = arith.index_cast %scan3A_303 : i32 to index
        %swap3A_315 = arith.index_cast %mul3A_311 : i32 to index
        %swap3A_316 = tpu.vector_load %arg6[%swap3A, %swap3A_315] {strides = array<i32>} : memref<32x1024xf32, #tpu.memory_space<vmem>>, vector<1x16xf32>,
        %swap3A_317 = vector.shape_cast %swap3A_316 : vector<1x16xf32> to vector<16xf32>
        %swap3A_318 = vector.shape_cast %get3A_314 : vector<16xf32> to vector<1x16xf32>
        tpu.vector_store %arg6[%swap3A, %swap3A_315], %swap3A_318 {add = true, strides = array<i32>} : memref<32x1024xf32, #tpu.memory_space<vmem>>, vector<1x16xf32>,
      }
      %scan3A_308 = arith.constant 64 : i32
    }
    %scan3A_255 = arith.constant 32 : i32
    %run_scoped3A_256 = arith.constant 2 : i32
    "tpu.region"() ({
      %run_scoped3A_303 = tpu.sem_alloc : memref<!tpu.dma_semaphore, #tpu.memory_space<semaphore_mem>>
      %dma_start3A = arith.constant 0 : i32
      %dma_start3A_304 = tpu.memref_slice %arg4[%run_scoped3A_256, %add3A_230, %dma_start3A] : memref<4x8192x1024xf32, #tpu.memory_space<hbm>> -> memref<1x32x1024xf32, #tpu.memory_space<hbm>>
      %dma_start3A_305 = tpu.memref_squeeze %dma_start3A_304 : memref<1x32x1024xf32, #tpu.memory_space<hbm>> -> memref<32x1024xf32, #tpu.memory_space<hbm>>
      %dma_start3A_306 = arith.constant 0 : i32
      %dma_start3A_307 = tpu.memref_slice %arg4[%run_scoped3A_256, %add3A_230, %dma_start3A_306] : memref<4x8192x1024xf32, #tpu.memory_space<hbm>> -> memref<1x32x1024xf32, #tpu.memory_space<hbm>>
      %dma_start3A_308 = tpu.memref_squeeze %dma_start3A_307 : memref<1x32x1024xf32, #tpu.memory_space<hbm>> -> memref<32x1024xf32, #tpu.memory_space<hbm>>
      tpu.enqueue_dma source(%arg6 : memref<32x1024xf32, #tpu.memory_space<vmem>>) target(%dma_start3A_308 : memref<32x1024xf32, #tpu.memory_space<hbm>>) target_semaphore(%run_scoped3A_303 : memref<!tpu.dma_semaphore, #tpu.memory_space<semaphore_mem>>)
      %dma_wait3A = arith.constant 0 : i32
      %dma_wait3A_309 = tpu.memref_slice %arg4[%run_scoped3A_256, %add3A_230, %dma_wait3A] : memref<4x8192x1024xf32, #tpu.memory_space<hbm>> -> memref<1x32x1024xf32, #tpu.memory_space<hbm>>
      %dma_wait3A_310 = tpu.memref_squeeze %dma_wait3A_309 : memref<1x32x1024xf32, #tpu.memory_space<hbm>> -> memref<32x1024xf32, #tpu.memory_space<hbm>>
      %dma_wait3A_311 = arith.constant 0 : i32
      %dma_wait3A_312 = tpu.memref_slice %arg4[%run_scoped3A_256, %add3A_230, %dma_wait3A_311] : memref<4x8192x1024xf32, #tpu.memory_space<hbm>> -> memref<1x32x1024xf32, #tpu.memory_space<hbm>>
      %dma_wait3A_313 = tpu.memref_squeeze %dma_wait3A_312 : memref<1x32x1024xf32, #tpu.memory_space<hbm>> -> memref<32x1024xf32, #tpu.memory_space<hbm>>
      tpu.wait_dma2 semaphore(%run_scoped3A_303 : memref<!tpu.dma_semaphore, #tpu.memory_space<semaphore_mem>>) src(%arg6 : memref<32x1024xf32, #tpu.memory_space<vmem>>) dst(%dma_wait3A_313 : memref<32x1024xf32, #tpu.memory_space<hbm>>)
      tpu.yield
    }) : () -> ()
    %run_scoped3A_257 = arith.constant 3 : i32
    "tpu.region"() ({
      %run_scoped3A_303 = tpu.sem_alloc : memref<!tpu.dma_semaphore, #tpu.memory_space<semaphore_mem>>
      %dma_start3A = arith.constant 0 : i32
      %dma_start3A_304 = tpu.memref_slice %arg2[%run_scoped3A_257, %add3A_230, %dma_start3A] : memref<4x8192x1024xf32, #tpu.memory_space<hbm>> -> memref<1x32x1024xf32, #tpu.memory_space<hbm>>
      %dma_start3A_305 = tpu.memref_squeeze %dma_start3A_304 : memref<1x32x1024xf32, #tpu.memory_space<hbm>> -> memref<32x1024xf32, #tpu.memory_space<hbm>>
      %dma_start3A_306 = arith.constant 0 : i32
      %dma_start3A_307 = tpu.memref_slice %arg2[%run_scoped3A_257, %add3A_230, %dma_start3A_306] : memref<4x8192x1024xf32, #tpu.memory_space<hbm>> -> memref<1x32x1024xf32, #tpu.memory_space<hbm>>
      %dma_start3A_308 = tpu.memref_squeeze %dma_start3A_307 : memref<1x32x1024xf32, #tpu.memory_space<hbm>> -> memref<32x1024xf32, #tpu.memory_space<hbm>>
      tpu.enqueue_dma source(%dma_start3A_308 : memref<32x1024xf32, #tpu.memory_space<hbm>>) target(%arg6 : memref<32x1024xf32, #tpu.memory_space<vmem>>) target_semaphore(%run_scoped3A_303 : memref<!tpu.dma_semaphore, #tpu.memory_space<semaphore_mem>>)
      %dma_wait3A = arith.constant 0 : i32
      %dma_wait3A_309 = tpu.memref_slice %arg2[%run_scoped3A_257, %add3A_230, %dma_wait3A] : memref<4x8192x1024xf32, #tpu.memory_space<hbm>> -> memref<1x32x1024xf32, #tpu.memory_space<hbm>>
      %dma_wait3A_310 = tpu.memref_squeeze %dma_wait3A_309 : memref<1x32x1024xf32, #tpu.memory_space<hbm>> -> memref<32x1024xf32, #tpu.memory_space<hbm>>
      %dma_wait3A_311 = arith.constant 0 : i32
      %dma_wait3A_312 = tpu.memref_slice %arg2[%run_scoped3A_257, %add3A_230, %dma_wait3A_311] : memref<4x8192x1024xf32, #tpu.memory_space<hbm>> -> memref<1x32x1024xf32, #tpu.memory_space<hbm>>
      %dma_wait3A_313 = tpu.memref_squeeze %dma_wait3A_312 : memref<1x32x1024xf32, #tpu.memory_space<hbm>> -> memref<32x1024xf32, #tpu.memory_space<hbm>>
      tpu.wait_dma2 semaphore(%run_scoped3A_303 : memref<!tpu.dma_semaphore, #tpu.memory_space<semaphore_mem>>) src(%dma_wait3A_313 : memref<32x1024xf32, #tpu.memory_space<hbm>>) dst(%arg6 : memref<32x1024xf32, #tpu.memory_space<vmem>>)
      tpu.yield
    }) : () -> ()
    %scan3A_258 = arith.constant 0 : i32
    %scan3A_259 = arith.constant 0 : i32
    %scan3A_260 = arith.constant 32 : i32
    %scan3A_261 = arith.addi %scan3A_259, %scan3A_260 : i32
    %scan3A_262 = arith.constant 1 : i32
    scf.for %scan3A_303 = %scan3A_259 to %scan3A_261 step %scan3A_262  : i32 {
      %scan3A_304 = arith.constant 0 : i32
      %scan3A_305 = arith.constant 64 : i32
      %scan3A_306 = arith.addi %scan3A_304, %scan3A_305 : i32
      %scan3A_307 = arith.constant 1 : i32
      scf.for %scan3A_309 = %scan3A_304 to %scan3A_306 step %scan3A_307  : i32 {
        %mul3A_310 = arith.constant 16 : i32
        %mul3A_311 = arith.muli %scan3A_309, %mul3A_310 : i32
        %get3A = arith.index_cast %scan3A_303 : i32 to index
        %get3A_312 = arith.index_cast %mul3A_311 : i32 to index
        %get3A_313 = tpu.vector_load %arg5[%get3A, %get3A_312] {strides = array<i32>} : memref<32x1024xf32, #tpu.memory_space<vmem>>, vector<1x16xf32>,
        %get3A_314 = vector.shape_cast %get3A_313 : vector<1x16xf32> to vector<16xf32>
        %swap3A = arith.index_cast %scan3A_303 : i32 to index
        %swap3A_315 = arith.index_cast %mul3A_311 : i32 to index
        %swap3A_316 = tpu.vector_load %arg6[%swap3A, %swap3A_315] {strides = array<i32>} : memref<32x1024xf32, #tpu.memory_space<vmem>>, vector<1x16xf32>,
        %swap3A_317 = vector.shape_cast %swap3A_316 : vector<1x16xf32> to vector<16xf32>
        %swap3A_318 = vector.shape_cast %get3A_314 : vector<16xf32> to vector<1x16xf32>
        tpu.vector_store %arg6[%swap3A, %swap3A_315], %swap3A_318 {add = true, strides = array<i32>} : memref<32x1024xf32, #tpu.memory_space<vmem>>, vector<1x16xf32>,
      }
      %scan3A_308 = arith.constant 64 : i32
    }
    %scan3A_263 = arith.constant 32 : i32
    %run_scoped3A_264 = arith.constant 3 : i32
    "tpu.region"() ({
      %run_scoped3A_303 = tpu.sem_alloc : memref<!tpu.dma_semaphore, #tpu.memory_space<semaphore_mem>>
      %dma_start3A = arith.constant 0 : i32
      %dma_start3A_304 = tpu.memref_slice %arg4[%run_scoped3A_264, %add3A_230, %dma_start3A] : memref<4x8192x1024xf32, #tpu.memory_space<hbm>> -> memref<1x32x1024xf32, #tpu.memory_space<hbm>>
      %dma_start3A_305 = tpu.memref_squeeze %dma_start3A_304 : memref<1x32x1024xf32, #tpu.memory_space<hbm>> -> memref<32x1024xf32, #tpu.memory_space<hbm>>
      %dma_start3A_306 = arith.constant 0 : i32
      %dma_start3A_307 = tpu.memref_slice %arg4[%run_scoped3A_264, %add3A_230, %dma_start3A_306] : memref<4x8192x1024xf32, #tpu.memory_space<hbm>> -> memref<1x32x1024xf32, #tpu.memory_space<hbm>>
      %dma_start3A_308 = tpu.memref_squeeze %dma_start3A_307 : memref<1x32x1024xf32, #tpu.memory_space<hbm>> -> memref<32x1024xf32, #tpu.memory_space<hbm>>
      tpu.enqueue_dma source(%arg6 : memref<32x1024xf32, #tpu.memory_space<vmem>>) target(%dma_start3A_308 : memref<32x1024xf32, #tpu.memory_space<hbm>>) target_semaphore(%run_scoped3A_303 : memref<!tpu.dma_semaphore, #tpu.memory_space<semaphore_mem>>)
      %dma_wait3A = arith.constant 0 : i32
      %dma_wait3A_309 = tpu.memref_slice %arg4[%run_scoped3A_264, %add3A_230, %dma_wait3A] : memref<4x8192x1024xf32, #tpu.memory_space<hbm>> -> memref<1x32x1024xf32, #tpu.memory_space<hbm>>
      %dma_wait3A_310 = tpu.memref_squeeze %dma_wait3A_309 : memref<1x32x1024xf32, #tpu.memory_space<hbm>> -> memref<32x1024xf32, #tpu.memory_space<hbm>>
      %dma_wait3A_311 = arith.constant 0 : i32
      %dma_wait3A_312 = tpu.memref_slice %arg4[%run_scoped3A_264, %add3A_230, %dma_wait3A_311] : memref<4x8192x1024xf32, #tpu.memory_space<hbm>> -> memref<1x32x1024xf32, #tpu.memory_space<hbm>>
      %dma_wait3A_313 = tpu.memref_squeeze %dma_wait3A_312 : memref<1x32x1024xf32, #tpu.memory_space<hbm>> -> memref<32x1024xf32, #tpu.memory_space<hbm>>
      tpu.wait_dma2 semaphore(%run_scoped3A_303 : memref<!tpu.dma_semaphore, #tpu.memory_space<semaphore_mem>>) src(%arg6 : memref<32x1024xf32, #tpu.memory_space<vmem>>) dst(%dma_wait3A_313 : memref<32x1024xf32, #tpu.memory_space<hbm>>)
      tpu.yield
    }) : () -> ()
    %mul3A_265 = arith.constant 256 : i32
    %mul3A_266 = arith.muli %add3A, %mul3A_265 : i32
    %add3A_267 = arith.constant 224 : i32
    %add3A_268 = arith.addi %mul3A_266, %add3A_267 : i32
    %add3A_269 = arith.constant 8192 : i32
    %add3A_270 = arith.addi %add3A_269, %add3A_268 : i32
    "tpu.region"() ({
      %run_scoped3A_303 = tpu.sem_alloc : memref<!tpu.dma_semaphore, #tpu.memory_space<semaphore_mem>>
      %dma_start3A = arith.constant 0 : i32
      %dma_start3A_304 = tpu.memref_slice %arg3[%add3A_270, %dma_start3A] : memref<16384x1024xf32, #tpu.memory_space<hbm>> -> memref<32x1024xf32, #tpu.memory_space<hbm>>
      %dma_start3A_305 = arith.constant 0 : i32
      %dma_start3A_306 = tpu.memref_slice %arg3[%add3A_270, %dma_start3A_305] : memref<16384x1024xf32, #tpu.memory_space<hbm>> -> memref<32x1024xf32, #tpu.memory_space<hbm>>
      tpu.enqueue_dma source(%dma_start3A_306 : memref<32x1024xf32, #tpu.memory_space<hbm>>) target(%arg5 : memref<32x1024xf32, #tpu.memory_space<vmem>>) target_semaphore(%run_scoped3A_303 : memref<!tpu.dma_semaphore, #tpu.memory_space<semaphore_mem>>)
      %dma_wait3A = arith.constant 0 : i32
      %dma_wait3A_307 = tpu.memref_slice %arg3[%add3A_270, %dma_wait3A] : memref<16384x1024xf32, #tpu.memory_space<hbm>> -> memref<32x1024xf32, #tpu.memory_space<hbm>>
      %dma_wait3A_308 = arith.constant 0 : i32
      %dma_wait3A_309 = tpu.memref_slice %arg3[%add3A_270, %dma_wait3A_308] : memref<16384x1024xf32, #tpu.memory_space<hbm>> -> memref<32x1024xf32, #tpu.memory_space<hbm>>
      tpu.wait_dma2 semaphore(%run_scoped3A_303 : memref<!tpu.dma_semaphore, #tpu.memory_space<semaphore_mem>>) src(%dma_wait3A_309 : memref<32x1024xf32, #tpu.memory_space<hbm>>) dst(%arg5 : memref<32x1024xf32, #tpu.memory_space<vmem>>)
      tpu.yield
    }) : () -> ()
    %run_scoped3A_271 = arith.constant 0 : i32
    "tpu.region"() ({
      %run_scoped3A_303 = tpu.sem_alloc : memref<!tpu.dma_semaphore, #tpu.memory_space<semaphore_mem>>
      %dma_start3A = arith.constant 0 : i32
      %dma_start3A_304 = tpu.memref_slice %arg2[%run_scoped3A_271, %add3A_268, %dma_start3A] : memref<4x8192x1024xf32, #tpu.memory_space<hbm>> -> memref<1x32x1024xf32, #tpu.memory_space<hbm>>
      %dma_start3A_305 = tpu.memref_squeeze %dma_start3A_304 : memref<1x32x1024xf32, #tpu.memory_space<hbm>> -> memref<32x1024xf32, #tpu.memory_space<hbm>>
      %dma_start3A_306 = arith.constant 0 : i32
      %dma_start3A_307 = tpu.memref_slice %arg2[%run_scoped3A_271, %add3A_268, %dma_start3A_306] : memref<4x8192x1024xf32, #tpu.memory_space<hbm>> -> memref<1x32x1024xf32, #tpu.memory_space<hbm>>
      %dma_start3A_308 = tpu.memref_squeeze %dma_start3A_307 : memref<1x32x1024xf32, #tpu.memory_space<hbm>> -> memref<32x1024xf32, #tpu.memory_space<hbm>>
      tpu.enqueue_dma source(%dma_start3A_308 : memref<32x1024xf32, #tpu.memory_space<hbm>>) target(%arg6 : memref<32x1024xf32, #tpu.memory_space<vmem>>) target_semaphore(%run_scoped3A_303 : memref<!tpu.dma_semaphore, #tpu.memory_space<semaphore_mem>>)
      %dma_wait3A = arith.constant 0 : i32
      %dma_wait3A_309 = tpu.memref_slice %arg2[%run_scoped3A_271, %add3A_268, %dma_wait3A] : memref<4x8192x1024xf32, #tpu.memory_space<hbm>> -> memref<1x32x1024xf32, #tpu.memory_space<hbm>>
      %dma_wait3A_310 = tpu.memref_squeeze %dma_wait3A_309 : memref<1x32x1024xf32, #tpu.memory_space<hbm>> -> memref<32x1024xf32, #tpu.memory_space<hbm>>
      %dma_wait3A_311 = arith.constant 0 : i32
      %dma_wait3A_312 = tpu.memref_slice %arg2[%run_scoped3A_271, %add3A_268, %dma_wait3A_311] : memref<4x8192x1024xf32, #tpu.memory_space<hbm>> -> memref<1x32x1024xf32, #tpu.memory_space<hbm>>
      %dma_wait3A_313 = tpu.memref_squeeze %dma_wait3A_312 : memref<1x32x1024xf32, #tpu.memory_space<hbm>> -> memref<32x1024xf32, #tpu.memory_space<hbm>>
      tpu.wait_dma2 semaphore(%run_scoped3A_303 : memref<!tpu.dma_semaphore, #tpu.memory_space<semaphore_mem>>) src(%dma_wait3A_313 : memref<32x1024xf32, #tpu.memory_space<hbm>>) dst(%arg6 : memref<32x1024xf32, #tpu.memory_space<vmem>>)
      tpu.yield
    }) : () -> ()
    %scan3A_272 = arith.constant 0 : i32
    %scan3A_273 = arith.constant 0 : i32
    %scan3A_274 = arith.constant 32 : i32
    %scan3A_275 = arith.addi %scan3A_273, %scan3A_274 : i32
    %scan3A_276 = arith.constant 1 : i32
    scf.for %scan3A_303 = %scan3A_273 to %scan3A_275 step %scan3A_276  : i32 {
      %scan3A_304 = arith.constant 0 : i32
      %scan3A_305 = arith.constant 64 : i32
      %scan3A_306 = arith.addi %scan3A_304, %scan3A_305 : i32
      %scan3A_307 = arith.constant 1 : i32
      scf.for %scan3A_309 = %scan3A_304 to %scan3A_306 step %scan3A_307  : i32 {
        %mul3A_310 = arith.constant 16 : i32
        %mul3A_311 = arith.muli %scan3A_309, %mul3A_310 : i32
        %get3A = arith.index_cast %scan3A_303 : i32 to index
        %get3A_312 = arith.index_cast %mul3A_311 : i32 to index
        %get3A_313 = tpu.vector_load %arg5[%get3A, %get3A_312] {strides = array<i32>} : memref<32x1024xf32, #tpu.memory_space<vmem>>, vector<1x16xf32>,
        %get3A_314 = vector.shape_cast %get3A_313 : vector<1x16xf32> to vector<16xf32>
        %swap3A = arith.index_cast %scan3A_303 : i32 to index
        %swap3A_315 = arith.index_cast %mul3A_311 : i32 to index
        %swap3A_316 = tpu.vector_load %arg6[%swap3A, %swap3A_315] {strides = array<i32>} : memref<32x1024xf32, #tpu.memory_space<vmem>>, vector<1x16xf32>,
        %swap3A_317 = vector.shape_cast %swap3A_316 : vector<1x16xf32> to vector<16xf32>
        %swap3A_318 = vector.shape_cast %get3A_314 : vector<16xf32> to vector<1x16xf32>
        tpu.vector_store %arg6[%swap3A, %swap3A_315], %swap3A_318 {add = true, strides = array<i32>} : memref<32x1024xf32, #tpu.memory_space<vmem>>, vector<1x16xf32>,
      }
      %scan3A_308 = arith.constant 64 : i32
    }
    %scan3A_277 = arith.constant 32 : i32
    %run_scoped3A_278 = arith.constant 0 : i32
    "tpu.region"() ({
      %run_scoped3A_303 = tpu.sem_alloc : memref<!tpu.dma_semaphore, #tpu.memory_space<semaphore_mem>>
      %dma_start3A = arith.constant 0 : i32
      %dma_start3A_304 = tpu.memref_slice %arg4[%run_scoped3A_278, %add3A_268, %dma_start3A] : memref<4x8192x1024xf32, #tpu.memory_space<hbm>> -> memref<1x32x1024xf32, #tpu.memory_space<hbm>>
      %dma_start3A_305 = tpu.memref_squeeze %dma_start3A_304 : memref<1x32x1024xf32, #tpu.memory_space<hbm>> -> memref<32x1024xf32, #tpu.memory_space<hbm>>
      %dma_start3A_306 = arith.constant 0 : i32
      %dma_start3A_307 = tpu.memref_slice %arg4[%run_scoped3A_278, %add3A_268, %dma_start3A_306] : memref<4x8192x1024xf32, #tpu.memory_space<hbm>> -> memref<1x32x1024xf32, #tpu.memory_space<hbm>>
      %dma_start3A_308 = tpu.memref_squeeze %dma_start3A_307 : memref<1x32x1024xf32, #tpu.memory_space<hbm>> -> memref<32x1024xf32, #tpu.memory_space<hbm>>
      tpu.enqueue_dma source(%arg6 : memref<32x1024xf32, #tpu.memory_space<vmem>>) target(%dma_start3A_308 : memref<32x1024xf32, #tpu.memory_space<hbm>>) target_semaphore(%run_scoped3A_303 : memref<!tpu.dma_semaphore, #tpu.memory_space<semaphore_mem>>)
      %dma_wait3A = arith.constant 0 : i32
      %dma_wait3A_309 = tpu.memref_slice %arg4[%run_scoped3A_278, %add3A_268, %dma_wait3A] : memref<4x8192x1024xf32, #tpu.memory_space<hbm>> -> memref<1x32x1024xf32, #tpu.memory_space<hbm>>
      %dma_wait3A_310 = tpu.memref_squeeze %dma_wait3A_309 : memref<1x32x1024xf32, #tpu.memory_space<hbm>> -> memref<32x1024xf32, #tpu.memory_space<hbm>>
      %dma_wait3A_311 = arith.constant 0 : i32
      %dma_wait3A_312 = tpu.memref_slice %arg4[%run_scoped3A_278, %add3A_268, %dma_wait3A_311] : memref<4x8192x1024xf32, #tpu.memory_space<hbm>> -> memref<1x32x1024xf32, #tpu.memory_space<hbm>>
      %dma_wait3A_313 = tpu.memref_squeeze %dma_wait3A_312 : memref<1x32x1024xf32, #tpu.memory_space<hbm>> -> memref<32x1024xf32, #tpu.memory_space<hbm>>
      tpu.wait_dma2 semaphore(%run_scoped3A_303 : memref<!tpu.dma_semaphore, #tpu.memory_space<semaphore_mem>>) src(%arg6 : memref<32x1024xf32, #tpu.memory_space<vmem>>) dst(%dma_wait3A_313 : memref<32x1024xf32, #tpu.memory_space<hbm>>)
      tpu.yield
    }) : () -> ()
    %run_scoped3A_279 = arith.constant 1 : i32
    "tpu.region"() ({
      %run_scoped3A_303 = tpu.sem_alloc : memref<!tpu.dma_semaphore, #tpu.memory_space<semaphore_mem>>
      %dma_start3A = arith.constant 0 : i32
      %dma_start3A_304 = tpu.memref_slice %arg2[%run_scoped3A_279, %add3A_268, %dma_start3A] : memref<4x8192x1024xf32, #tpu.memory_space<hbm>> -> memref<1x32x1024xf32, #tpu.memory_space<hbm>>
      %dma_start3A_305 = tpu.memref_squeeze %dma_start3A_304 : memref<1x32x1024xf32, #tpu.memory_space<hbm>> -> memref<32x1024xf32, #tpu.memory_space<hbm>>
      %dma_start3A_306 = arith.constant 0 : i32
      %dma_start3A_307 = tpu.memref_slice %arg2[%run_scoped3A_279, %add3A_268, %dma_start3A_306] : memref<4x8192x1024xf32, #tpu.memory_space<hbm>> -> memref<1x32x1024xf32, #tpu.memory_space<hbm>>
      %dma_start3A_308 = tpu.memref_squeeze %dma_start3A_307 : memref<1x32x1024xf32, #tpu.memory_space<hbm>> -> memref<32x1024xf32, #tpu.memory_space<hbm>>
      tpu.enqueue_dma source(%dma_start3A_308 : memref<32x1024xf32, #tpu.memory_space<hbm>>) target(%arg6 : memref<32x1024xf32, #tpu.memory_space<vmem>>) target_semaphore(%run_scoped3A_303 : memref<!tpu.dma_semaphore, #tpu.memory_space<semaphore_mem>>)
      %dma_wait3A = arith.constant 0 : i32
      %dma_wait3A_309 = tpu.memref_slice %arg2[%run_scoped3A_279, %add3A_268, %dma_wait3A] : memref<4x8192x1024xf32, #tpu.memory_space<hbm>> -> memref<1x32x1024xf32, #tpu.memory_space<hbm>>
      %dma_wait3A_310 = tpu.memref_squeeze %dma_wait3A_309 : memref<1x32x1024xf32, #tpu.memory_space<hbm>> -> memref<32x1024xf32, #tpu.memory_space<hbm>>
      %dma_wait3A_311 = arith.constant 0 : i32
      %dma_wait3A_312 = tpu.memref_slice %arg2[%run_scoped3A_279, %add3A_268, %dma_wait3A_311] : memref<4x8192x1024xf32, #tpu.memory_space<hbm>> -> memref<1x32x1024xf32, #tpu.memory_space<hbm>>
      %dma_wait3A_313 = tpu.memref_squeeze %dma_wait3A_312 : memref<1x32x1024xf32, #tpu.memory_space<hbm>> -> memref<32x1024xf32, #tpu.memory_space<hbm>>
      tpu.wait_dma2 semaphore(%run_scoped3A_303 : memref<!tpu.dma_semaphore, #tpu.memory_space<semaphore_mem>>) src(%dma_wait3A_313 : memref<32x1024xf32, #tpu.memory_space<hbm>>) dst(%arg6 : memref<32x1024xf32, #tpu.memory_space<vmem>>)
      tpu.yield
    }) : () -> ()
    %scan3A_280 = arith.constant 0 : i32
    %scan3A_281 = arith.constant 0 : i32
    %scan3A_282 = arith.constant 32 : i32
    %scan3A_283 = arith.addi %scan3A_281, %scan3A_282 : i32
    %scan3A_284 = arith.constant 1 : i32
    scf.for %scan3A_303 = %scan3A_281 to %scan3A_283 step %scan3A_284  : i32 {
      %scan3A_304 = arith.constant 0 : i32
      %scan3A_305 = arith.constant 64 : i32
      %scan3A_306 = arith.addi %scan3A_304, %scan3A_305 : i32
      %scan3A_307 = arith.constant 1 : i32
      scf.for %scan3A_309 = %scan3A_304 to %scan3A_306 step %scan3A_307  : i32 {
        %mul3A_310 = arith.constant 16 : i32
        %mul3A_311 = arith.muli %scan3A_309, %mul3A_310 : i32
        %get3A = arith.index_cast %scan3A_303 : i32 to index
        %get3A_312 = arith.index_cast %mul3A_311 : i32 to index
        %get3A_313 = tpu.vector_load %arg5[%get3A, %get3A_312] {strides = array<i32>} : memref<32x1024xf32, #tpu.memory_space<vmem>>, vector<1x16xf32>,
        %get3A_314 = vector.shape_cast %get3A_313 : vector<1x16xf32> to vector<16xf32>
        %swap3A = arith.index_cast %scan3A_303 : i32 to index
        %swap3A_315 = arith.index_cast %mul3A_311 : i32 to index
        %swap3A_316 = tpu.vector_load %arg6[%swap3A, %swap3A_315] {strides = array<i32>} : memref<32x1024xf32, #tpu.memory_space<vmem>>, vector<1x16xf32>,
        %swap3A_317 = vector.shape_cast %swap3A_316 : vector<1x16xf32> to vector<16xf32>
        %swap3A_318 = vector.shape_cast %get3A_314 : vector<16xf32> to vector<1x16xf32>
        tpu.vector_store %arg6[%swap3A, %swap3A_315], %swap3A_318 {add = true, strides = array<i32>} : memref<32x1024xf32, #tpu.memory_space<vmem>>, vector<1x16xf32>,
      }
      %scan3A_308 = arith.constant 64 : i32
    }
    %scan3A_285 = arith.constant 32 : i32
    %run_scoped3A_286 = arith.constant 1 : i32
    "tpu.region"() ({
      %run_scoped3A_303 = tpu.sem_alloc : memref<!tpu.dma_semaphore, #tpu.memory_space<semaphore_mem>>
      %dma_start3A = arith.constant 0 : i32
      %dma_start3A_304 = tpu.memref_slice %arg4[%run_scoped3A_286, %add3A_268, %dma_start3A] : memref<4x8192x1024xf32, #tpu.memory_space<hbm>> -> memref<1x32x1024xf32, #tpu.memory_space<hbm>>
      %dma_start3A_305 = tpu.memref_squeeze %dma_start3A_304 : memref<1x32x1024xf32, #tpu.memory_space<hbm>> -> memref<32x1024xf32, #tpu.memory_space<hbm>>
      %dma_start3A_306 = arith.constant 0 : i32
      %dma_start3A_307 = tpu.memref_slice %arg4[%run_scoped3A_286, %add3A_268, %dma_start3A_306] : memref<4x8192x1024xf32, #tpu.memory_space<hbm>> -> memref<1x32x1024xf32, #tpu.memory_space<hbm>>
      %dma_start3A_308 = tpu.memref_squeeze %dma_start3A_307 : memref<1x32x1024xf32, #tpu.memory_space<hbm>> -> memref<32x1024xf32, #tpu.memory_space<hbm>>
      tpu.enqueue_dma source(%arg6 : memref<32x1024xf32, #tpu.memory_space<vmem>>) target(%dma_start3A_308 : memref<32x1024xf32, #tpu.memory_space<hbm>>) target_semaphore(%run_scoped3A_303 : memref<!tpu.dma_semaphore, #tpu.memory_space<semaphore_mem>>)
      %dma_wait3A = arith.constant 0 : i32
      %dma_wait3A_309 = tpu.memref_slice %arg4[%run_scoped3A_286, %add3A_268, %dma_wait3A] : memref<4x8192x1024xf32, #tpu.memory_space<hbm>> -> memref<1x32x1024xf32, #tpu.memory_space<hbm>>
      %dma_wait3A_310 = tpu.memref_squeeze %dma_wait3A_309 : memref<1x32x1024xf32, #tpu.memory_space<hbm>> -> memref<32x1024xf32, #tpu.memory_space<hbm>>
      %dma_wait3A_311 = arith.constant 0 : i32
      %dma_wait3A_312 = tpu.memref_slice %arg4[%run_scoped3A_286, %add3A_268, %dma_wait3A_311] : memref<4x8192x1024xf32, #tpu.memory_space<hbm>> -> memref<1x32x1024xf32, #tpu.memory_space<hbm>>
      %dma_wait3A_313 = tpu.memref_squeeze %dma_wait3A_312 : memref<1x32x1024xf32, #tpu.memory_space<hbm>> -> memref<32x1024xf32, #tpu.memory_space<hbm>>
      tpu.wait_dma2 semaphore(%run_scoped3A_303 : memref<!tpu.dma_semaphore, #tpu.memory_space<semaphore_mem>>) src(%arg6 : memref<32x1024xf32, #tpu.memory_space<vmem>>) dst(%dma_wait3A_313 : memref<32x1024xf32, #tpu.memory_space<hbm>>)
      tpu.yield
    }) : () -> ()
    %run_scoped3A_287 = arith.constant 2 : i32
    "tpu.region"() ({
      %run_scoped3A_303 = tpu.sem_alloc : memref<!tpu.dma_semaphore, #tpu.memory_space<semaphore_mem>>
      %dma_start3A = arith.constant 0 : i32
      %dma_start3A_304 = tpu.memref_slice %arg2[%run_scoped3A_287, %add3A_268, %dma_start3A] : memref<4x8192x1024xf32, #tpu.memory_space<hbm>> -> memref<1x32x1024xf32, #tpu.memory_space<hbm>>
      %dma_start3A_305 = tpu.memref_squeeze %dma_start3A_304 : memref<1x32x1024xf32, #tpu.memory_space<hbm>> -> memref<32x1024xf32, #tpu.memory_space<hbm>>
      %dma_start3A_306 = arith.constant 0 : i32
      %dma_start3A_307 = tpu.memref_slice %arg2[%run_scoped3A_287, %add3A_268, %dma_start3A_306] : memref<4x8192x1024xf32, #tpu.memory_space<hbm>> -> memref<1x32x1024xf32, #tpu.memory_space<hbm>>
      %dma_start3A_308 = tpu.memref_squeeze %dma_start3A_307 : memref<1x32x1024xf32, #tpu.memory_space<hbm>> -> memref<32x1024xf32, #tpu.memory_space<hbm>>
      tpu.enqueue_dma source(%dma_start3A_308 : memref<32x1024xf32, #tpu.memory_space<hbm>>) target(%arg6 : memref<32x1024xf32, #tpu.memory_space<vmem>>) target_semaphore(%run_scoped3A_303 : memref<!tpu.dma_semaphore, #tpu.memory_space<semaphore_mem>>)
      %dma_wait3A = arith.constant 0 : i32
      %dma_wait3A_309 = tpu.memref_slice %arg2[%run_scoped3A_287, %add3A_268, %dma_wait3A] : memref<4x8192x1024xf32, #tpu.memory_space<hbm>> -> memref<1x32x1024xf32, #tpu.memory_space<hbm>>
      %dma_wait3A_310 = tpu.memref_squeeze %dma_wait3A_309 : memref<1x32x1024xf32, #tpu.memory_space<hbm>> -> memref<32x1024xf32, #tpu.memory_space<hbm>>
      %dma_wait3A_311 = arith.constant 0 : i32
      %dma_wait3A_312 = tpu.memref_slice %arg2[%run_scoped3A_287, %add3A_268, %dma_wait3A_311] : memref<4x8192x1024xf32, #tpu.memory_space<hbm>> -> memref<1x32x1024xf32, #tpu.memory_space<hbm>>
      %dma_wait3A_313 = tpu.memref_squeeze %dma_wait3A_312 : memref<1x32x1024xf32, #tpu.memory_space<hbm>> -> memref<32x1024xf32, #tpu.memory_space<hbm>>
      tpu.wait_dma2 semaphore(%run_scoped3A_303 : memref<!tpu.dma_semaphore, #tpu.memory_space<semaphore_mem>>) src(%dma_wait3A_313 : memref<32x1024xf32, #tpu.memory_space<hbm>>) dst(%arg6 : memref<32x1024xf32, #tpu.memory_space<vmem>>)
      tpu.yield
    }) : () -> ()
    %scan3A_288 = arith.constant 0 : i32
    %scan3A_289 = arith.constant 0 : i32
    %scan3A_290 = arith.constant 32 : i32
    %scan3A_291 = arith.addi %scan3A_289, %scan3A_290 : i32
    %scan3A_292 = arith.constant 1 : i32
    scf.for %scan3A_303 = %scan3A_289 to %scan3A_291 step %scan3A_292  : i32 {
      %scan3A_304 = arith.constant 0 : i32
      %scan3A_305 = arith.constant 64 : i32
      %scan3A_306 = arith.addi %scan3A_304, %scan3A_305 : i32
      %scan3A_307 = arith.constant 1 : i32
      scf.for %scan3A_309 = %scan3A_304 to %scan3A_306 step %scan3A_307  : i32 {
        %mul3A_310 = arith.constant 16 : i32
        %mul3A_311 = arith.muli %scan3A_309, %mul3A_310 : i32
        %get3A = arith.index_cast %scan3A_303 : i32 to index
        %get3A_312 = arith.index_cast %mul3A_311 : i32 to index
        %get3A_313 = tpu.vector_load %arg5[%get3A, %get3A_312] {strides = array<i32>} : memref<32x1024xf32, #tpu.memory_space<vmem>>, vector<1x16xf32>,
        %get3A_314 = vector.shape_cast %get3A_313 : vector<1x16xf32> to vector<16xf32>
        %swap3A = arith.index_cast %scan3A_303 : i32 to index
        %swap3A_315 = arith.index_cast %mul3A_311 : i32 to index
        %swap3A_316 = tpu.vector_load %arg6[%swap3A, %swap3A_315] {strides = array<i32>} : memref<32x1024xf32, #tpu.memory_space<vmem>>, vector<1x16xf32>,
        %swap3A_317 = vector.shape_cast %swap3A_316 : vector<1x16xf32> to vector<16xf32>
        %swap3A_318 = vector.shape_cast %get3A_314 : vector<16xf32> to vector<1x16xf32>
        tpu.vector_store %arg6[%swap3A, %swap3A_315], %swap3A_318 {add = true, strides = array<i32>} : memref<32x1024xf32, #tpu.memory_space<vmem>>, vector<1x16xf32>,
      }
      %scan3A_308 = arith.constant 64 : i32
    }
    %scan3A_293 = arith.constant 32 : i32
    %run_scoped3A_294 = arith.constant 2 : i32
    "tpu.region"() ({
      %run_scoped3A_303 = tpu.sem_alloc : memref<!tpu.dma_semaphore, #tpu.memory_space<semaphore_mem>>
      %dma_start3A = arith.constant 0 : i32
      %dma_start3A_304 = tpu.memref_slice %arg4[%run_scoped3A_294, %add3A_268, %dma_start3A] : memref<4x8192x1024xf32, #tpu.memory_space<hbm>> -> memref<1x32x1024xf32, #tpu.memory_space<hbm>>
      %dma_start3A_305 = tpu.memref_squeeze %dma_start3A_304 : memref<1x32x1024xf32, #tpu.memory_space<hbm>> -> memref<32x1024xf32, #tpu.memory_space<hbm>>
      %dma_start3A_306 = arith.constant 0 : i32
      %dma_start3A_307 = tpu.memref_slice %arg4[%run_scoped3A_294, %add3A_268, %dma_start3A_306] : memref<4x8192x1024xf32, #tpu.memory_space<hbm>> -> memref<1x32x1024xf32, #tpu.memory_space<hbm>>
      %dma_start3A_308 = tpu.memref_squeeze %dma_start3A_307 : memref<1x32x1024xf32, #tpu.memory_space<hbm>> -> memref<32x1024xf32, #tpu.memory_space<hbm>>
      tpu.enqueue_dma source(%arg6 : memref<32x1024xf32, #tpu.memory_space<vmem>>) target(%dma_start3A_308 : memref<32x1024xf32, #tpu.memory_space<hbm>>) target_semaphore(%run_scoped3A_303 : memref<!tpu.dma_semaphore, #tpu.memory_space<semaphore_mem>>)
      %dma_wait3A = arith.constant 0 : i32
      %dma_wait3A_309 = tpu.memref_slice %arg4[%run_scoped3A_294, %add3A_268, %dma_wait3A] : memref<4x8192x1024xf32, #tpu.memory_space<hbm>> -> memref<1x32x1024xf32, #tpu.memory_space<hbm>>
      %dma_wait3A_310 = tpu.memref_squeeze %dma_wait3A_309 : memref<1x32x1024xf32, #tpu.memory_space<hbm>> -> memref<32x1024xf32, #tpu.memory_space<hbm>>
      %dma_wait3A_311 = arith.constant 0 : i32
      %dma_wait3A_312 = tpu.memref_slice %arg4[%run_scoped3A_294, %add3A_268, %dma_wait3A_311] : memref<4x8192x1024xf32, #tpu.memory_space<hbm>> -> memref<1x32x1024xf32, #tpu.memory_space<hbm>>
      %dma_wait3A_313 = tpu.memref_squeeze %dma_wait3A_312 : memref<1x32x1024xf32, #tpu.memory_space<hbm>> -> memref<32x1024xf32, #tpu.memory_space<hbm>>
      tpu.wait_dma2 semaphore(%run_scoped3A_303 : memref<!tpu.dma_semaphore, #tpu.memory_space<semaphore_mem>>) src(%arg6 : memref<32x1024xf32, #tpu.memory_space<vmem>>) dst(%dma_wait3A_313 : memref<32x1024xf32, #tpu.memory_space<hbm>>)
      tpu.yield
    }) : () -> ()
    %run_scoped3A_295 = arith.constant 3 : i32
    "tpu.region"() ({
      %run_scoped3A_303 = tpu.sem_alloc : memref<!tpu.dma_semaphore, #tpu.memory_space<semaphore_mem>>
      %dma_start3A = arith.constant 0 : i32
      %dma_start3A_304 = tpu.memref_slice %arg2[%run_scoped3A_295, %add3A_268, %dma_start3A] : memref<4x8192x1024xf32, #tpu.memory_space<hbm>> -> memref<1x32x1024xf32, #tpu.memory_space<hbm>>
      %dma_start3A_305 = tpu.memref_squeeze %dma_start3A_304 : memref<1x32x1024xf32, #tpu.memory_space<hbm>> -> memref<32x1024xf32, #tpu.memory_space<hbm>>
      %dma_start3A_306 = arith.constant 0 : i32
      %dma_start3A_307 = tpu.memref_slice %arg2[%run_scoped3A_295, %add3A_268, %dma_start3A_306] : memref<4x8192x1024xf32, #tpu.memory_space<hbm>> -> memref<1x32x1024xf32, #tpu.memory_space<hbm>>
      %dma_start3A_308 = tpu.memref_squeeze %dma_start3A_307 : memref<1x32x1024xf32, #tpu.memory_space<hbm>> -> memref<32x1024xf32, #tpu.memory_space<hbm>>
      tpu.enqueue_dma source(%dma_start3A_308 : memref<32x1024xf32, #tpu.memory_space<hbm>>) target(%arg6 : memref<32x1024xf32, #tpu.memory_space<vmem>>) target_semaphore(%run_scoped3A_303 : memref<!tpu.dma_semaphore, #tpu.memory_space<semaphore_mem>>)
      %dma_wait3A = arith.constant 0 : i32
      %dma_wait3A_309 = tpu.memref_slice %arg2[%run_scoped3A_295, %add3A_268, %dma_wait3A] : memref<4x8192x1024xf32, #tpu.memory_space<hbm>> -> memref<1x32x1024xf32, #tpu.memory_space<hbm>>
      %dma_wait3A_310 = tpu.memref_squeeze %dma_wait3A_309 : memref<1x32x1024xf32, #tpu.memory_space<hbm>> -> memref<32x1024xf32, #tpu.memory_space<hbm>>
      %dma_wait3A_311 = arith.constant 0 : i32
      %dma_wait3A_312 = tpu.memref_slice %arg2[%run_scoped3A_295, %add3A_268, %dma_wait3A_311] : memref<4x8192x1024xf32, #tpu.memory_space<hbm>> -> memref<1x32x1024xf32, #tpu.memory_space<hbm>>
      %dma_wait3A_313 = tpu.memref_squeeze %dma_wait3A_312 : memref<1x32x1024xf32, #tpu.memory_space<hbm>> -> memref<32x1024xf32, #tpu.memory_space<hbm>>
      tpu.wait_dma2 semaphore(%run_scoped3A_303 : memref<!tpu.dma_semaphore, #tpu.memory_space<semaphore_mem>>) src(%dma_wait3A_313 : memref<32x1024xf32, #tpu.memory_space<hbm>>) dst(%arg6 : memref<32x1024xf32, #tpu.memory_space<vmem>>)
      tpu.yield
    }) : () -> ()
    %scan3A_296 = arith.constant 0 : i32
    %scan3A_297 = arith.constant 0 : i32
    %scan3A_298 = arith.constant 32 : i32
    %scan3A_299 = arith.addi %scan3A_297, %scan3A_298 : i32
    %scan3A_300 = arith.constant 1 : i32
    scf.for %scan3A_303 = %scan3A_297 to %scan3A_299 step %scan3A_300  : i32 {
      %scan3A_304 = arith.constant 0 : i32
      %scan3A_305 = arith.constant 64 : i32
      %scan3A_306 = arith.addi %scan3A_304, %scan3A_305 : i32
      %scan3A_307 = arith.constant 1 : i32
      scf.for %scan3A_309 = %scan3A_304 to %scan3A_306 step %scan3A_307  : i32 {
        %mul3A_310 = arith.constant 16 : i32
        %mul3A_311 = arith.muli %scan3A_309, %mul3A_310 : i32
        %get3A = arith.index_cast %scan3A_303 : i32 to index
        %get3A_312 = arith.index_cast %mul3A_311 : i32 to index
        %get3A_313 = tpu.vector_load %arg5[%get3A, %get3A_312] {strides = array<i32>} : memref<32x1024xf32, #tpu.memory_space<vmem>>, vector<1x16xf32>,
        %get3A_314 = vector.shape_cast %get3A_313 : vector<1x16xf32> to vector<16xf32>
        %swap3A = arith.index_cast %scan3A_303 : i32 to index
        %swap3A_315 = arith.index_cast %mul3A_311 : i32 to index
        %swap3A_316 = tpu.vector_load %arg6[%swap3A, %swap3A_315] {strides = array<i32>} : memref<32x1024xf32, #tpu.memory_space<vmem>>, vector<1x16xf32>,
        %swap3A_317 = vector.shape_cast %swap3A_316 : vector<1x16xf32> to vector<16xf32>
        %swap3A_318 = vector.shape_cast %get3A_314 : vector<16xf32> to vector<1x16xf32>
        tpu.vector_store %arg6[%swap3A, %swap3A_315], %swap3A_318 {add = true, strides = array<i32>} : memref<32x1024xf32, #tpu.memory_space<vmem>>, vector<1x16xf32>,
      }
      %scan3A_308 = arith.constant 64 : i32
    }
    %scan3A_301 = arith.constant 32 : i32
    %run_scoped3A_302 = arith.constant 3 : i32
    "tpu.region"() ({
      %run_scoped3A_303 = tpu.sem_alloc : memref<!tpu.dma_semaphore, #tpu.memory_space<semaphore_mem>>
      %dma_start3A = arith.constant 0 : i32
      %dma_start3A_304 = tpu.memref_slice %arg4[%run_scoped3A_302, %add3A_268, %dma_start3A] : memref<4x8192x1024xf32, #tpu.memory_space<hbm>> -> memref<1x32x1024xf32, #tpu.memory_space<hbm>>
      %dma_start3A_305 = tpu.memref_squeeze %dma_start3A_304 : memref<1x32x1024xf32, #tpu.memory_space<hbm>> -> memref<32x1024xf32, #tpu.memory_space<hbm>>
      %dma_start3A_306 = arith.constant 0 : i32
      %dma_start3A_307 = tpu.memref_slice %arg4[%run_scoped3A_302, %add3A_268, %dma_start3A_306] : memref<4x8192x1024xf32, #tpu.memory_space<hbm>> -> memref<1x32x1024xf32, #tpu.memory_space<hbm>>
      %dma_start3A_308 = tpu.memref_squeeze %dma_start3A_307 : memref<1x32x1024xf32, #tpu.memory_space<hbm>> -> memref<32x1024xf32, #tpu.memory_space<hbm>>
      tpu.enqueue_dma source(%arg6 : memref<32x1024xf32, #tpu.memory_space<vmem>>) target(%dma_start3A_308 : memref<32x1024xf32, #tpu.memory_space<hbm>>) target_semaphore(%run_scoped3A_303 : memref<!tpu.dma_semaphore, #tpu.memory_space<semaphore_mem>>)
      %dma_wait3A = arith.constant 0 : i32
      %dma_wait3A_309 = tpu.memref_slice %arg4[%run_scoped3A_302, %add3A_268, %dma_wait3A] : memref<4x8192x1024xf32, #tpu.memory_space<hbm>> -> memref<1x32x1024xf32, #tpu.memory_space<hbm>>
      %dma_wait3A_310 = tpu.memref_squeeze %dma_wait3A_309 : memref<1x32x1024xf32, #tpu.memory_space<hbm>> -> memref<32x1024xf32, #tpu.memory_space<hbm>>
      %dma_wait3A_311 = arith.constant 0 : i32
      %dma_wait3A_312 = tpu.memref_slice %arg4[%run_scoped3A_302, %add3A_268, %dma_wait3A_311] : memref<4x8192x1024xf32, #tpu.memory_space<hbm>> -> memref<1x32x1024xf32, #tpu.memory_space<hbm>>
      %dma_wait3A_313 = tpu.memref_squeeze %dma_wait3A_312 : memref<1x32x1024xf32, #tpu.memory_space<hbm>> -> memref<32x1024xf32, #tpu.memory_space<hbm>>
      tpu.wait_dma2 semaphore(%run_scoped3A_303 : memref<!tpu.dma_semaphore, #tpu.memory_space<semaphore_mem>>) src(%arg6 : memref<32x1024xf32, #tpu.memory_space<vmem>>) dst(%dma_wait3A_313 : memref<32x1024xf32, #tpu.memory_space<hbm>>)
      tpu.yield
    }) : () -> ()
    return
  }
}

</mosaic_0001>

<sc_bundles>
// kernel: kernel.3.cloned.1.call-start
scs
__scs_entry_jumppad:
0x0: {  	(pc) =	sbr.rel $0x88, $3  }
0x1: {  	(tag) =	ssettag $0x0;
	lr =	simm.s32 $0x1  }
0x2: {  	[smem:$0x3F9F] =	sst lr;
	_ =	strace $0xD0000000  }
0x3: {  	_ = 	snop  }
0x4: {  	_ = 	snop  }
0x5: {  	_ = 	snop  }
0x6: {  	_ = 	snop  }
0x7: {  	_ = 	snop  }
__scs_overlays_trampoline_lowered:
0x8: {  	[smem:$0x3FAE] =	sst s0  }
0x9: {  	[smem:$0x3FAF] =	sst s1  }
0xa: {  	[smem:$0x3FB0] =	sst s2  }
0xb: {  	[smem:$0x3FB1] =	sst s3  }
0xc: {  	[smem:$0x3FB2] =	sst s4  }
0xd: {  	[smem:$0x3FB3] =	sst s5  }
0xe: {  	[smem:$0x3FB4] =	sst s6  }
0xf: {  	[smem:$0x3FB5] =	sst s7  }
0x10: {  	[smem:$0x3FB6] =	sst s8  }
0x11: {  	[smem:$0x3FB7] =	sst s9;
	s0 =	simm.s32 @!p0 $0x0  }
0x12: {  	s1 =	sld [smem:$0x3F9D];
	s0 =	simm.s32 @p0 $0x1  }
0x13: {  	[smem:$0x3FB8] =	sst s0;
	s0 =	simm.s32 @!p1 $0x0  }
0x14: {  	s2 =	sld [smem:$0x3F9C];
	s0 =	simm.s32 @p1 $0x1  }
0x15: {  	[smem:$0x3FB9] =	sst s0;
	s0 =	simm.s32 @!p2 $0x0  }
0x16: {  	s3 =	sld [smem:$0x3FDB];
	s0 =	simm.s32 @p2 $0x1  }
0x17: {  	s4 =	simm.s32 $0x1BF5;
	[smem:$0x3FBB] =	sst s0  }
0x18: {  	s0 =	sld [smem:$0x3F9E];
	_ =	swait.ge [sflag:s4], $0x0  }
0x19: {  	s7 =	sld [smem:$0x3F9F]  }
0x1a: {  	s8 =	sadd.s32 $0xFFFFE003, lr  }
0x1b: {  	s9 =	sadd.s32 $0xFFFFFEF7, lr;
	s5 =	simm.s32 $0xFFFFFFFF;
	p2 =	slt.u32 s8, $0xFFFFF086  }
0x1c: {  	p1 =	slt.u32 s9, $0xF7A;
	s5 =	simm.s32 @!p2 $0x0  }
0x1d: {  	s5 =	simm.s32 @p1 $0x1;
	p0 =	seq.s32 s7, s2  }
0x1e: {  	s7 =	smul.u32 @!p0 $0xF7A, s2;
	p2 =	seq.s32 @!p0 s5, $0x0  }
0x1f: {  	s9 =	smul.u32 $0xF7A, s1;
	s8 =	simm.s32 @!p0 $0x1BF5;
	p2 =	por !p2, p0  }
0x20: {  	[sflag:s8] =	ssyncset.s32 @!p0 $0xFFFFF086;
	s6 =	sadd.s32 @!p0 s3, s7;
	s7 =	simm.s32 @!p0 $0x108  }
0x21: {  	s3 =	sadd.s32 s3, s9;
	s6 =	sadd.s32 @!p0 $0x88, s6;
	s7 =	simm.s32 @p2 $0x1082  }
0x22: {  	[simem:s7], [sflag:s8] =	dma.local @!p0 [hbm:s6], $0xF7A  }
0x23: {  	s9 =	sor.u32 $0xD0000000, s2;
	s6 =	simm.s32 $0x108;
	_ =	swait.ge @!p0 [sflag:s8], $0x0  }
0x24: {  	s3 =	sadd.s32 $0x88, s3;
	s6 =	simm.s32 @!p1 $0x1082;
	[sflag:s4] =	ssyncset.s32 $0xFFFFF086  }
0x25: {  	[simem:s6], [sflag:s4] =	dma.local [hbm:s3], $0xF7A  }
0x26: {  	[smem:$0x3F9F] =	sst s1;
	(tag) =	ssettag s2;
	_ =	strace s9  }
0x27: {  	s1 =	sld [smem:$0x3FAF]  }
0x28: {  	s2 =	sld [smem:$0x3FB0]  }
0x29: {  	s4 =	sld [smem:$0x3FB2]  }
0x2a: {  	p0 =	seq.s32 s5, $0x0;
	s5 =	sld [smem:$0x3FB3]  }
0x2b: {  	s6 =	sld [smem:$0x3FB4]  }
0x2c: {  	s7 =	sld [smem:$0x3FB5]  }
0x2d: {  	s3 =	simm.s32 $0x108;
	s8 =	sld [smem:$0x3FB6]  }
0x2e: {  	s3 =	simm.s32 @!p0 $0x1082;
	s9 =	sld [smem:$0x3FB7]  }
0x2f: {  	lr =	sadd.s32 s0, s3;
	s0 =	sld [smem:$0x3FAE]  }
0x30: {  	s3 =	sld [smem:$0x3FB1]  }
0x31: {  	[smem:$0x3FBA] =	sst s10  }
0x32: {  	s10 =	sld [smem:$0x3FB8];
	_ =	sdelay $0x3  }
0x33: {  	p0 =	seq.s32 s10, $0x1;
	s10 =	sld [smem:$0x3FBA];
	_ =	sdelay $0x3  }
0x34: {  	[smem:$0x3FBA] =	sst s10  }
0x35: {  	s10 =	sld [smem:$0x3FB9];
	_ =	sdelay $0x3  }
0x36: {  	p1 =	seq.s32 s10, $0x1;
	s10 =	sld [smem:$0x3FBA];
	_ =	sdelay $0x3  }
0x37: {  	[smem:$0x3FBA] =	sst s10  }
0x38: {  	s10 =	sld [smem:$0x3FBB]  }
0x39: {  	_ = 	snop;
	(pc) =	sbr.ind lr, $3  }
0x3a: {  	_ = 	snop  }
0x3b: {  	_ = 	snop  }
0x3c: {  	p2 =	seq.s32 s10, $0x1;
	s10 =	sld [smem:$0x3FBA]  }
0x3d: {  	_ =	shalt  }
0x3e: {  	_ =	shalt  }
0x3f: {  	_ =	shalt  }
0x40: {  	_ =	shalt  }
0x41: {  	_ =	shalt  }
0x42: {  	_ =	shalt  }
0x43: {  	_ =	shalt  }
0x44: {  	_ =	shalt  }
0x45: {  	_ =	shalt  }
0x46: {  	_ =	shalt  }
0x47: {  	_ =	shalt  }
0x48: {  	_ =	shalt  }
0x49: {  	_ =	shalt  }
0x4a: {  	_ =	shalt  }
0x4b: {  	_ =	shalt  }
0x4c: {  	_ =	shalt  }
0x4d: {  	_ =	shalt  }
0x4e: {  	_ =	shalt  }
0x4f: {  	_ =	shalt  }
0x50: {  	_ =	shalt  }
0x51: {  	_ =	shalt  }
0x52: {  	_ =	shalt  }
0x53: {  	_ =	shalt  }
0x54: {  	_ =	shalt  }
0x55: {  	_ =	shalt  }
0x56: {  	_ =	shalt  }
0x57: {  	_ =	shalt  }
0x58: {  	_ =	shalt  }
0x59: {  	_ =	shalt  }
0x5a: {  	_ =	shalt  }
0x5b: {  	_ =	shalt  }
0x5c: {  	_ =	shalt  }
0x5d: {  	_ =	shalt  }
0x5e: {  	_ =	shalt  }
0x5f: {  	_ =	shalt  }
0x60: {  	_ =	shalt  }
0x61: {  	_ =	shalt  }
0x62: {  	_ =	shalt  }
0x63: {  	_ =	shalt  }
0x64: {  	_ =	shalt  }
0x65: {  	_ =	shalt  }
0x66: {  	_ =	shalt  }
0x67: {  	_ =	shalt  }
0x68: {  	_ =	shalt  }
0x69: {  	_ =	shalt  }
0x6a: {  	_ =	shalt  }
0x6b: {  	_ =	shalt  }
0x6c: {  	_ =	shalt  }
0x6d: {  	_ =	shalt  }
0x6e: {  	_ =	shalt  }
0x6f: {  	_ =	shalt  }
0x70: {  	_ =	shalt  }
0x71: {  	_ =	shalt  }
0x72: {  	_ =	shalt  }
0x73: {  	_ =	shalt  }
0x74: {  	_ =	shalt  }
0x75: {  	_ =	shalt  }
0x76: {  	_ =	shalt  }
0x77: {  	_ =	shalt  }
0x78: {  	_ =	shalt  }
0x79: {  	_ =	shalt  }
0x7a: {  	_ =	shalt  }
0x7b: {  	_ =	shalt  }
0x7c: {  	_ =	shalt  }
0x7d: {  	_ =	shalt  }
0x7e: {  	_ =	shalt  }
0x7f: {  	_ =	shalt  }
0x80: {  	_ =	shalt  }
0x81: {  	_ =	shalt  }
0x82: {  	_ =	shalt  }
0x83: {  	_ =	shalt  }
0x84: {  	_ =	shalt  }
0x85: {  	_ =	shalt  }
0x86: {  	_ =	shalt  }
0x87: {  	_ =	shalt  }
.Lfunc_end0:
.L_simem_size_0:
called_computation_lowered:
.L_overlay_start_0:
0x88: {  	s2 =	sld [smem:$0x3FD9]  }
0x89: {  	s3 =	sld [smem:$0x3FFE];
	_ =	sdelay $0x1  }
0x8a: {  	s1 =	srdreg.scid  }
0x8b: {  	s0 =	sand.u32 $0x1, s1  }
0x8c: {  	s18 =	sshll.u32 s0, $0xA;
	s2 =	sadd.s32 s3, s2  }
0x8d: {  	s2 =	sadd.s32 s2, s18  }
0x8e: {  	[smem:$0x3FC6] =	sst s2  }
0x8f: {  	_ = 	snop  }
0x90: {  	s2 =	sld [smem:$0x3FC9]  }
0x91: {  	s19 =	sld [smem:$0x3FC8]  }
0x92: {  	s4 =	sld [smem:$0x3FD0];
	(tm) =	ssettm $0x1  }
0x93: {  	s5 =	sld [smem:$0x3FFB];
	_ =	sdelay $0x3  }
0x94: {  	_ =	strace s5  }
0x95: {  	s5 =	sld [smem:$0x3FFC];
	_ =	sdelay $0x3  }
0x96: {  	_ =	strace s5  }
0x97: {  	s5 =	sld [smem:$0x3FFD];
	_ =	sdelay $0x3  }
0x98: {  	_ =	strace s5  }
0x99: {  	_ =	strace $0x8FFFFFFF  }
0x9a: {  	s20 =	sld [smem:$0x3FDB];
	_ =	sdelay $0x1  }
0x9b: {  	s6 =	simm.s32 $_scs_section_size  }
0x9c: {  	s7 =	simm.s32 $_size__tile_overlayer_lowered;
	s8 =	simm.s32 $_tile_overlayer_lowered  }
0x9d: {  	s23 =	simm.s32 $0x1BFF;
	s22 =	sshll.u32 s8, $0x1;
	s5 =	sadd.s32 s6, s20  }
0x9e: {  	s9 =	simm.s32 $0x0;
	s21 =	sshll.u32 s7, $0x1;
	s7 =	sadd.s32 s22, s5  }
0x9f: {  	[timem:s9], [sflag:s23] =	dma.local [hbm:s7], s21  }
0xa0: {  	_ =	swait.ge [sflag:s23], s21  }
0xa1: {  	s6 =	ssub.s32 $0x0, s21;
	[sflag:s23] =	ssyncset.done $0x0  }
0xa2: {  	[sflag:s23] =	ssyncadd.s32 s6;
	_ =	sdelay $0x1  }
0xa3: {  	s24 =	simm.s32 $0x1B8B  }
0xa4: {  	_ =	swait.ge [sflag:s24], $0x1  }
0xa5: {  	[sflag:s24] =	ssyncset.done $0x0  }
0xa6: {  	s25 =	simm.s32 $0x1B8E;
	[sflag:s24] =	ssyncadd.s32 $0xFFFFFFFF  }
0xa7: {  	s26 =	simm.s32 $execute0_lowered;
	[smem:$0x3FD2] =	sst s25  }
0xa8: {  	s6 =	sshll.u32 s26, $0x1;
	_ =	strace $0x80000046;
	[dreg:$0x1] =	wrdreg $0xFFFFFFFF  }
0xa9: {  	s28 =	simm.s32 $_size_execute0_lowered;
	s5 =	sadd.s32 s5, s6;
	[dreg:$0x0] =	wrdreg $0x0  }
0xaa: {  	s6 =	sshll.u32 s28, $0x1;
	[dreg:$0x2] =	wrdreg s5  }
0xab: {  	[dreg:$0x3] =	wrdreg s6  }
0xac: {  	[dreg:$0x4] =	wrdreg $0xC0  }
0xad: {  	_ =	task [dreg:s9], $0x5FFFF  }
0xae: {  	[dreg:$0x1] =	wrdreg $0xFFFFFFFF  }
0xaf: {  	[dreg:$0x0] =	wrdreg $0x60  }
0xb0: {  	[dreg:$0x2] =	wrdreg s2  }
0xb1: {  	[dreg:$0x3] =	wrdreg s19  }
0xb2: {  	[dreg:$0x4] =	wrdreg s4  }
0xb3: {  	[dreg:$0x5] =	wrdreg $0x9  }
0xb4: {  	_ =	task.clear_ibuf [dreg:s9], $0x6FFFF;
	_ =	strace $0x90000046  }
0xb5: {  	s29 =	simm.s32 $0x9;
	_ =	strace $0x80000048  }
0xb6: {  	_ =	swait.ge [sflag:s29], $0x1  }
0xb7: {  	[sflag:s29] =	ssyncadd.s32 $0xFFFFFFFF  }
0xb8: {  	_ =	strace $0x90000048  }
0xb9: {  	_ =	sfence  }
0xba: {  	s30 =	sld [smem:$0x0];
	_ =	sdelay $0x2  }
0xbb: {  	s31 =	sshll.u32 s1, $0xD;
	s1 =	sshrl.u32 s1, $0x2  }
0xbc: {  	s3 =	sand.u32 $0x4000, s31;
	s1 =	sadd.s32 s1, s30  }
0xbd: {  	s0 =	sor.u32 s3, s0;
	s1 =	sshll.u32 s1, $0x11  }
0xbe: {  	s0 =	sor.u32 s1, s0  }
0xbf: {  	s0 =	sadd.s32 $0x8F2B, s0  }
0xc0: {  	[sflag:s0] =	ssyncadd.remote.s32 $0x1  }
0xc1: {  	_ =	sfence.sel $0xFFFF  }
0xc2: {  	[dreg:$0x0] =	wrdreg $0xFFFFFFFF;
	(pc) =	sbr.abs _section_cstart, $3  }
0xc3: {  	[dreg:$0x1] =	wrdreg $0xFFFFFFFF  }
0xc4: {  	_ =	task.clear_ibuf [dreg:s9], $0x2FFFF;
	_ =	strace $0x9FFFFFFF  }
0xc5: {  	(tm) =	ssettm $0x7FFFFFFF  }
tec
execute0_lowered:
.L_overlay_start_1:
0x0: {  	(tag) =	ssettag $0x1  }
0x1: {  	s0 =	srdreg.scid  }
0x2: {  	s12 =	rddreg [dreg:$0x0];
	s1 =	stileid.u32;
	s0 =	sand.u32 $0x1, s0  }
0x3: {  	s4 =	sshll.u32 s1, $0x10;
	s2 =	ssub.s32 $0x2, s0;
	s0 =	sshll.u32 s0, $0xF  }
0x4: {  	s3 =	rddreg [dreg:$0x1];
	s10 =	sor.u32 s0, s4  }
0x5: {  	s13 =	rddreg [dreg:$0x2];
	s1 =	simm.s32 $0x0;
	s0 =	sor.u32 $0x100000, s10  }
0x6: {  	[smem:$0x7FF] =	sst s1;
	s22 =	sadd.s32 s3, s0  }
0x7: {  	s5 =	sshrl.u32 s2, $0x1;
	s23 =	sadd.s32 s12, s0;
	[dreg:$0x4] =	wrdreg s22  }
0x8: {  	s24 =	sor.u32 $0x200000, s10;
	s0 =	sadd.s32 s13, s0;
	[dreg:$0x5] =	wrdreg s23  }
0x9: {  	s14 =	ssub.s32 s2, s5;
	s25 =	sadd.s32 s12, s24;
	[dreg:$0x6] =	wrdreg s0  }
0xa: {  	s26 =	sor.u32 $0x300000, s10;
	s2 =	sadd.s32 s13, s24;
	[dreg:$0x7] =	wrdreg s25  }
0xb: {  	s5 =	sor.u32 $0x101000, s10;
	s4 =	sadd.s32 s12, s26;
	[dreg:$0x8] =	wrdreg s2  }
0xc: {  	s7 =	sor.u32 $0x1000, s10;
	s6 =	sadd.s32 s3, s5;
	[dreg:$0x9] =	wrdreg s4  }
0xd: {  	s8 =	sadd.s32 s12, s7;
	[dreg:$0xb] =	wrdreg s6  }
0xe: {  	s9 =	sadd.s32 s12, s5;
	[dreg:$0xc] =	wrdreg s8  }
0xf: {  	s15 =	sor.u32 $0x201000, s10;
	s11 =	sadd.s32 s13, s5;
	[dreg:$0xe] =	wrdreg s9  }
0x10: {  	s16 =	sor.u32 $0x301000, s10;
	s17 =	sadd.s32 s12, s15;
	[dreg:$0xf] =	wrdreg s11  }
0x11: {  	s18 =	sadd.s32 s12, s16;
	[dreg:$0x10] =	wrdreg s17  }
0x12: {  	s20 =	sor.u32 $0x102000, s10;
	s19 =	sadd.s32 s13, s16;
	[dreg:$0x12] =	wrdreg s18  }
0x13: {  	s24 =	sadd.s32 s12, s20;
	[dreg:$0x13] =	wrdreg s19  }
0x14: {  	s21 =	sor.u32 $0x2000, s10;
	s0 =	sadd.s32 s13, s26;
	[dreg:$0x17] =	wrdreg s24  }
0x15: {  	s22 =	sadd.s32 s12, s21;
	[dreg:$0xa] =	wrdreg s0  }
0x16: {  	s2 =	sadd.s32 s13, s21;
	[dreg:$0x14] =	wrdreg s22  }
0x17: {  	s23 =	sadd.s32 s3, s20;
	[dreg:$0x15] =	wrdreg s2  }
0x18: {  	s25 =	sor.u32 $0x202000, s10;
	s0 =	sadd.s32 s13, s7;
	[dreg:$0x16] =	wrdreg s23  }
0x19: {  	s4 =	sor.u32 $0x302000, s10;
	s26 =	sadd.s32 s12, s25;
	[dreg:$0xd] =	wrdreg s0  }
0x1a: {  	s6 =	sor.u32 $0x3000, s10;
	s5 =	sadd.s32 s12, s4;
	[dreg:$0x19] =	wrdreg s26  }
0x1b: {  	s8 =	sor.u32 $0x103000, s10;
	s7 =	sadd.s32 s12, s6;
	[dreg:$0x1b] =	wrdreg s5  }
0x1c: {  	s9 =	sadd.s32 s3, s8;
	[dreg:$0x1d] =	wrdreg s7  }
0x1d: {  	s17 =	sor.u32 $0x303000, s10;
	s11 =	sadd.s32 s12, s8;
	[dreg:$0x1f] =	wrdreg s9  }
0x1e: {  	s19 =	sor.u32 $0x4000, s10;
	s18 =	sadd.s32 s12, s17;
	[smem:$0x7E3] =	sst s11  }
0x1f: {  	s21 =	sadd.s32 s12, s19;
	[smem:$0x7E7] =	sst s18  }
0x20: {  	s24 =	sor.u32 $0x204000, s10;
	s0 =	sadd.s32 s13, s15;
	[smem:$0x7E9] =	sst s21  }
0x21: {  	s26 =	sadd.s32 s12, s24;
	[dreg:$0x11] =	wrdreg s0  }
0x22: {  	s15 =	sor.u32 $0x203000, s10;
	s0 =	sadd.s32 s13, s20;
	[smem:$0x7EE] =	sst s26  }
0x23: {  	s16 =	sadd.s32 s12, s15;
	[dreg:$0x18] =	wrdreg s0  }
0x24: {  	s7 =	sor.u32 $0x105000, s10;
	s2 =	sadd.s32 s13, s15;
	[smem:$0x7E5] =	sst s16  }
0x25: {  	s14 =	smax.u32 s14, $0x1;
	s11 =	sadd.s32 s3, s7;
	[smem:$0x7E6] =	sst s2  }
0x26: {  	s18 =	sor.u32 $0x305000, s10;
	s15 =	sadd.s32 s12, s7;
	[smem:$0x7F4] =	sst s11  }
0x27: {  	s20 =	sor.u32 $0x104000, s10;
	s0 =	sadd.s32 s13, s25;
	[smem:$0x7F5] =	sst s15  }
0x28: {  	s26 =	sor.u32 $0x7000, s10;
	s2 =	sadd.s32 s13, s19;
	[dreg:$0x1a] =	wrdreg s0  }
0x29: {  	s22 =	sadd.s32 s3, s20;
	s23 =	sadd.s32 s12, s20;
	[smem:$0x7EA] =	sst s2  }
0x2a: {  	s25 =	sor.u32 $0x304000, s10;
	s16 =	sor.u32 $0x205000, s10;
	[smem:$0x7EB] =	sst s22  }
0x2b: {  	s19 =	sadd.s32 s12, s18;
	s11 =	sor.u32 $0x207000, s10;
	[smem:$0x7EC] =	sst s23  }
0x2c: {  	s15 =	sor.u32 $0x307000, s10;
	s0 =	sadd.s32 s13, s4;
	[smem:$0x7F9] =	sst s19  }
0x2d: {  	s5 =	sadd.s32 s12, s25;
	s22 =	sor.u32 $0x106000, s10;
	[dreg:$0x1c] =	wrdreg s0  }
0x2e: {  	s4 =	sadd.s32 s12, s26;
	s0 =	sadd.s32 s13, s6;
	[smem:$0x7F0] =	sst s5  }
0x2f: {  	s6 =	sadd.s32 s13, s25;
	s23 =	sadd.s32 s3, s22;
	[dreg:$0x1e] =	wrdreg s0  }
0x30: {  	s28 =	sadd.s32 s12, s22;
	s29 =	sadd.s32 s13, s22;
	[smem:$0x7F1] =	sst s6  }
0x31: {  	s25 =	sor.u32 $0x306000, s10;
	s0 =	sadd.s32 s13, s8;
	[smem:$0x7FD] =	sst s23  }
0x32: {  	s8 =	sor.u32 $0x5000, s10;
	[smem:$0x7E4] =	sst s0;
	s0 =	sadd.s32 s13, s17  }
0x33: {  	s5 =	sadd.s32 s13, s26;
	s9 =	sadd.s32 s12, s8;
	[smem:$0x7E8] =	sst s0  }
0x34: {  	s2 =	sadd.s32 s13, s8;
	s17 =	sadd.s32 s12, s16;
	[smem:$0x7F2] =	sst s9  }
0x35: {  	s8 =	sadd.s32 s12, s10;
	s0 =	sadd.s32 s13, s20;
	[smem:$0x7F3] =	sst s2  }
0x36: {  	[smem:$0x7F7] =	sst s17;
	s20 =	sor.u32 $0x6000, s10;
	s2 =	sadd.s32 s13, s25  }
0x37: {  	s9 =	sadd.s32 s13, s10;
	[smem:$0x7ED] =	sst s0;
	s0 =	sadd.s32 s13, s24  }
0x38: {  	s17 =	simm.s32 $0x0;
	s21 =	sadd.s32 s12, s20;
	[smem:$0x7EF] =	sst s0  }
0x39: {  	s24 =	sor.u32 $0x206000, s10;
	s0 =	sadd.s32 s13, s7;
	[smem:$0x7FB] =	sst s21  }
0x3a: {  	s30 =	sadd.s32 s12, s24;
	s31 =	sadd.s32 s13, s24;
	s7 =	sor.u32 $0x107000, s10  }
0x3b: {  	s10 =	sadd.s32 s12, s11;
	s11 =	sadd.s32 s13, s11;
	[smem:$0x7F6] =	sst s0  }
0x3c: {  	s0 =	sadd.s32 s13, s16;
	s3 =	sadd.s32 s3, s7;
	s6 =	sadd.s32 s12, s7  }
0x3d: {  	s7 =	sadd.s32 s13, s7;
	[smem:$0x7F8] =	sst s0;
	s0 =	sadd.s32 s13, s18  }
0x3e: {  	s16 =	simm.s32 $0x8000;
	[smem:$0x7FA] =	sst s0;
	s0 =	sadd.s32 s13, s20  }
0x3f: {  	s13 =	sadd.s32 s13, s15;
	[smem:$0x7FC] =	sst s0;
	s0 =	sadd.s32 s12, s25  }
0x40: {  	s12 =	sadd.s32 s12, s15;
	s15 =	simm.s32 $0x1;
	_ =	strace $0x80000047  }
.LBB2_1:
0x41: {  	s18 =	rddreg [dreg:$0x4]  }
0x42: {  	[tilespmem:s1], [sflag:$0x1] =	stream.linear.gather [hbm4b:s18+s1], $0x8000, $0x38;
	[tilespmem:$0x10000] =	vst v63  }
0x43: {  	_ =	swait.ge [sflag:s15], $0x8000  }
0x44: {  	[sflag:s15] =	ssyncset.done $0x0  }
0x45: {  	[sflag:s15] =	ssyncadd.s32 $0xFFFF8000  }
0x46: {  	[tilespmem:s16], [sflag:$0x1] =	stream.linear.gather [hbm4b:s8+s1], $0x8000, $0x38;
	[tilespmem:$0x10000] =	vst v63  }
0x47: {  	_ =	swait.ge [sflag:s15], $0x8000  }
0x48: {  	[sflag:s15] =	ssyncset.done $0x0  }
0x49: {  	s18 =	simm.s32 $0x0;
	[sflag:s15] =	ssyncadd.s32 $0xFFFF8000  }
.LBB2_2:
0x4a: {  	s19 =	sshll.u32 s18, $0xA;
	s20 =	sshll.u32 s18, $0x7  }
0x4b: {  	s21 =	simm.s32 $0x0;
	s19 =	sand.u32 $0x6000, s19;
	s20 =	sand.u32 $0x380, s20  }
0x4c: {  	s26 =	sand.u32 $0x1C00, s21;
	s19 =	sor.u32 s19, s20  }
0x4d: {  	s21 =	sand.u32 $0x70, s21;
	s20 =	sor.u32 s26, s19  }
0x4e: {  	s20 =	sor.u32 s21, s20  }
0x4f: {  	v0 =	vld [tilespmem:s20+$0x0]  }
0x50: {  	s22 =	simm.s32 $0x80;
	s21 =	simm.s32 $0x10  }
.LBB2_3:
0x51: {  	s23 =	sand.u32 $0x1C00, s22;
	p0 =	sne.s32 s21, $0x3F0  }
0x52: {  	s24 =	smov.u32 s21;
	s21 =	sadd.s32 $0x10, s21;
	s25 =	sor.u32 $0x8000, s20  }
.Ltmp0:
0x53: {  	s24 =	sand.u32 $0x70, s24;
	s23 =	sor.u32 s23, s19;
	(pc) =	sbr.rel @p0 .LBB2_3-.Ltmp0, $3  }
0x54: {  	s20 =	sor.u32 s24, s23;
	[tilespmem:s25+$0x0] =	vst.add.f32.msk $0xffff, v0  }
0x55: {  	v0 =	vld [tilespmem:s20+$0x0];
	_ =	sdelay $0x1  }
0x56: {  	s22 =	sadd.s32 $0x80, s22  }
0x57: {  	s18 =	sadd.s32 $0x1, s18  }
0x58: {  	p0 =	sne.s32 s18, $0x20  }
.Ltmp1:
0x59: {  	_ = 	snop;
	(pc) =	sbr.rel @p0 .LBB2_2-.Ltmp1, $3  }
0x5a: {  	_ =	sdelay $0x1  }
0x5b: {  	s19 =	sor.u32 $0x8000, s20  }
0x5c: {  	[tilespmem:s19+$0x0] =	vst.add.f32.msk $0xffff, v0  }
0x5d: {  	s18 =	simm.s32 $0x0  }
0x5e: {  	[hbm4b:s9+s18] =	stream.linear.scatter [tilespmem:s16], [sflag:$0x1], $0x8000, $0x38;
	[tilespmem:$0x10000] =	vst v63  }
0x5f: {  	_ =	swait.ge [sflag:s15], $0x8000  }
0x60: {  	[sflag:s15] =	ssyncset.done $0x0  }
0x61: {  	s19 =	rddreg [dreg:$0x5];
	[sflag:s15] =	ssyncadd.s32 $0xFFFF8000  }
0x62: {  	[tilespmem:s16], [sflag:$0x1] =	stream.linear.gather [hbm4b:s19+s18], $0x8000, $0x38;
	[tilespmem:$0x10000] =	vst v63  }
0x63: {  	_ =	swait.ge [sflag:s15], $0x8000  }
0x64: {  	[sflag:s15] =	ssyncset.done $0x0  }
0x65: {  	s19 =	simm.s32 $0x0;
	[sflag:s15] =	ssyncadd.s32 $0xFFFF8000  }
.LBB2_6:
0x66: {  	s20 =	sshll.u32 s19, $0xA;
	s21 =	sshll.u32 s19, $0x7  }
0x67: {  	s20 =	sand.u32 $0x6000, s20;
	s21 =	sand.u32 $0x380, s21  }
0x68: {  	s26 =	sand.u32 $0x1C00, s18;
	s20 =	sor.u32 s20, s21  }
0x69: {  	s22 =	sand.u32 $0x70, s18;
	s21 =	sor.u32 s26, s20  }
0x6a: {  	s21 =	sor.u32 s22, s21  }
0x6b: {  	v0 =	vld [tilespmem:s21+$0x0]  }
0x6c: {  	s23 =	simm.s32 $0x80;
	s22 =	simm.s32 $0x10  }
.LBB2_7:
0x6d: {  	s24 =	sand.u32 $0x1C00, s23;
	p0 =	sne.s32 s22, $0x3F0  }
0x6e: {  	s25 =	smov.u32 s22;
	s22 =	sadd.s32 $0x10, s22;
	s26 =	sor.u32 $0x8000, s21  }
.Ltmp2:
0x6f: {  	s25 =	sand.u32 $0x70, s25;
	s24 =	sor.u32 s24, s20;
	(pc) =	sbr.rel @p0 .LBB2_7-.Ltmp2, $3  }
0x70: {  	s21 =	sor.u32 s25, s24;
	[tilespmem:s26+$0x0] =	vst.add.f32.msk $0xffff, v0  }
0x71: {  	v0 =	vld [tilespmem:s21+$0x0];
	_ =	sdelay $0x1  }
0x72: {  	s23 =	sadd.s32 $0x80, s23  }
0x73: {  	s19 =	sadd.s32 $0x1, s19  }
0x74: {  	p0 =	sne.s32 s19, $0x20  }
.Ltmp3:
0x75: {  	_ = 	snop;
	(pc) =	sbr.rel @p0 .LBB2_6-.Ltmp3, $3  }
0x76: {  	_ =	sdelay $0x1  }
0x77: {  	s20 =	sor.u32 $0x8000, s21  }
0x78: {  	[tilespmem:s20+$0x0] =	vst.add.f32.msk $0xffff, v0  }
0x79: {  	s18 =	simm.s32 $0x0;
	s19 =	rddreg [dreg:$0x6]  }
0x7a: {  	[hbm4b:s19+s18] =	stream.linear.scatter [tilespmem:s16], [sflag:$0x1], $0x8000, $0x38;
	[tilespmem:$0x10000] =	vst v63  }
0x7b: {  	_ =	swait.ge [sflag:s15], $0x8000  }
0x7c: {  	[sflag:s15] =	ssyncset.done $0x0  }
0x7d: {  	s26 =	rddreg [dreg:$0x7];
	[sflag:s15] =	ssyncadd.s32 $0xFFFF8000  }
0x7e: {  	[tilespmem:s16], [sflag:$0x1] =	stream.linear.gather [hbm4b:s26+s18], $0x8000, $0x38;
	[tilespmem:$0x10000] =	vst v63  }
0x7f: {  	_ =	swait.ge [sflag:s15], $0x8000  }
0x80: {  	[sflag:s15] =	ssyncset.done $0x0  }
0x81: {  	s19 =	simm.s32 $0x0;
	[sflag:s15] =	ssyncadd.s32 $0xFFFF8000  }
.LBB2_10:
0x82: {  	s20 =	sshll.u32 s19, $0xA;
	s21 =	sshll.u32 s19, $0x7  }
0x83: {  	s20 =	sand.u32 $0x6000, s20;
	s21 =	sand.u32 $0x380, s21  }
0x84: {  	s26 =	sand.u32 $0x1C00, s18;
	s20 =	sor.u32 s20, s21  }
0x85: {  	s22 =	sand.u32 $0x70, s18;
	s21 =	sor.u32 s26, s20  }
0x86: {  	s21 =	sor.u32 s22, s21  }
0x87: {  	v0 =	vld [tilespmem:s21+$0x0]  }
0x88: {  	s23 =	simm.s32 $0x80;
	s22 =	simm.s32 $0x10  }
.LBB2_11:
0x89: {  	s24 =	sand.u32 $0x1C00, s23;
	p0 =	sne.s32 s22, $0x3F0  }
0x8a: {  	s25 =	smov.u32 s22;
	s22 =	sadd.s32 $0x10, s22;
	s26 =	sor.u32 $0x8000, s21  }
.Ltmp4:
0x8b: {  	s25 =	sand.u32 $0x70, s25;
	s24 =	sor.u32 s24, s20;
	(pc) =	sbr.rel @p0 .LBB2_11-.Ltmp4, $3  }
0x8c: {  	s21 =	sor.u32 s25, s24;
	[tilespmem:s26+$0x0] =	vst.add.f32.msk $0xffff, v0  }
0x8d: {  	v0 =	vld [tilespmem:s21+$0x0];
	_ =	sdelay $0x1  }
0x8e: {  	s23 =	sadd.s32 $0x80, s23  }
0x8f: {  	s19 =	sadd.s32 $0x1, s19  }
0x90: {  	p0 =	sne.s32 s19, $0x20  }
.Ltmp5:
0x91: {  	_ = 	snop;
	(pc) =	sbr.rel @p0 .LBB2_10-.Ltmp5, $3  }
0x92: {  	_ =	sdelay $0x1  }
0x93: {  	s20 =	sor.u32 $0x8000, s21  }
0x94: {  	[tilespmem:s20+$0x0] =	vst.add.f32.msk $0xffff, v0  }
0x95: {  	s18 =	simm.s32 $0x0;
	s19 =	rddreg [dreg:$0x8]  }
0x96: {  	[hbm4b:s19+s18] =	stream.linear.scatter [tilespmem:s16], [sflag:$0x1], $0x8000, $0x38;
	[tilespmem:$0x10000] =	vst v63  }
0x97: {  	_ =	swait.ge [sflag:s15], $0x8000  }
0x98: {  	[sflag:s15] =	ssyncset.done $0x0  }
0x99: {  	s26 =	rddreg [dreg:$0x9];
	[sflag:s15] =	ssyncadd.s32 $0xFFFF8000  }
0x9a: {  	[tilespmem:s16], [sflag:$0x1] =	stream.linear.gather [hbm4b:s26+s18], $0x8000, $0x38;
	[tilespmem:$0x10000] =	vst v63  }
0x9b: {  	_ =	swait.ge [sflag:s15], $0x8000  }
0x9c: {  	[sflag:s15] =	ssyncset.done $0x0  }
0x9d: {  	s19 =	simm.s32 $0x0;
	[sflag:s15] =	ssyncadd.s32 $0xFFFF8000  }
.LBB2_14:
0x9e: {  	s20 =	sshll.u32 s19, $0xA;
	s21 =	sshll.u32 s19, $0x7  }
0x9f: {  	s20 =	sand.u32 $0x6000, s20;
	s21 =	sand.u32 $0x380, s21  }
0xa0: {  	s26 =	sand.u32 $0x1C00, s18;
	s20 =	sor.u32 s20, s21  }
0xa1: {  	s22 =	sand.u32 $0x70, s18;
	s21 =	sor.u32 s26, s20  }
0xa2: {  	s21 =	sor.u32 s22, s21  }
0xa3: {  	v0 =	vld [tilespmem:s21+$0x0]  }
0xa4: {  	s23 =	simm.s32 $0x80;
	s22 =	simm.s32 $0x10  }
.LBB2_15:
0xa5: {  	s24 =	sand.u32 $0x1C00, s23;
	p0 =	sne.s32 s22, $0x3F0  }
0xa6: {  	s25 =	smov.u32 s22;
	s22 =	sadd.s32 $0x10, s22;
	s26 =	sor.u32 $0x8000, s21  }
.Ltmp6:
0xa7: {  	s25 =	sand.u32 $0x70, s25;
	s24 =	sor.u32 s24, s20;
	(pc) =	sbr.rel @p0 .LBB2_15-.Ltmp6, $3  }
0xa8: {  	s21 =	sor.u32 s25, s24;
	[tilespmem:s26+$0x0] =	vst.add.f32.msk $0xffff, v0  }
0xa9: {  	v0 =	vld [tilespmem:s21+$0x0];
	_ =	sdelay $0x1  }
0xaa: {  	s23 =	sadd.s32 $0x80, s23  }
0xab: {  	s19 =	sadd.s32 $0x1, s19  }
0xac: {  	p0 =	sne.s32 s19, $0x20  }
.Ltmp7:
0xad: {  	_ = 	snop;
	(pc) =	sbr.rel @p0 .LBB2_14-.Ltmp7, $3  }
0xae: {  	_ =	sdelay $0x1  }
0xaf: {  	s20 =	sor.u32 $0x8000, s21  }
0xb0: {  	[tilespmem:s20+$0x0] =	vst.add.f32.msk $0xffff, v0  }
0xb1: {  	s18 =	simm.s32 $0x0;
	s19 =	rddreg [dreg:$0xa]  }
0xb2: {  	[hbm4b:s19+s18] =	stream.linear.scatter [tilespmem:s16], [sflag:$0x1], $0x8000, $0x38;
	[tilespmem:$0x10000] =	vst v63  }
0xb3: {  	_ =	swait.ge [sflag:s15], $0x8000  }
0xb4: {  	[sflag:s15] =	ssyncset.done $0x0  }
0xb5: {  	s25 =	rddreg [dreg:$0xb];
	[sflag:s15] =	ssyncadd.s32 $0xFFFF8000  }
0xb6: {  	[tilespmem:s18], [sflag:$0x1] =	stream.linear.gather [hbm4b:s25+s18], $0x8000, $0x38;
	[tilespmem:$0x10000] =	vst v63  }
0xb7: {  	_ =	swait.ge [sflag:s15], $0x8000  }
0xb8: {  	[sflag:s15] =	ssyncset.done $0x0  }
0xb9: {  	s26 =	rddreg [dreg:$0xc];
	[sflag:s15] =	ssyncadd.s32 $0xFFFF8000  }
0xba: {  	[tilespmem:s16], [sflag:$0x1] =	stream.linear.gather [hbm4b:s26+s18], $0x8000, $0x38;
	[tilespmem:$0x10000] =	vst v63  }
0xbb: {  	_ =	swait.ge [sflag:s15], $0x8000  }
0xbc: {  	[sflag:s15] =	ssyncset.done $0x0  }
0xbd: {  	s19 =	simm.s32 $0x0;
	[sflag:s15] =	ssyncadd.s32 $0xFFFF8000  }
.LBB2_18:
0xbe: {  	s20 =	sshll.u32 s19, $0xA;
	s21 =	sshll.u32 s19, $0x7  }
0xbf: {  	s20 =	sand.u32 $0x6000, s20;
	s21 =	sand.u32 $0x380, s21  }
0xc0: {  	s26 =	sand.u32 $0x1C00, s18;
	s20 =	sor.u32 s20, s21  }
0xc1: {  	s22 =	sand.u32 $0x70, s18;
	s21 =	sor.u32 s26, s20  }
0xc2: {  	s21 =	sor.u32 s22, s21  }
0xc3: {  	v0 =	vld [tilespmem:s21+$0x0]  }
0xc4: {  	s23 =	simm.s32 $0x80;
	s22 =	simm.s32 $0x10  }
.LBB2_19:
0xc5: {  	s24 =	sand.u32 $0x1C00, s23;
	p0 =	sne.s32 s22, $0x3F0  }
0xc6: {  	s25 =	smov.u32 s22;
	s22 =	sadd.s32 $0x10, s22;
	s26 =	sor.u32 $0x8000, s21  }
.Ltmp8:
0xc7: {  	s25 =	sand.u32 $0x70, s25;
	s24 =	sor.u32 s24, s20;
	(pc) =	sbr.rel @p0 .LBB2_19-.Ltmp8, $3  }
0xc8: {  	s21 =	sor.u32 s25, s24;
	[tilespmem:s26+$0x0] =	vst.add.f32.msk $0xffff, v0  }
0xc9: {  	v0 =	vld [tilespmem:s21+$0x0];
	_ =	sdelay $0x1  }
0xca: {  	s23 =	sadd.s32 $0x80, s23  }
0xcb: {  	s19 =	sadd.s32 $0x1, s19  }
0xcc: {  	p0 =	sne.s32 s19, $0x20  }
.Ltmp9:
0xcd: {  	_ = 	snop;
	(pc) =	sbr.rel @p0 .LBB2_18-.Ltmp9, $3  }
0xce: {  	_ =	sdelay $0x1  }
0xcf: {  	s20 =	sor.u32 $0x8000, s21  }
0xd0: {  	[tilespmem:s20+$0x0] =	vst.add.f32.msk $0xffff, v0  }
0xd1: {  	s18 =	simm.s32 $0x0;
	s19 =	rddreg [dreg:$0xd]  }
0xd2: {  	[hbm4b:s19+s18] =	stream.linear.scatter [tilespmem:s16], [sflag:$0x1], $0x8000, $0x38;
	[tilespmem:$0x10000] =	vst v63  }
0xd3: {  	_ =	swait.ge [sflag:s15], $0x8000  }
0xd4: {  	[sflag:s15] =	ssyncset.done $0x0  }
0xd5: {  	s26 =	rddreg [dreg:$0xe];
	[sflag:s15] =	ssyncadd.s32 $0xFFFF8000  }
0xd6: {  	[tilespmem:s16], [sflag:$0x1] =	stream.linear.gather [hbm4b:s26+s18], $0x8000, $0x38;
	[tilespmem:$0x10000] =	vst v63  }
0xd7: {  	_ =	swait.ge [sflag:s15], $0x8000  }
0xd8: {  	[sflag:s15] =	ssyncset.done $0x0  }
0xd9: {  	s19 =	simm.s32 $0x0;
	[sflag:s15] =	ssyncadd.s32 $0xFFFF8000  }
.LBB2_22:
0xda: {  	s20 =	sshll.u32 s19, $0xA;
	s21 =	sshll.u32 s19, $0x7  }
0xdb: {  	s20 =	sand.u32 $0x6000, s20;
	s21 =	sand.u32 $0x380, s21  }
0xdc: {  	s26 =	sand.u32 $0x1C00, s18;
	s20 =	sor.u32 s20, s21  }
0xdd: {  	s22 =	sand.u32 $0x70, s18;
	s21 =	sor.u32 s26, s20  }
0xde: {  	s21 =	sor.u32 s22, s21  }
0xdf: {  	v0 =	vld [tilespmem:s21+$0x0]  }
0xe0: {  	s23 =	simm.s32 $0x80;
	s22 =	simm.s32 $0x10  }
.LBB2_23:
0xe1: {  	s24 =	sand.u32 $0x1C00, s23;
	p0 =	sne.s32 s22, $0x3F0  }
0xe2: {  	s25 =	smov.u32 s22;
	s22 =	sadd.s32 $0x10, s22;
	s26 =	sor.u32 $0x8000, s21  }
.Ltmp10:
0xe3: {  	s25 =	sand.u32 $0x70, s25;
	s24 =	sor.u32 s24, s20;
	(pc) =	sbr.rel @p0 .LBB2_23-.Ltmp10, $3  }
0xe4: {  	s21 =	sor.u32 s25, s24;
	[tilespmem:s26+$0x0] =	vst.add.f32.msk $0xffff, v0  }
0xe5: {  	v0 =	vld [tilespmem:s21+$0x0];
	_ =	sdelay $0x1  }
0xe6: {  	s23 =	sadd.s32 $0x80, s23  }
0xe7: {  	s19 =	sadd.s32 $0x1, s19  }
0xe8: {  	p0 =	sne.s32 s19, $0x20  }
.Ltmp11:
0xe9: {  	_ = 	snop;
	(pc) =	sbr.rel @p0 .LBB2_22-.Ltmp11, $3  }
0xea: {  	_ =	sdelay $0x1  }
0xeb: {  	s20 =	sor.u32 $0x8000, s21  }
0xec: {  	[tilespmem:s20+$0x0] =	vst.add.f32.msk $0xffff, v0  }
0xed: {  	s18 =	simm.s32 $0x0;
	s19 =	rddreg [dreg:$0xf]  }
0xee: {  	[hbm4b:s19+s18] =	stream.linear.scatter [tilespmem:s16], [sflag:$0x1], $0x8000, $0x38;
	[tilespmem:$0x10000] =	vst v63  }
0xef: {  	_ =	swait.ge [sflag:s15], $0x8000  }
0xf0: {  	[sflag:s15] =	ssyncset.done $0x0  }
0xf1: {  	s26 =	rddreg [dreg:$0x10];
	[sflag:s15] =	ssyncadd.s32 $0xFFFF8000  }
0xf2: {  	[tilespmem:s16], [sflag:$0x1] =	stream.linear.gather [hbm4b:s26+s18], $0x8000, $0x38;
	[tilespmem:$0x10000] =	vst v63  }
0xf3: {  	_ =	swait.ge [sflag:s15], $0x8000  }
0xf4: {  	[sflag:s15] =	ssyncset.done $0x0  }
0xf5: {  	s19 =	simm.s32 $0x0;
	[sflag:s15] =	ssyncadd.s32 $0xFFFF8000  }
.LBB2_26:
0xf6: {  	s20 =	sshll.u32 s19, $0xA;
	s21 =	sshll.u32 s19, $0x7  }
0xf7: {  	s20 =	sand.u32 $0x6000, s20;
	s21 =	sand.u32 $0x380, s21  }
0xf8: {  	s26 =	sand.u32 $0x1C00, s18;
	s20 =	sor.u32 s20, s21  }
0xf9: {  	s22 =	sand.u32 $0x70, s18;
	s21 =	sor.u32 s26, s20  }
0xfa: {  	s21 =	sor.u32 s22, s21  }
0xfb: {  	v0 =	vld [tilespmem:s21+$0x0]  }
0xfc: {  	s23 =	simm.s32 $0x80;
	s22 =	simm.s32 $0x10  }
.LBB2_27:
0xfd: {  	s24 =	sand.u32 $0x1C00, s23;
	p0 =	sne.s32 s22, $0x3F0  }
0xfe: {  	s25 =	smov.u32 s22;
	s22 =	sadd.s32 $0x10, s22;
	s26 =	sor.u32 $0x8000, s21  }
.Ltmp12:
0xff: {  	s25 =	sand.u32 $0x70, s25;
	s24 =	sor.u32 s24, s20;
	(pc) =	sbr.rel @p0 .LBB2_27-.Ltmp12, $3  }
0x100: {  	s21 =	sor.u32 s25, s24;
	[tilespmem:s26+$0x0] =	vst.add.f32.msk $0xffff, v0  }
0x101: {  	v0 =	vld [tilespmem:s21+$0x0];
	_ =	sdelay $0x1  }
0x102: {  	s23 =	sadd.s32 $0x80, s23  }
0x103: {  	s19 =	sadd.s32 $0x1, s19  }
0x104: {  	p0 =	sne.s32 s19, $0x20  }
.Ltmp13:
0x105: {  	_ = 	snop;
	(pc) =	sbr.rel @p0 .LBB2_26-.Ltmp13, $3  }
0x106: {  	_ =	sdelay $0x1  }
0x107: {  	s20 =	sor.u32 $0x8000, s21  }
0x108: {  	[tilespmem:s20+$0x0] =	vst.add.f32.msk $0xffff, v0  }
0x109: {  	s18 =	simm.s32 $0x0;
	s19 =	rddreg [dreg:$0x11]  }
0x10a: {  	[hbm4b:s19+s18] =	stream.linear.scatter [tilespmem:s16], [sflag:$0x1], $0x8000, $0x38;
	[tilespmem:$0x10000] =	vst v63  }
0x10b: {  	_ =	swait.ge [sflag:s15], $0x8000  }
0x10c: {  	[sflag:s15] =	ssyncset.done $0x0  }
0x10d: {  	s26 =	rddreg [dreg:$0x12];
	[sflag:s15] =	ssyncadd.s32 $0xFFFF8000  }
0x10e: {  	[tilespmem:s16], [sflag:$0x1] =	stream.linear.gather [hbm4b:s26+s18], $0x8000, $0x38;
	[tilespmem:$0x10000] =	vst v63  }
0x10f: {  	_ =	swait.ge [sflag:s15], $0x8000  }
0x110: {  	[sflag:s15] =	ssyncset.done $0x0  }
0x111: {  	s19 =	simm.s32 $0x0;
	[sflag:s15] =	ssyncadd.s32 $0xFFFF8000  }
.LBB2_30:
0x112: {  	s20 =	sshll.u32 s19, $0xA;
	s21 =	sshll.u32 s19, $0x7  }
0x113: {  	s20 =	sand.u32 $0x6000, s20;
	s21 =	sand.u32 $0x380, s21  }
0x114: {  	s26 =	sand.u32 $0x1C00, s18;
	s20 =	sor.u32 s20, s21  }
0x115: {  	s22 =	sand.u32 $0x70, s18;
	s21 =	sor.u32 s26, s20  }
0x116: {  	s21 =	sor.u32 s22, s21  }
0x117: {  	v0 =	vld [tilespmem:s21+$0x0]  }
0x118: {  	s23 =	simm.s32 $0x80;
	s22 =	simm.s32 $0x10  }
.LBB2_31:
0x119: {  	s24 =	sand.u32 $0x1C00, s23;
	p0 =	sne.s32 s22, $0x3F0  }
0x11a: {  	s25 =	smov.u32 s22;
	s22 =	sadd.s32 $0x10, s22;
	s26 =	sor.u32 $0x8000, s21  }
.Ltmp14:
0x11b: {  	s25 =	sand.u32 $0x70, s25;
	s24 =	sor.u32 s24, s20;
	(pc) =	sbr.rel @p0 .LBB2_31-.Ltmp14, $3  }
0x11c: {  	s21 =	sor.u32 s25, s24;
	[tilespmem:s26+$0x0] =	vst.add.f32.msk $0xffff, v0  }
0x11d: {  	v0 =	vld [tilespmem:s21+$0x0];
	_ =	sdelay $0x1  }
0x11e: {  	s23 =	sadd.s32 $0x80, s23  }
0x11f: {  	s19 =	sadd.s32 $0x1, s19  }
0x120: {  	p0 =	sne.s32 s19, $0x20  }
.Ltmp15:
0x121: {  	_ = 	snop;
	(pc) =	sbr.rel @p0 .LBB2_30-.Ltmp15, $3  }
0x122: {  	_ =	sdelay $0x1  }
0x123: {  	s20 =	sor.u32 $0x8000, s21  }
0x124: {  	[tilespmem:s20+$0x0] =	vst.add.f32.msk $0xffff, v0  }
0x125: {  	s18 =	simm.s32 $0x0;
	s19 =	rddreg [dreg:$0x13]  }
0x126: {  	[hbm4b:s19+s18] =	stream.linear.scatter [tilespmem:s16], [sflag:$0x1], $0x8000, $0x38;
	[tilespmem:$0x10000] =	vst v63  }
0x127: {  	_ =	swait.ge [sflag:s15], $0x8000  }
0x128: {  	[sflag:s15] =	ssyncset.done $0x0  }
0x129: {  	s25 =	rddreg [dreg:$0x16];
	[sflag:s15] =	ssyncadd.s32 $0xFFFF8000  }
0x12a: {  	[tilespmem:s18], [sflag:$0x1] =	stream.linear.gather [hbm4b:s25+s18], $0x8000, $0x38;
	[tilespmem:$0x10000] =	vst v63  }
0x12b: {  	_ =	swait.ge [sflag:s15], $0x8000  }
0x12c: {  	[sflag:s15] =	ssyncset.done $0x0  }
0x12d: {  	s26 =	rddreg [dreg:$0x14];
	[sflag:s15] =	ssyncadd.s32 $0xFFFF8000  }
0x12e: {  	[tilespmem:s16], [sflag:$0x1] =	stream.linear.gather [hbm4b:s26+s18], $0x8000, $0x38;
	[tilespmem:$0x10000] =	vst v63  }
0x12f: {  	_ =	swait.ge [sflag:s15], $0x8000  }
0x130: {  	[sflag:s15] =	ssyncset.done $0x0  }
0x131: {  	s19 =	simm.s32 $0x0;
	[sflag:s15] =	ssyncadd.s32 $0xFFFF8000  }
.LBB2_34:
0x132: {  	s20 =	sshll.u32 s19, $0xA;
	s21 =	sshll.u32 s19, $0x7  }
0x133: {  	s20 =	sand.u32 $0x6000, s20;
	s21 =	sand.u32 $0x380, s21  }
0x134: {  	s26 =	sand.u32 $0x1C00, s18;
	s20 =	sor.u32 s20, s21  }
0x135: {  	s22 =	sand.u32 $0x70, s18;
	s21 =	sor.u32 s26, s20  }
0x136: {  	s21 =	sor.u32 s22, s21  }
0x137: {  	v0 =	vld [tilespmem:s21+$0x0]  }
0x138: {  	s23 =	simm.s32 $0x80;
	s22 =	simm.s32 $0x10  }
.LBB2_35:
0x139: {  	s24 =	sand.u32 $0x1C00, s23;
	p0 =	sne.s32 s22, $0x3F0  }
0x13a: {  	s25 =	smov.u32 s22;
	s22 =	sadd.s32 $0x10, s22;
	s26 =	sor.u32 $0x8000, s21  }
.Ltmp16:
0x13b: {  	s25 =	sand.u32 $0x70, s25;
	s24 =	sor.u32 s24, s20;
	(pc) =	sbr.rel @p0 .LBB2_35-.Ltmp16, $3  }
0x13c: {  	s21 =	sor.u32 s25, s24;
	[tilespmem:s26+$0x0] =	vst.add.f32.msk $0xffff, v0  }
0x13d: {  	v0 =	vld [tilespmem:s21+$0x0];
	_ =	sdelay $0x1  }
0x13e: {  	s23 =	sadd.s32 $0x80, s23  }
0x13f: {  	s19 =	sadd.s32 $0x1, s19  }
0x140: {  	p0 =	sne.s32 s19, $0x20  }
.Ltmp17:
0x141: {  	_ = 	snop;
	(pc) =	sbr.rel @p0 .LBB2_34-.Ltmp17, $3  }
0x142: {  	_ =	sdelay $0x1  }
0x143: {  	s20 =	sor.u32 $0x8000, s21  }
0x144: {  	[tilespmem:s20+$0x0] =	vst.add.f32.msk $0xffff, v0  }
0x145: {  	s18 =	simm.s32 $0x0;
	s19 =	rddreg [dreg:$0x15]  }
0x146: {  	[hbm4b:s19+s18] =	stream.linear.scatter [tilespmem:s16], [sflag:$0x1], $0x8000, $0x38;
	[tilespmem:$0x10000] =	vst v63  }
0x147: {  	_ =	swait.ge [sflag:s15], $0x8000  }
0x148: {  	[sflag:s15] =	ssyncset.done $0x0  }
0x149: {  	s26 =	rddreg [dreg:$0x17];
	[sflag:s15] =	ssyncadd.s32 $0xFFFF8000  }
0x14a: {  	[tilespmem:s16], [sflag:$0x1] =	stream.linear.gather [hbm4b:s26+s18], $0x8000, $0x38;
	[tilespmem:$0x10000] =	vst v63  }
0x14b: {  	_ =	swait.ge [sflag:s15], $0x8000  }
0x14c: {  	[sflag:s15] =	ssyncset.done $0x0  }
0x14d: {  	s19 =	simm.s32 $0x0;
	[sflag:s15] =	ssyncadd.s32 $0xFFFF8000  }
.LBB2_38:
0x14e: {  	s20 =	sshll.u32 s19, $0xA;
	s21 =	sshll.u32 s19, $0x7  }
0x14f: {  	s20 =	sand.u32 $0x6000, s20;
	s21 =	sand.u32 $0x380, s21  }
0x150: {  	s26 =	sand.u32 $0x1C00, s18;
	s20 =	sor.u32 s20, s21  }
0x151: {  	s22 =	sand.u32 $0x70, s18;
	s21 =	sor.u32 s26, s20  }
0x152: {  	s21 =	sor.u32 s22, s21  }
0x153: {  	v0 =	vld [tilespmem:s21+$0x0]  }
0x154: {  	s23 =	simm.s32 $0x80;
	s22 =	simm.s32 $0x10  }
.LBB2_39:
0x155: {  	s24 =	sand.u32 $0x1C00, s23;
	p0 =	sne.s32 s22, $0x3F0  }
0x156: {  	s25 =	smov.u32 s22;
	s22 =	sadd.s32 $0x10, s22;
	s26 =	sor.u32 $0x8000, s21  }
.Ltmp18:
0x157: {  	s25 =	sand.u32 $0x70, s25;
	s24 =	sor.u32 s24, s20;
	(pc) =	sbr.rel @p0 .LBB2_39-.Ltmp18, $3  }
0x158: {  	s21 =	sor.u32 s25, s24;
	[tilespmem:s26+$0x0] =	vst.add.f32.msk $0xffff, v0  }
0x159: {  	v0 =	vld [tilespmem:s21+$0x0];
	_ =	sdelay $0x1  }
0x15a: {  	s23 =	sadd.s32 $0x80, s23  }
0x15b: {  	s19 =	sadd.s32 $0x1, s19  }
0x15c: {  	p0 =	sne.s32 s19, $0x20  }
.Ltmp19:
0x15d: {  	_ = 	snop;
	(pc) =	sbr.rel @p0 .LBB2_38-.Ltmp19, $3  }
0x15e: {  	_ =	sdelay $0x1  }
0x15f: {  	s20 =	sor.u32 $0x8000, s21  }
0x160: {  	[tilespmem:s20+$0x0] =	vst.add.f32.msk $0xffff, v0  }
0x161: {  	s18 =	simm.s32 $0x0;
	s19 =	rddreg [dreg:$0x18]  }
0x162: {  	[hbm4b:s19+s18] =	stream.linear.scatter [tilespmem:s16], [sflag:$0x1], $0x8000, $0x38;
	[tilespmem:$0x10000] =	vst v63  }
0x163: {  	_ =	swait.ge [sflag:s15], $0x8000  }
0x164: {  	[sflag:s15] =	ssyncset.done $0x0  }
0x165: {  	s26 =	rddreg [dreg:$0x19];
	[sflag:s15] =	ssyncadd.s32 $0xFFFF8000  }
0x166: {  	[tilespmem:s16], [sflag:$0x1] =	stream.linear.gather [hbm4b:s26+s18], $0x8000, $0x38;
	[tilespmem:$0x10000] =	vst v63  }
0x167: {  	_ =	swait.ge [sflag:s15], $0x8000  }
0x168: {  	[sflag:s15] =	ssyncset.done $0x0  }
0x169: {  	s19 =	simm.s32 $0x0;
	[sflag:s15] =	ssyncadd.s32 $0xFFFF8000  }
.LBB2_42:
0x16a: {  	s20 =	sshll.u32 s19, $0xA;
	s21 =	sshll.u32 s19, $0x7  }
0x16b: {  	s20 =	sand.u32 $0x6000, s20;
	s21 =	sand.u32 $0x380, s21  }
0x16c: {  	s26 =	sand.u32 $0x1C00, s18;
	s20 =	sor.u32 s20, s21  }
0x16d: {  	s22 =	sand.u32 $0x70, s18;
	s21 =	sor.u32 s26, s20  }
0x16e: {  	s21 =	sor.u32 s22, s21  }
0x16f: {  	v0 =	vld [tilespmem:s21+$0x0]  }
0x170: {  	s23 =	simm.s32 $0x80;
	s22 =	simm.s32 $0x10  }
.LBB2_43:
0x171: {  	s24 =	sand.u32 $0x1C00, s23;
	p0 =	sne.s32 s22, $0x3F0  }
0x172: {  	s25 =	smov.u32 s22;
	s22 =	sadd.s32 $0x10, s22;
	s26 =	sor.u32 $0x8000, s21  }
.Ltmp20:
0x173: {  	s25 =	sand.u32 $0x70, s25;
	s24 =	sor.u32 s24, s20;
	(pc) =	sbr.rel @p0 .LBB2_43-.Ltmp20, $3  }
0x174: {  	s21 =	sor.u32 s25, s24;
	[tilespmem:s26+$0x0] =	vst.add.f32.msk $0xffff, v0  }
0x175: {  	v0 =	vld [tilespmem:s21+$0x0];
	_ =	sdelay $0x1  }
0x176: {  	s23 =	sadd.s32 $0x80, s23  }
0x177: {  	s19 =	sadd.s32 $0x1, s19  }
0x178: {  	p0 =	sne.s32 s19, $0x20  }
.Ltmp21:
0x179: {  	_ = 	snop;
	(pc) =	sbr.rel @p0 .LBB2_42-.Ltmp21, $3  }
0x17a: {  	_ =	sdelay $0x1  }
0x17b: {  	s20 =	sor.u32 $0x8000, s21  }
0x17c: {  	[tilespmem:s20+$0x0] =	vst.add.f32.msk $0xffff, v0  }
0x17d: {  	s18 =	simm.s32 $0x0;
	s19 =	rddreg [dreg:$0x1a]  }
0x17e: {  	[hbm4b:s19+s18] =	stream.linear.scatter [tilespmem:s16], [sflag:$0x1], $0x8000, $0x38;
	[tilespmem:$0x10000] =	vst v63  }
0x17f: {  	_ =	swait.ge [sflag:s15], $0x8000  }
0x180: {  	[sflag:s15] =	ssyncset.done $0x0  }
0x181: {  	s26 =	rddreg [dreg:$0x1b];
	[sflag:s15] =	ssyncadd.s32 $0xFFFF8000  }
0x182: {  	[tilespmem:s16], [sflag:$0x1] =	stream.linear.gather [hbm4b:s26+s18], $0x8000, $0x38;
	[tilespmem:$0x10000] =	vst v63  }
0x183: {  	_ =	swait.ge [sflag:s15], $0x8000  }
0x184: {  	[sflag:s15] =	ssyncset.done $0x0  }
0x185: {  	s19 =	simm.s32 $0x0;
	[sflag:s15] =	ssyncadd.s32 $0xFFFF8000  }
.LBB2_46:
0x186: {  	s20 =	sshll.u32 s19, $0xA;
	s21 =	sshll.u32 s19, $0x7  }
0x187: {  	s20 =	sand.u32 $0x6000, s20;
	s21 =	sand.u32 $0x380, s21  }
0x188: {  	s26 =	sand.u32 $0x1C00, s18;
	s20 =	sor.u32 s20, s21  }
0x189: {  	s22 =	sand.u32 $0x70, s18;
	s21 =	sor.u32 s26, s20  }
0x18a: {  	s21 =	sor.u32 s22, s21  }
0x18b: {  	v0 =	vld [tilespmem:s21+$0x0]  }
0x18c: {  	s23 =	simm.s32 $0x80;
	s22 =	simm.s32 $0x10  }
.LBB2_47:
0x18d: {  	s24 =	sand.u32 $0x1C00, s23;
	p0 =	sne.s32 s22, $0x3F0  }
0x18e: {  	s25 =	smov.u32 s22;
	s22 =	sadd.s32 $0x10, s22;
	s26 =	sor.u32 $0x8000, s21  }
.Ltmp22:
0x18f: {  	s25 =	sand.u32 $0x70, s25;
	s24 =	sor.u32 s24, s20;
	(pc) =	sbr.rel @p0 .LBB2_47-.Ltmp22, $3  }
0x190: {  	s21 =	sor.u32 s25, s24;
	[tilespmem:s26+$0x0] =	vst.add.f32.msk $0xffff, v0  }
0x191: {  	v0 =	vld [tilespmem:s21+$0x0];
	_ =	sdelay $0x1  }
0x192: {  	s23 =	sadd.s32 $0x80, s23  }
0x193: {  	s19 =	sadd.s32 $0x1, s19  }
0x194: {  	p0 =	sne.s32 s19, $0x20  }
.Ltmp23:
0x195: {  	_ = 	snop;
	(pc) =	sbr.rel @p0 .LBB2_46-.Ltmp23, $3  }
0x196: {  	_ =	sdelay $0x1  }
0x197: {  	s20 =	sor.u32 $0x8000, s21  }
0x198: {  	[tilespmem:s20+$0x0] =	vst.add.f32.msk $0xffff, v0  }
0x199: {  	s18 =	simm.s32 $0x0;
	s19 =	rddreg [dreg:$0x1c]  }
0x19a: {  	[hbm4b:s19+s18] =	stream.linear.scatter [tilespmem:s16], [sflag:$0x1], $0x8000, $0x38;
	[tilespmem:$0x10000] =	vst v63  }
0x19b: {  	_ =	swait.ge [sflag:s15], $0x8000  }
0x19c: {  	[sflag:s15] =	ssyncset.done $0x0  }
0x19d: {  	s25 =	rddreg [dreg:$0x1f];
	[sflag:s15] =	ssyncadd.s32 $0xFFFF8000  }
0x19e: {  	[tilespmem:s18], [sflag:$0x1] =	stream.linear.gather [hbm4b:s25+s18], $0x8000, $0x38;
	[tilespmem:$0x10000] =	vst v63  }
0x19f: {  	_ =	swait.ge [sflag:s15], $0x8000  }
0x1a0: {  	[sflag:s15] =	ssyncset.done $0x0  }
0x1a1: {  	s26 =	rddreg [dreg:$0x1d];
	[sflag:s15] =	ssyncadd.s32 $0xFFFF8000  }
0x1a2: {  	[tilespmem:s16], [sflag:$0x1] =	stream.linear.gather [hbm4b:s26+s18], $0x8000, $0x38;
	[tilespmem:$0x10000] =	vst v63  }
0x1a3: {  	_ =	swait.ge [sflag:s15], $0x8000  }
0x1a4: {  	[sflag:s15] =	ssyncset.done $0x0  }
0x1a5: {  	s19 =	simm.s32 $0x0;
	[sflag:s15] =	ssyncadd.s32 $0xFFFF8000  }
.LBB2_50:
0x1a6: {  	s20 =	sshll.u32 s19, $0xA;
	s21 =	sshll.u32 s19, $0x7  }
0x1a7: {  	s20 =	sand.u32 $0x6000, s20;
	s21 =	sand.u32 $0x380, s21  }
0x1a8: {  	s26 =	sand.u32 $0x1C00, s18;
	s20 =	sor.u32 s20, s21  }
0x1a9: {  	s22 =	sand.u32 $0x70, s18;
	s21 =	sor.u32 s26, s20  }
0x1aa: {  	s21 =	sor.u32 s22, s21  }
0x1ab: {  	v0 =	vld [tilespmem:s21+$0x0]  }
0x1ac: {  	s23 =	simm.s32 $0x80;
	s22 =	simm.s32 $0x10  }
.LBB2_51:
0x1ad: {  	s24 =	sand.u32 $0x1C00, s23;
	p0 =	sne.s32 s22, $0x3F0  }
0x1ae: {  	s25 =	smov.u32 s22;
	s22 =	sadd.s32 $0x10, s22;
	s26 =	sor.u32 $0x8000, s21  }
.Ltmp24:
0x1af: {  	s25 =	sand.u32 $0x70, s25;
	s24 =	sor.u32 s24, s20;
	(pc) =	sbr.rel @p0 .LBB2_51-.Ltmp24, $3  }
0x1b0: {  	s21 =	sor.u32 s25, s24;
	[tilespmem:s26+$0x0] =	vst.add.f32.msk $0xffff, v0  }
0x1b1: {  	v0 =	vld [tilespmem:s21+$0x0];
	_ =	sdelay $0x1  }
0x1b2: {  	s23 =	sadd.s32 $0x80, s23  }
0x1b3: {  	s19 =	sadd.s32 $0x1, s19  }
0x1b4: {  	p0 =	sne.s32 s19, $0x20  }
.Ltmp25:
0x1b5: {  	_ = 	snop;
	(pc) =	sbr.rel @p0 .LBB2_50-.Ltmp25, $3  }
0x1b6: {  	_ =	sdelay $0x1  }
0x1b7: {  	s20 =	sor.u32 $0x8000, s21  }
0x1b8: {  	[tilespmem:s20+$0x0] =	vst.add.f32.msk $0xffff, v0  }
0x1b9: {  	s18 =	simm.s32 $0x0;
	s19 =	rddreg [dreg:$0x1e]  }
0x1ba: {  	[hbm4b:s19+s18] =	stream.linear.scatter [tilespmem:s16], [sflag:$0x1], $0x8000, $0x38;
	[tilespmem:$0x10000] =	vst v63  }
0x1bb: {  	_ =	swait.ge [sflag:s15], $0x8000  }
0x1bc: {  	s26 =	sld [smem:$0x7E3]  }
0x1bd: {  	[sflag:s15] =	ssyncset.done $0x0  }
0x1be: {  	[sflag:s15] =	ssyncadd.s32 $0xFFFF8000  }
0x1bf: {  	[tilespmem:s16], [sflag:$0x1] =	stream.linear.gather [hbm4b:s26+s18], $0x8000, $0x38;
	[tilespmem:$0x10000] =	vst v63  }
0x1c0: {  	_ =	swait.ge [sflag:s15], $0x8000  }
0x1c1: {  	[sflag:s15] =	ssyncset.done $0x0  }
0x1c2: {  	s19 =	simm.s32 $0x0;
	[sflag:s15] =	ssyncadd.s32 $0xFFFF8000  }
.LBB2_54:
0x1c3: {  	s20 =	sshll.u32 s19, $0xA;
	s21 =	sshll.u32 s19, $0x7  }
0x1c4: {  	s20 =	sand.u32 $0x6000, s20;
	s21 =	sand.u32 $0x380, s21  }
0x1c5: {  	s26 =	sand.u32 $0x1C00, s18;
	s20 =	sor.u32 s20, s21  }
0x1c6: {  	s22 =	sand.u32 $0x70, s18;
	s21 =	sor.u32 s26, s20  }
0x1c7: {  	s21 =	sor.u32 s22, s21  }
0x1c8: {  	v0 =	vld [tilespmem:s21+$0x0]  }
0x1c9: {  	s23 =	simm.s32 $0x80;
	s22 =	simm.s32 $0x10  }
.LBB2_55:
0x1ca: {  	s24 =	sand.u32 $0x1C00, s23;
	p0 =	sne.s32 s22, $0x3F0  }
0x1cb: {  	s25 =	smov.u32 s22;
	s22 =	sadd.s32 $0x10, s22;
	s26 =	sor.u32 $0x8000, s21  }
.Ltmp26:
0x1cc: {  	s25 =	sand.u32 $0x70, s25;
	s24 =	sor.u32 s24, s20;
	(pc) =	sbr.rel @p0 .LBB2_55-.Ltmp26, $3  }
0x1cd: {  	s21 =	sor.u32 s25, s24;
	[tilespmem:s26+$0x0] =	vst.add.f32.msk $0xffff, v0  }
0x1ce: {  	v0 =	vld [tilespmem:s21+$0x0];
	_ =	sdelay $0x1  }
0x1cf: {  	s23 =	sadd.s32 $0x80, s23  }
0x1d0: {  	s19 =	sadd.s32 $0x1, s19  }
0x1d1: {  	p0 =	sne.s32 s19, $0x20  }
.Ltmp27:
0x1d2: {  	_ = 	snop;
	(pc) =	sbr.rel @p0 .LBB2_54-.Ltmp27, $3  }
0x1d3: {  	_ =	sdelay $0x1  }
0x1d4: {  	s20 =	sor.u32 $0x8000, s21  }
0x1d5: {  	[tilespmem:s20+$0x0] =	vst.add.f32.msk $0xffff, v0  }
0x1d6: {  	s19 =	sld [smem:$0x7E4];
	_ =	sdelay $0x1  }
0x1d7: {  	s18 =	simm.s32 $0x0  }
0x1d8: {  	[hbm4b:s19+s18] =	stream.linear.scatter [tilespmem:s16], [sflag:$0x1], $0x8000, $0x38;
	[tilespmem:$0x10000] =	vst v63  }
0x1d9: {  	_ =	swait.ge [sflag:s15], $0x8000  }
0x1da: {  	s26 =	sld [smem:$0x7E5]  }
0x1db: {  	[sflag:s15] =	ssyncset.done $0x0  }
0x1dc: {  	[sflag:s15] =	ssyncadd.s32 $0xFFFF8000  }
0x1dd: {  	[tilespmem:s16], [sflag:$0x1] =	stream.linear.gather [hbm4b:s26+s18], $0x8000, $0x38;
	[tilespmem:$0x10000] =	vst v63  }
0x1de: {  	_ =	swait.ge [sflag:s15], $0x8000  }
0x1df: {  	[sflag:s15] =	ssyncset.done $0x0  }
0x1e0: {  	s19 =	simm.s32 $0x0;
	[sflag:s15] =	ssyncadd.s32 $0xFFFF8000  }
.LBB2_58:
0x1e1: {  	s20 =	sshll.u32 s19, $0xA;
	s21 =	sshll.u32 s19, $0x7  }
0x1e2: {  	s20 =	sand.u32 $0x6000, s20;
	s21 =	sand.u32 $0x380, s21  }
0x1e3: {  	s26 =	sand.u32 $0x1C00, s18;
	s20 =	sor.u32 s20, s21  }
0x1e4: {  	s22 =	sand.u32 $0x70, s18;
	s21 =	sor.u32 s26, s20  }
0x1e5: {  	s21 =	sor.u32 s22, s21  }
0x1e6: {  	v0 =	vld [tilespmem:s21+$0x0]  }
0x1e7: {  	s23 =	simm.s32 $0x80;
	s22 =	simm.s32 $0x10  }
.LBB2_59:
0x1e8: {  	s24 =	sand.u32 $0x1C00, s23;
	p0 =	sne.s32 s22, $0x3F0  }
0x1e9: {  	s25 =	smov.u32 s22;
	s22 =	sadd.s32 $0x10, s22;
	s26 =	sor.u32 $0x8000, s21  }
.Ltmp28:
0x1ea: {  	s25 =	sand.u32 $0x70, s25;
	s24 =	sor.u32 s24, s20;
	(pc) =	sbr.rel @p0 .LBB2_59-.Ltmp28, $3  }
0x1eb: {  	s21 =	sor.u32 s25, s24;
	[tilespmem:s26+$0x0] =	vst.add.f32.msk $0xffff, v0  }
0x1ec: {  	v0 =	vld [tilespmem:s21+$0x0];
	_ =	sdelay $0x1  }
0x1ed: {  	s23 =	sadd.s32 $0x80, s23  }
0x1ee: {  	s19 =	sadd.s32 $0x1, s19  }
0x1ef: {  	p0 =	sne.s32 s19, $0x20  }
.Ltmp29:
0x1f0: {  	_ = 	snop;
	(pc) =	sbr.rel @p0 .LBB2_58-.Ltmp29, $3  }
0x1f1: {  	_ =	sdelay $0x1  }
0x1f2: {  	s20 =	sor.u32 $0x8000, s21  }
0x1f3: {  	[tilespmem:s20+$0x0] =	vst.add.f32.msk $0xffff, v0  }
0x1f4: {  	s19 =	sld [smem:$0x7E6];
	_ =	sdelay $0x1  }
0x1f5: {  	s18 =	simm.s32 $0x0  }
0x1f6: {  	[hbm4b:s19+s18] =	stream.linear.scatter [tilespmem:s16], [sflag:$0x1], $0x8000, $0x38;
	[tilespmem:$0x10000] =	vst v63  }
0x1f7: {  	_ =	swait.ge [sflag:s15], $0x8000  }
0x1f8: {  	s26 =	sld [smem:$0x7E7]  }
0x1f9: {  	[sflag:s15] =	ssyncset.done $0x0  }
0x1fa: {  	[sflag:s15] =	ssyncadd.s32 $0xFFFF8000  }
0x1fb: {  	[tilespmem:s16], [sflag:$0x1] =	stream.linear.gather [hbm4b:s26+s18], $0x8000, $0x38;
	[tilespmem:$0x10000] =	vst v63  }
0x1fc: {  	_ =	swait.ge [sflag:s15], $0x8000  }
0x1fd: {  	[sflag:s15] =	ssyncset.done $0x0  }
0x1fe: {  	s19 =	simm.s32 $0x0;
	[sflag:s15] =	ssyncadd.s32 $0xFFFF8000  }
.LBB2_62:
0x1ff: {  	s20 =	sshll.u32 s19, $0xA;
	s21 =	sshll.u32 s19, $0x7  }
0x200: {  	s20 =	sand.u32 $0x6000, s20;
	s21 =	sand.u32 $0x380, s21  }
0x201: {  	s26 =	sand.u32 $0x1C00, s18;
	s20 =	sor.u32 s20, s21  }
0x202: {  	s22 =	sand.u32 $0x70, s18;
	s21 =	sor.u32 s26, s20  }
0x203: {  	s21 =	sor.u32 s22, s21  }
0x204: {  	v0 =	vld [tilespmem:s21+$0x0]  }
0x205: {  	s23 =	simm.s32 $0x80;
	s22 =	simm.s32 $0x10  }
.LBB2_63:
0x206: {  	s24 =	sand.u32 $0x1C00, s23;
	p0 =	sne.s32 s22, $0x3F0  }
0x207: {  	s25 =	smov.u32 s22;
	s22 =	sadd.s32 $0x10, s22;
	s26 =	sor.u32 $0x8000, s21  }
.Ltmp30:
0x208: {  	s25 =	sand.u32 $0x70, s25;
	s24 =	sor.u32 s24, s20;
	(pc) =	sbr.rel @p0 .LBB2_63-.Ltmp30, $3  }
0x209: {  	s21 =	sor.u32 s25, s24;
	[tilespmem:s26+$0x0] =	vst.add.f32.msk $0xffff, v0  }
0x20a: {  	v0 =	vld [tilespmem:s21+$0x0];
	_ =	sdelay $0x1  }
0x20b: {  	s23 =	sadd.s32 $0x80, s23  }
0x20c: {  	s19 =	sadd.s32 $0x1, s19  }
0x20d: {  	p0 =	sne.s32 s19, $0x20  }
.Ltmp31:
0x20e: {  	_ = 	snop;
	(pc) =	sbr.rel @p0 .LBB2_62-.Ltmp31, $3  }
0x20f: {  	_ =	sdelay $0x1  }
0x210: {  	s20 =	sor.u32 $0x8000, s21  }
0x211: {  	[tilespmem:s20+$0x0] =	vst.add.f32.msk $0xffff, v0  }
0x212: {  	s19 =	sld [smem:$0x7E8];
	_ =	sdelay $0x1  }
0x213: {  	s18 =	simm.s32 $0x0  }
0x214: {  	[hbm4b:s19+s18] =	stream.linear.scatter [tilespmem:s16], [sflag:$0x1], $0x8000, $0x38;
	[tilespmem:$0x10000] =	vst v63  }
0x215: {  	_ =	swait.ge [sflag:s15], $0x8000  }
0x216: {  	s25 =	sld [smem:$0x7EB]  }
0x217: {  	[sflag:s15] =	ssyncset.done $0x0  }
0x218: {  	[sflag:s15] =	ssyncadd.s32 $0xFFFF8000  }
0x219: {  	[tilespmem:s18], [sflag:$0x1] =	stream.linear.gather [hbm4b:s25+s18], $0x8000, $0x38;
	[tilespmem:$0x10000] =	vst v63  }
0x21a: {  	_ =	swait.ge [sflag:s15], $0x8000  }
0x21b: {  	s26 =	sld [smem:$0x7E9]  }
0x21c: {  	[sflag:s15] =	ssyncset.done $0x0  }
0x21d: {  	[sflag:s15] =	ssyncadd.s32 $0xFFFF8000  }
0x21e: {  	[tilespmem:s16], [sflag:$0x1] =	stream.linear.gather [hbm4b:s26+s18], $0x8000, $0x38;
	[tilespmem:$0x10000] =	vst v63  }
0x21f: {  	_ =	swait.ge [sflag:s15], $0x8000  }
0x220: {  	[sflag:s15] =	ssyncset.done $0x0  }
0x221: {  	s19 =	simm.s32 $0x0;
	[sflag:s15] =	ssyncadd.s32 $0xFFFF8000  }
.LBB2_66:
0x222: {  	s20 =	sshll.u32 s19, $0xA;
	s21 =	sshll.u32 s19, $0x7  }
0x223: {  	s20 =	sand.u32 $0x6000, s20;
	s21 =	sand.u32 $0x380, s21  }
0x224: {  	s26 =	sand.u32 $0x1C00, s18;
	s20 =	sor.u32 s20, s21  }
0x225: {  	s22 =	sand.u32 $0x70, s18;
	s21 =	sor.u32 s26, s20  }
0x226: {  	s21 =	sor.u32 s22, s21  }
0x227: {  	v0 =	vld [tilespmem:s21+$0x0]  }
0x228: {  	s23 =	simm.s32 $0x80;
	s22 =	simm.s32 $0x10  }
.LBB2_67:
0x229: {  	s24 =	sand.u32 $0x1C00, s23;
	p0 =	sne.s32 s22, $0x3F0  }
0x22a: {  	s25 =	smov.u32 s22;
	s22 =	sadd.s32 $0x10, s22;
	s26 =	sor.u32 $0x8000, s21  }
.Ltmp32:
0x22b: {  	s25 =	sand.u32 $0x70, s25;
	s24 =	sor.u32 s24, s20;
	(pc) =	sbr.rel @p0 .LBB2_67-.Ltmp32, $3  }
0x22c: {  	s21 =	sor.u32 s25, s24;
	[tilespmem:s26+$0x0] =	vst.add.f32.msk $0xffff, v0  }
0x22d: {  	v0 =	vld [tilespmem:s21+$0x0];
	_ =	sdelay $0x1  }
0x22e: {  	s23 =	sadd.s32 $0x80, s23  }
0x22f: {  	s19 =	sadd.s32 $0x1, s19  }
0x230: {  	p0 =	sne.s32 s19, $0x20  }
.Ltmp33:
0x231: {  	_ = 	snop;
	(pc) =	sbr.rel @p0 .LBB2_66-.Ltmp33, $3  }
0x232: {  	_ =	sdelay $0x1  }
0x233: {  	s20 =	sor.u32 $0x8000, s21  }
0x234: {  	[tilespmem:s20+$0x0] =	vst.add.f32.msk $0xffff, v0  }
0x235: {  	s19 =	sld [smem:$0x7EA];
	_ =	sdelay $0x1  }
0x236: {  	s18 =	simm.s32 $0x0  }
0x237: {  	[hbm4b:s19+s18] =	stream.linear.scatter [tilespmem:s16], [sflag:$0x1], $0x8000, $0x38;
	[tilespmem:$0x10000] =	vst v63  }
0x238: {  	_ =	swait.ge [sflag:s15], $0x8000  }
0x239: {  	s26 =	sld [smem:$0x7EC]  }
0x23a: {  	[sflag:s15] =	ssyncset.done $0x0  }
0x23b: {  	[sflag:s15] =	ssyncadd.s32 $0xFFFF8000  }
0x23c: {  	[tilespmem:s16], [sflag:$0x1] =	stream.linear.gather [hbm4b:s26+s18], $0x8000, $0x38;
	[tilespmem:$0x10000] =	vst v63  }
0x23d: {  	_ =	swait.ge [sflag:s15], $0x8000  }
0x23e: {  	[sflag:s15] =	ssyncset.done $0x0  }
0x23f: {  	s19 =	simm.s32 $0x0;
	[sflag:s15] =	ssyncadd.s32 $0xFFFF8000  }
.LBB2_70:
0x240: {  	s20 =	sshll.u32 s19, $0xA;
	s21 =	sshll.u32 s19, $0x7  }
0x241: {  	s20 =	sand.u32 $0x6000, s20;
	s21 =	sand.u32 $0x380, s21  }
0x242: {  	s26 =	sand.u32 $0x1C00, s18;
	s20 =	sor.u32 s20, s21  }
0x243: {  	s22 =	sand.u32 $0x70, s18;
	s21 =	sor.u32 s26, s20  }
0x244: {  	s21 =	sor.u32 s22, s21  }
0x245: {  	v0 =	vld [tilespmem:s21+$0x0]  }
0x246: {  	s23 =	simm.s32 $0x80;
	s22 =	simm.s32 $0x10  }
.LBB2_71:
0x247: {  	s24 =	sand.u32 $0x1C00, s23;
	p0 =	sne.s32 s22, $0x3F0  }
0x248: {  	s25 =	smov.u32 s22;
	s22 =	sadd.s32 $0x10, s22;
	s26 =	sor.u32 $0x8000, s21  }
.Ltmp34:
0x249: {  	s25 =	sand.u32 $0x70, s25;
	s24 =	sor.u32 s24, s20;
	(pc) =	sbr.rel @p0 .LBB2_71-.Ltmp34, $3  }
0x24a: {  	s21 =	sor.u32 s25, s24;
	[tilespmem:s26+$0x0] =	vst.add.f32.msk $0xffff, v0  }
0x24b: {  	v0 =	vld [tilespmem:s21+$0x0];
	_ =	sdelay $0x1  }
0x24c: {  	s23 =	sadd.s32 $0x80, s23  }
0x24d: {  	s19 =	sadd.s32 $0x1, s19  }
0x24e: {  	p0 =	sne.s32 s19, $0x20  }
.Ltmp35:
0x24f: {  	_ = 	snop;
	(pc) =	sbr.rel @p0 .LBB2_70-.Ltmp35, $3  }
0x250: {  	_ =	sdelay $0x1  }
0x251: {  	s20 =	sor.u32 $0x8000, s21  }
0x252: {  	[tilespmem:s20+$0x0] =	vst.add.f32.msk $0xffff, v0  }
0x253: {  	s19 =	sld [smem:$0x7ED];
	_ =	sdelay $0x1  }
0x254: {  	s18 =	simm.s32 $0x0  }
0x255: {  	[hbm4b:s19+s18] =	stream.linear.scatter [tilespmem:s16], [sflag:$0x1], $0x8000, $0x38;
	[tilespmem:$0x10000] =	vst v63  }
0x256: {  	_ =	swait.ge [sflag:s15], $0x8000  }
0x257: {  	s26 =	sld [smem:$0x7EE]  }
0x258: {  	[sflag:s15] =	ssyncset.done $0x0  }
0x259: {  	[sflag:s15] =	ssyncadd.s32 $0xFFFF8000  }
0x25a: {  	[tilespmem:s16], [sflag:$0x1] =	stream.linear.gather [hbm4b:s26+s18], $0x8000, $0x38;
	[tilespmem:$0x10000] =	vst v63  }
0x25b: {  	_ =	swait.ge [sflag:s15], $0x8000  }
0x25c: {  	[sflag:s15] =	ssyncset.done $0x0  }
0x25d: {  	s19 =	simm.s32 $0x0;
	[sflag:s15] =	ssyncadd.s32 $0xFFFF8000  }
.LBB2_74:
0x25e: {  	s20 =	sshll.u32 s19, $0xA;
	s21 =	sshll.u32 s19, $0x7  }
0x25f: {  	s20 =	sand.u32 $0x6000, s20;
	s21 =	sand.u32 $0x380, s21  }
0x260: {  	s26 =	sand.u32 $0x1C00, s18;
	s20 =	sor.u32 s20, s21  }
0x261: {  	s22 =	sand.u32 $0x70, s18;
	s21 =	sor.u32 s26, s20  }
0x262: {  	s21 =	sor.u32 s22, s21  }
0x263: {  	v0 =	vld [tilespmem:s21+$0x0]  }
0x264: {  	s23 =	simm.s32 $0x80;
	s22 =	simm.s32 $0x10  }
.LBB2_75:
0x265: {  	s24 =	sand.u32 $0x1C00, s23;
	p0 =	sne.s32 s22, $0x3F0  }
0x266: {  	s25 =	smov.u32 s22;
	s22 =	sadd.s32 $0x10, s22;
	s26 =	sor.u32 $0x8000, s21  }
.Ltmp36:
0x267: {  	s25 =	sand.u32 $0x70, s25;
	s24 =	sor.u32 s24, s20;
	(pc) =	sbr.rel @p0 .LBB2_75-.Ltmp36, $3  }
0x268: {  	s21 =	sor.u32 s25, s24;
	[tilespmem:s26+$0x0] =	vst.add.f32.msk $0xffff, v0  }
0x269: {  	v0 =	vld [tilespmem:s21+$0x0];
	_ =	sdelay $0x1  }
0x26a: {  	s23 =	sadd.s32 $0x80, s23  }
0x26b: {  	s19 =	sadd.s32 $0x1, s19  }
0x26c: {  	p0 =	sne.s32 s19, $0x20  }
.Ltmp37:
0x26d: {  	_ = 	snop;
	(pc) =	sbr.rel @p0 .LBB2_74-.Ltmp37, $3  }
0x26e: {  	_ =	sdelay $0x1  }
0x26f: {  	s20 =	sor.u32 $0x8000, s21  }
0x270: {  	[tilespmem:s20+$0x0] =	vst.add.f32.msk $0xffff, v0  }
0x271: {  	s19 =	sld [smem:$0x7EF];
	_ =	sdelay $0x1  }
0x272: {  	s18 =	simm.s32 $0x0  }
0x273: {  	[hbm4b:s19+s18] =	stream.linear.scatter [tilespmem:s16], [sflag:$0x1], $0x8000, $0x38;
	[tilespmem:$0x10000] =	vst v63  }
0x274: {  	_ =	swait.ge [sflag:s15], $0x8000  }
0x275: {  	s26 =	sld [smem:$0x7F0]  }
0x276: {  	[sflag:s15] =	ssyncset.done $0x0  }
0x277: {  	[sflag:s15] =	ssyncadd.s32 $0xFFFF8000  }
0x278: {  	[tilespmem:s16], [sflag:$0x1] =	stream.linear.gather [hbm4b:s26+s18], $0x8000, $0x38;
	[tilespmem:$0x10000] =	vst v63  }
0x279: {  	_ =	swait.ge [sflag:s15], $0x8000  }
0x27a: {  	[sflag:s15] =	ssyncset.done $0x0  }
0x27b: {  	s19 =	simm.s32 $0x0;
	[sflag:s15] =	ssyncadd.s32 $0xFFFF8000  }
.LBB2_78:
0x27c: {  	s20 =	sshll.u32 s19, $0xA;
	s21 =	sshll.u32 s19, $0x7  }
0x27d: {  	s20 =	sand.u32 $0x6000, s20;
	s21 =	sand.u32 $0x380, s21  }
0x27e: {  	s26 =	sand.u32 $0x1C00, s18;
	s20 =	sor.u32 s20, s21  }
0x27f: {  	s22 =	sand.u32 $0x70, s18;
	s21 =	sor.u32 s26, s20  }
0x280: {  	s21 =	sor.u32 s22, s21  }
0x281: {  	v0 =	vld [tilespmem:s21+$0x0]  }
0x282: {  	s23 =	simm.s32 $0x80;
	s22 =	simm.s32 $0x10  }
.LBB2_79:
0x283: {  	s24 =	sand.u32 $0x1C00, s23;
	p0 =	sne.s32 s22, $0x3F0  }
0x284: {  	s25 =	smov.u32 s22;
	s22 =	sadd.s32 $0x10, s22;
	s26 =	sor.u32 $0x8000, s21  }
.Ltmp38:
0x285: {  	s25 =	sand.u32 $0x70, s25;
	s24 =	sor.u32 s24, s20;
	(pc) =	sbr.rel @p0 .LBB2_79-.Ltmp38, $3  }
0x286: {  	s21 =	sor.u32 s25, s24;
	[tilespmem:s26+$0x0] =	vst.add.f32.msk $0xffff, v0  }
0x287: {  	v0 =	vld [tilespmem:s21+$0x0];
	_ =	sdelay $0x1  }
0x288: {  	s23 =	sadd.s32 $0x80, s23  }
0x289: {  	s19 =	sadd.s32 $0x1, s19  }
0x28a: {  	p0 =	sne.s32 s19, $0x20  }
.Ltmp39:
0x28b: {  	_ = 	snop;
	(pc) =	sbr.rel @p0 .LBB2_78-.Ltmp39, $3  }
0x28c: {  	_ =	sdelay $0x1  }
0x28d: {  	s20 =	sor.u32 $0x8000, s21  }
0x28e: {  	[tilespmem:s20+$0x0] =	vst.add.f32.msk $0xffff, v0  }
0x28f: {  	s19 =	sld [smem:$0x7F1];
	_ =	sdelay $0x1  }
0x290: {  	s18 =	simm.s32 $0x0  }
0x291: {  	[hbm4b:s19+s18] =	stream.linear.scatter [tilespmem:s16], [sflag:$0x1], $0x8000, $0x38;
	[tilespmem:$0x10000] =	vst v63  }
0x292: {  	_ =	swait.ge [sflag:s15], $0x8000  }
0x293: {  	s25 =	sld [smem:$0x7F4]  }
0x294: {  	[sflag:s15] =	ssyncset.done $0x0  }
0x295: {  	[sflag:s15] =	ssyncadd.s32 $0xFFFF8000  }
0x296: {  	[tilespmem:s18], [sflag:$0x1] =	stream.linear.gather [hbm4b:s25+s18], $0x8000, $0x38;
	[tilespmem:$0x10000] =	vst v63  }
0x297: {  	_ =	swait.ge [sflag:s15], $0x8000  }
0x298: {  	s26 =	sld [smem:$0x7F2]  }
0x299: {  	[sflag:s15] =	ssyncset.done $0x0  }
0x29a: {  	[sflag:s15] =	ssyncadd.s32 $0xFFFF8000  }
0x29b: {  	[tilespmem:s16], [sflag:$0x1] =	stream.linear.gather [hbm4b:s26+s18], $0x8000, $0x38;
	[tilespmem:$0x10000] =	vst v63  }
0x29c: {  	_ =	swait.ge [sflag:s15], $0x8000  }
0x29d: {  	[sflag:s15] =	ssyncset.done $0x0  }
0x29e: {  	s19 =	simm.s32 $0x0;
	[sflag:s15] =	ssyncadd.s32 $0xFFFF8000  }
.LBB2_82:
0x29f: {  	s20 =	sshll.u32 s19, $0xA;
	s21 =	sshll.u32 s19, $0x7  }
0x2a0: {  	s20 =	sand.u32 $0x6000, s20;
	s21 =	sand.u32 $0x380, s21  }
0x2a1: {  	s26 =	sand.u32 $0x1C00, s18;
	s20 =	sor.u32 s20, s21  }
0x2a2: {  	s22 =	sand.u32 $0x70, s18;
	s21 =	sor.u32 s26, s20  }
0x2a3: {  	s21 =	sor.u32 s22, s21  }
0x2a4: {  	v0 =	vld [tilespmem:s21+$0x0]  }
0x2a5: {  	s23 =	simm.s32 $0x80;
	s22 =	simm.s32 $0x10  }
.LBB2_83:
0x2a6: {  	s24 =	sand.u32 $0x1C00, s23;
	p0 =	sne.s32 s22, $0x3F0  }
0x2a7: {  	s25 =	smov.u32 s22;
	s22 =	sadd.s32 $0x10, s22;
	s26 =	sor.u32 $0x8000, s21  }
.Ltmp40:
0x2a8: {  	s25 =	sand.u32 $0x70, s25;
	s24 =	sor.u32 s24, s20;
	(pc) =	sbr.rel @p0 .LBB2_83-.Ltmp40, $3  }
0x2a9: {  	s21 =	sor.u32 s25, s24;
	[tilespmem:s26+$0x0] =	vst.add.f32.msk $0xffff, v0  }
0x2aa: {  	v0 =	vld [tilespmem:s21+$0x0];
	_ =	sdelay $0x1  }
0x2ab: {  	s23 =	sadd.s32 $0x80, s23  }
0x2ac: {  	s19 =	sadd.s32 $0x1, s19  }
0x2ad: {  	p0 =	sne.s32 s19, $0x20  }
.Ltmp41:
0x2ae: {  	_ = 	snop;
	(pc) =	sbr.rel @p0 .LBB2_82-.Ltmp41, $3  }
0x2af: {  	_ =	sdelay $0x1  }
0x2b0: {  	s20 =	sor.u32 $0x8000, s21  }
0x2b1: {  	[tilespmem:s20+$0x0] =	vst.add.f32.msk $0xffff, v0  }
0x2b2: {  	s19 =	sld [smem:$0x7F3];
	_ =	sdelay $0x1  }
0x2b3: {  	s18 =	simm.s32 $0x0  }
0x2b4: {  	[hbm4b:s19+s18] =	stream.linear.scatter [tilespmem:s16], [sflag:$0x1], $0x8000, $0x38;
	[tilespmem:$0x10000] =	vst v63  }
0x2b5: {  	_ =	swait.ge [sflag:s15], $0x8000  }
0x2b6: {  	s26 =	sld [smem:$0x7F5]  }
0x2b7: {  	[sflag:s15] =	ssyncset.done $0x0  }
0x2b8: {  	[sflag:s15] =	ssyncadd.s32 $0xFFFF8000  }
0x2b9: {  	[tilespmem:s16], [sflag:$0x1] =	stream.linear.gather [hbm4b:s26+s18], $0x8000, $0x38;
	[tilespmem:$0x10000] =	vst v63  }
0x2ba: {  	_ =	swait.ge [sflag:s15], $0x8000  }
0x2bb: {  	[sflag:s15] =	ssyncset.done $0x0  }
0x2bc: {  	s19 =	simm.s32 $0x0;
	[sflag:s15] =	ssyncadd.s32 $0xFFFF8000  }
.LBB2_86:
0x2bd: {  	s20 =	sshll.u32 s19, $0xA;
	s21 =	sshll.u32 s19, $0x7  }
0x2be: {  	s20 =	sand.u32 $0x6000, s20;
	s21 =	sand.u32 $0x380, s21  }
0x2bf: {  	s26 =	sand.u32 $0x1C00, s18;
	s20 =	sor.u32 s20, s21  }
0x2c0: {  	s22 =	sand.u32 $0x70, s18;
	s21 =	sor.u32 s26, s20  }
0x2c1: {  	s21 =	sor.u32 s22, s21  }
0x2c2: {  	v0 =	vld [tilespmem:s21+$0x0]  }
0x2c3: {  	s23 =	simm.s32 $0x80;
	s22 =	simm.s32 $0x10  }
.LBB2_87:
0x2c4: {  	s24 =	sand.u32 $0x1C00, s23;
	p0 =	sne.s32 s22, $0x3F0  }
0x2c5: {  	s25 =	smov.u32 s22;
	s22 =	sadd.s32 $0x10, s22;
	s26 =	sor.u32 $0x8000, s21  }
.Ltmp42:
0x2c6: {  	s25 =	sand.u32 $0x70, s25;
	s24 =	sor.u32 s24, s20;
	(pc) =	sbr.rel @p0 .LBB2_87-.Ltmp42, $3  }
0x2c7: {  	s21 =	sor.u32 s25, s24;
	[tilespmem:s26+$0x0] =	vst.add.f32.msk $0xffff, v0  }
0x2c8: {  	v0 =	vld [tilespmem:s21+$0x0];
	_ =	sdelay $0x1  }
0x2c9: {  	s23 =	sadd.s32 $0x80, s23  }
0x2ca: {  	s19 =	sadd.s32 $0x1, s19  }
0x2cb: {  	p0 =	sne.s32 s19, $0x20  }
.Ltmp43:
0x2cc: {  	_ = 	snop;
	(pc) =	sbr.rel @p0 .LBB2_86-.Ltmp43, $3  }
0x2cd: {  	_ =	sdelay $0x1  }
0x2ce: {  	s20 =	sor.u32 $0x8000, s21  }
0x2cf: {  	[tilespmem:s20+$0x0] =	vst.add.f32.msk $0xffff, v0  }
0x2d0: {  	s19 =	sld [smem:$0x7F6];
	_ =	sdelay $0x1  }
0x2d1: {  	s18 =	simm.s32 $0x0  }
0x2d2: {  	[hbm4b:s19+s18] =	stream.linear.scatter [tilespmem:s16], [sflag:$0x1], $0x8000, $0x38;
	[tilespmem:$0x10000] =	vst v63  }
0x2d3: {  	_ =	swait.ge [sflag:s15], $0x8000  }
0x2d4: {  	s26 =	sld [smem:$0x7F7]  }
0x2d5: {  	[sflag:s15] =	ssyncset.done $0x0  }
0x2d6: {  	[sflag:s15] =	ssyncadd.s32 $0xFFFF8000  }
0x2d7: {  	[tilespmem:s16], [sflag:$0x1] =	stream.linear.gather [hbm4b:s26+s18], $0x8000, $0x38;
	[tilespmem:$0x10000] =	vst v63  }
0x2d8: {  	_ =	swait.ge [sflag:s15], $0x8000  }
0x2d9: {  	[sflag:s15] =	ssyncset.done $0x0  }
0x2da: {  	s19 =	simm.s32 $0x0;
	[sflag:s15] =	ssyncadd.s32 $0xFFFF8000  }
.LBB2_90:
0x2db: {  	s20 =	sshll.u32 s19, $0xA;
	s21 =	sshll.u32 s19, $0x7  }
0x2dc: {  	s20 =	sand.u32 $0x6000, s20;
	s21 =	sand.u32 $0x380, s21  }
0x2dd: {  	s26 =	sand.u32 $0x1C00, s18;
	s20 =	sor.u32 s20, s21  }
0x2de: {  	s22 =	sand.u32 $0x70, s18;
	s21 =	sor.u32 s26, s20  }
0x2df: {  	s21 =	sor.u32 s22, s21  }
0x2e0: {  	v0 =	vld [tilespmem:s21+$0x0]  }
0x2e1: {  	s23 =	simm.s32 $0x80;
	s22 =	simm.s32 $0x10  }
.LBB2_91:
0x2e2: {  	s24 =	sand.u32 $0x1C00, s23;
	p0 =	sne.s32 s22, $0x3F0  }
0x2e3: {  	s25 =	smov.u32 s22;
	s22 =	sadd.s32 $0x10, s22;
	s26 =	sor.u32 $0x8000, s21  }
.Ltmp44:
0x2e4: {  	s25 =	sand.u32 $0x70, s25;
	s24 =	sor.u32 s24, s20;
	(pc) =	sbr.rel @p0 .LBB2_91-.Ltmp44, $3  }
0x2e5: {  	s21 =	sor.u32 s25, s24;
	[tilespmem:s26+$0x0] =	vst.add.f32.msk $0xffff, v0  }
0x2e6: {  	v0 =	vld [tilespmem:s21+$0x0];
	_ =	sdelay $0x1  }
0x2e7: {  	s23 =	sadd.s32 $0x80, s23  }
0x2e8: {  	s19 =	sadd.s32 $0x1, s19  }
0x2e9: {  	p0 =	sne.s32 s19, $0x20  }
.Ltmp45:
0x2ea: {  	_ = 	snop;
	(pc) =	sbr.rel @p0 .LBB2_90-.Ltmp45, $3  }
0x2eb: {  	_ =	sdelay $0x1  }
0x2ec: {  	s20 =	sor.u32 $0x8000, s21  }
0x2ed: {  	[tilespmem:s20+$0x0] =	vst.add.f32.msk $0xffff, v0  }
0x2ee: {  	s19 =	sld [smem:$0x7F8];
	_ =	sdelay $0x1  }
0x2ef: {  	s18 =	simm.s32 $0x0  }
0x2f0: {  	[hbm4b:s19+s18] =	stream.linear.scatter [tilespmem:s16], [sflag:$0x1], $0x8000, $0x38;
	[tilespmem:$0x10000] =	vst v63  }
0x2f1: {  	_ =	swait.ge [sflag:s15], $0x8000  }
0x2f2: {  	s26 =	sld [smem:$0x7F9]  }
0x2f3: {  	[sflag:s15] =	ssyncset.done $0x0  }
0x2f4: {  	[sflag:s15] =	ssyncadd.s32 $0xFFFF8000  }
0x2f5: {  	[tilespmem:s16], [sflag:$0x1] =	stream.linear.gather [hbm4b:s26+s18], $0x8000, $0x38;
	[tilespmem:$0x10000] =	vst v63  }
0x2f6: {  	_ =	swait.ge [sflag:s15], $0x8000  }
0x2f7: {  	[sflag:s15] =	ssyncset.done $0x0  }
0x2f8: {  	s19 =	simm.s32 $0x0;
	[sflag:s15] =	ssyncadd.s32 $0xFFFF8000  }
.LBB2_94:
0x2f9: {  	s20 =	sshll.u32 s19, $0xA;
	s21 =	sshll.u32 s19, $0x7  }
0x2fa: {  	s20 =	sand.u32 $0x6000, s20;
	s21 =	sand.u32 $0x380, s21  }
0x2fb: {  	s26 =	sand.u32 $0x1C00, s18;
	s20 =	sor.u32 s20, s21  }
0x2fc: {  	s22 =	sand.u32 $0x70, s18;
	s21 =	sor.u32 s26, s20  }
0x2fd: {  	s21 =	sor.u32 s22, s21  }
0x2fe: {  	v0 =	vld [tilespmem:s21+$0x0]  }
0x2ff: {  	s23 =	simm.s32 $0x80;
	s22 =	simm.s32 $0x10  }
.LBB2_95:
0x300: {  	s24 =	sand.u32 $0x1C00, s23;
	p0 =	sne.s32 s22, $0x3F0  }
0x301: {  	s25 =	smov.u32 s22;
	s22 =	sadd.s32 $0x10, s22;
	s26 =	sor.u32 $0x8000, s21  }
.Ltmp46:
0x302: {  	s25 =	sand.u32 $0x70, s25;
	s24 =	sor.u32 s24, s20;
	(pc) =	sbr.rel @p0 .LBB2_95-.Ltmp46, $3  }
0x303: {  	s21 =	sor.u32 s25, s24;
	[tilespmem:s26+$0x0] =	vst.add.f32.msk $0xffff, v0  }
0x304: {  	v0 =	vld [tilespmem:s21+$0x0];
	_ =	sdelay $0x1  }
0x305: {  	s23 =	sadd.s32 $0x80, s23  }
0x306: {  	s19 =	sadd.s32 $0x1, s19  }
0x307: {  	p0 =	sne.s32 s19, $0x20  }
.Ltmp47:
0x308: {  	_ = 	snop;
	(pc) =	sbr.rel @p0 .LBB2_94-.Ltmp47, $3  }
0x309: {  	_ =	sdelay $0x1  }
0x30a: {  	s20 =	sor.u32 $0x8000, s21  }
0x30b: {  	[tilespmem:s20+$0x0] =	vst.add.f32.msk $0xffff, v0  }
0x30c: {  	s19 =	sld [smem:$0x7FA];
	_ =	sdelay $0x1  }
0x30d: {  	s18 =	simm.s32 $0x0  }
0x30e: {  	[hbm4b:s19+s18] =	stream.linear.scatter [tilespmem:s16], [sflag:$0x1], $0x8000, $0x38;
	[tilespmem:$0x10000] =	vst v63  }
0x30f: {  	_ =	swait.ge [sflag:s15], $0x8000  }
0x310: {  	s25 =	sld [smem:$0x7FD]  }
0x311: {  	[sflag:s15] =	ssyncset.done $0x0  }
0x312: {  	[sflag:s15] =	ssyncadd.s32 $0xFFFF8000  }
0x313: {  	[tilespmem:s18], [sflag:$0x1] =	stream.linear.gather [hbm4b:s25+s18], $0x8000, $0x38;
	[tilespmem:$0x10000] =	vst v63  }
0x314: {  	_ =	swait.ge [sflag:s15], $0x8000  }
0x315: {  	s26 =	sld [smem:$0x7FB]  }
0x316: {  	[sflag:s15] =	ssyncset.done $0x0  }
0x317: {  	[sflag:s15] =	ssyncadd.s32 $0xFFFF8000  }
0x318: {  	[tilespmem:s16], [sflag:$0x1] =	stream.linear.gather [hbm4b:s26+s18], $0x8000, $0x38;
	[tilespmem:$0x10000] =	vst v63  }
0x319: {  	_ =	swait.ge [sflag:s15], $0x8000  }
0x31a: {  	[sflag:s15] =	ssyncset.done $0x0  }
0x31b: {  	s19 =	simm.s32 $0x0;
	[sflag:s15] =	ssyncadd.s32 $0xFFFF8000  }
.LBB2_98:
0x31c: {  	s20 =	sshll.u32 s19, $0xA;
	s21 =	sshll.u32 s19, $0x7  }
0x31d: {  	s20 =	sand.u32 $0x6000, s20;
	s21 =	sand.u32 $0x380, s21  }
0x31e: {  	s26 =	sand.u32 $0x1C00, s18;
	s20 =	sor.u32 s20, s21  }
0x31f: {  	s22 =	sand.u32 $0x70, s18;
	s21 =	sor.u32 s26, s20  }
0x320: {  	s21 =	sor.u32 s22, s21  }
0x321: {  	v0 =	vld [tilespmem:s21+$0x0]  }
0x322: {  	s23 =	simm.s32 $0x80;
	s22 =	simm.s32 $0x10  }
.LBB2_99:
0x323: {  	s24 =	sand.u32 $0x1C00, s23;
	p0 =	sne.s32 s22, $0x3F0  }
0x324: {  	s25 =	smov.u32 s22;
	s22 =	sadd.s32 $0x10, s22;
	s26 =	sor.u32 $0x8000, s21  }
.Ltmp48:
0x325: {  	s25 =	sand.u32 $0x70, s25;
	s24 =	sor.u32 s24, s20;
	(pc) =	sbr.rel @p0 .LBB2_99-.Ltmp48, $3  }
0x326: {  	s21 =	sor.u32 s25, s24;
	[tilespmem:s26+$0x0] =	vst.add.f32.msk $0xffff, v0  }
0x327: {  	v0 =	vld [tilespmem:s21+$0x0];
	_ =	sdelay $0x1  }
0x328: {  	s23 =	sadd.s32 $0x80, s23  }
0x329: {  	s19 =	sadd.s32 $0x1, s19  }
0x32a: {  	p0 =	sne.s32 s19, $0x20  }
.Ltmp49:
0x32b: {  	_ = 	snop;
	(pc) =	sbr.rel @p0 .LBB2_98-.Ltmp49, $3  }
0x32c: {  	_ =	sdelay $0x1  }
0x32d: {  	s20 =	sor.u32 $0x8000, s21  }
0x32e: {  	[tilespmem:s20+$0x0] =	vst.add.f32.msk $0xffff, v0  }
0x32f: {  	s19 =	sld [smem:$0x7FC];
	_ =	sdelay $0x1  }
0x330: {  	s18 =	simm.s32 $0x0  }
0x331: {  	[hbm4b:s19+s18] =	stream.linear.scatter [tilespmem:s16], [sflag:$0x1], $0x8000, $0x38;
	[tilespmem:$0x10000] =	vst v63  }
0x332: {  	_ =	swait.ge [sflag:s15], $0x8000  }
0x333: {  	[sflag:s15] =	ssyncset.done $0x0  }
0x334: {  	[sflag:s15] =	ssyncadd.s32 $0xFFFF8000  }
0x335: {  	[tilespmem:s16], [sflag:$0x1] =	stream.linear.gather [hbm4b:s28+s18], $0x8000, $0x38;
	[tilespmem:$0x10000] =	vst v63  }
0x336: {  	_ =	swait.ge [sflag:s15], $0x8000  }
0x337: {  	[sflag:s15] =	ssyncset.done $0x0  }
0x338: {  	s19 =	simm.s32 $0x0;
	[sflag:s15] =	ssyncadd.s32 $0xFFFF8000  }
.LBB2_102:
0x339: {  	s20 =	sshll.u32 s19, $0xA;
	s21 =	sshll.u32 s19, $0x7  }
0x33a: {  	s20 =	sand.u32 $0x6000, s20;
	s21 =	sand.u32 $0x380, s21  }
0x33b: {  	s26 =	sand.u32 $0x1C00, s18;
	s20 =	sor.u32 s20, s21  }
0x33c: {  	s22 =	sand.u32 $0x70, s18;
	s21 =	sor.u32 s26, s20  }
0x33d: {  	s21 =	sor.u32 s22, s21  }
0x33e: {  	v0 =	vld [tilespmem:s21+$0x0]  }
0x33f: {  	s23 =	simm.s32 $0x80;
	s22 =	simm.s32 $0x10  }
.LBB2_103:
0x340: {  	s24 =	sand.u32 $0x1C00, s23;
	p0 =	sne.s32 s22, $0x3F0  }
0x341: {  	s25 =	smov.u32 s22;
	s22 =	sadd.s32 $0x10, s22;
	s26 =	sor.u32 $0x8000, s21  }
.Ltmp50:
0x342: {  	s25 =	sand.u32 $0x70, s25;
	s24 =	sor.u32 s24, s20;
	(pc) =	sbr.rel @p0 .LBB2_103-.Ltmp50, $3  }
0x343: {  	s21 =	sor.u32 s25, s24;
	[tilespmem:s26+$0x0] =	vst.add.f32.msk $0xffff, v0  }
0x344: {  	v0 =	vld [tilespmem:s21+$0x0];
	_ =	sdelay $0x1  }
0x345: {  	s23 =	sadd.s32 $0x80, s23  }
0x346: {  	s19 =	sadd.s32 $0x1, s19  }
0x347: {  	p0 =	sne.s32 s19, $0x20  }
.Ltmp51:
0x348: {  	_ = 	snop;
	(pc) =	sbr.rel @p0 .LBB2_102-.Ltmp51, $3  }
0x349: {  	_ =	sdelay $0x1  }
0x34a: {  	s20 =	sor.u32 $0x8000, s21  }
0x34b: {  	[tilespmem:s20+$0x0] =	vst.add.f32.msk $0xffff, v0  }
0x34c: {  	s18 =	simm.s32 $0x0  }
0x34d: {  	[hbm4b:s29+s18] =	stream.linear.scatter [tilespmem:s16], [sflag:$0x1], $0x8000, $0x38;
	[tilespmem:$0x10000] =	vst v63  }
0x34e: {  	_ =	swait.ge [sflag:s15], $0x8000  }
0x34f: {  	[sflag:s15] =	ssyncset.done $0x0  }
0x350: {  	[sflag:s15] =	ssyncadd.s32 $0xFFFF8000  }
0x351: {  	[tilespmem:s16], [sflag:$0x1] =	stream.linear.gather [hbm4b:s30+s18], $0x8000, $0x38;
	[tilespmem:$0x10000] =	vst v63  }
0x352: {  	_ =	swait.ge [sflag:s15], $0x8000  }
0x353: {  	[sflag:s15] =	ssyncset.done $0x0  }
0x354: {  	s19 =	simm.s32 $0x0;
	[sflag:s15] =	ssyncadd.s32 $0xFFFF8000  }
.LBB2_106:
0x355: {  	s20 =	sshll.u32 s19, $0xA;
	s21 =	sshll.u32 s19, $0x7  }
0x356: {  	s20 =	sand.u32 $0x6000, s20;
	s21 =	sand.u32 $0x380, s21  }
0x357: {  	s26 =	sand.u32 $0x1C00, s18;
	s20 =	sor.u32 s20, s21  }
0x358: {  	s22 =	sand.u32 $0x70, s18;
	s21 =	sor.u32 s26, s20  }
0x359: {  	s21 =	sor.u32 s22, s21  }
0x35a: {  	v0 =	vld [tilespmem:s21+$0x0]  }
0x35b: {  	s23 =	simm.s32 $0x80;
	s22 =	simm.s32 $0x10  }
.LBB2_107:
0x35c: {  	s24 =	sand.u32 $0x1C00, s23;
	p0 =	sne.s32 s22, $0x3F0  }
0x35d: {  	s25 =	smov.u32 s22;
	s22 =	sadd.s32 $0x10, s22;
	s26 =	sor.u32 $0x8000, s21  }
.Ltmp52:
0x35e: {  	s25 =	sand.u32 $0x70, s25;
	s24 =	sor.u32 s24, s20;
	(pc) =	sbr.rel @p0 .LBB2_107-.Ltmp52, $3  }
0x35f: {  	s21 =	sor.u32 s25, s24;
	[tilespmem:s26+$0x0] =	vst.add.f32.msk $0xffff, v0  }
0x360: {  	v0 =	vld [tilespmem:s21+$0x0];
	_ =	sdelay $0x1  }
0x361: {  	s23 =	sadd.s32 $0x80, s23  }
0x362: {  	s19 =	sadd.s32 $0x1, s19  }
0x363: {  	p0 =	sne.s32 s19, $0x20  }
.Ltmp53:
0x364: {  	_ = 	snop;
	(pc) =	sbr.rel @p0 .LBB2_106-.Ltmp53, $3  }
0x365: {  	_ =	sdelay $0x1  }
0x366: {  	s20 =	sor.u32 $0x8000, s21  }
0x367: {  	[tilespmem:s20+$0x0] =	vst.add.f32.msk $0xffff, v0  }
0x368: {  	s18 =	simm.s32 $0x0  }
0x369: {  	[hbm4b:s31+s18] =	stream.linear.scatter [tilespmem:s16], [sflag:$0x1], $0x8000, $0x38;
	[tilespmem:$0x10000] =	vst v63  }
0x36a: {  	_ =	swait.ge [sflag:s15], $0x8000  }
0x36b: {  	[sflag:s15] =	ssyncset.done $0x0  }
0x36c: {  	[sflag:s15] =	ssyncadd.s32 $0xFFFF8000  }
0x36d: {  	[tilespmem:s16], [sflag:$0x1] =	stream.linear.gather [hbm4b:s0+s18], $0x8000, $0x38;
	[tilespmem:$0x10000] =	vst v63  }
0x36e: {  	_ =	swait.ge [sflag:s15], $0x8000  }
0x36f: {  	[sflag:s15] =	ssyncset.done $0x0  }
0x370: {  	s19 =	simm.s32 $0x0;
	[sflag:s15] =	ssyncadd.s32 $0xFFFF8000  }
.LBB2_110:
0x371: {  	s20 =	sshll.u32 s19, $0xA;
	s21 =	sshll.u32 s19, $0x7  }
0x372: {  	s20 =	sand.u32 $0x6000, s20;
	s21 =	sand.u32 $0x380, s21  }
0x373: {  	s26 =	sand.u32 $0x1C00, s18;
	s20 =	sor.u32 s20, s21  }
0x374: {  	s22 =	sand.u32 $0x70, s18;
	s21 =	sor.u32 s26, s20  }
0x375: {  	s21 =	sor.u32 s22, s21  }
0x376: {  	v0 =	vld [tilespmem:s21+$0x0]  }
0x377: {  	s23 =	simm.s32 $0x80;
	s22 =	simm.s32 $0x10  }
.LBB2_111:
0x378: {  	s24 =	sand.u32 $0x1C00, s23;
	p0 =	sne.s32 s22, $0x3F0  }
0x379: {  	s25 =	smov.u32 s22;
	s22 =	sadd.s32 $0x10, s22;
	s26 =	sor.u32 $0x8000, s21  }
.Ltmp54:
0x37a: {  	s25 =	sand.u32 $0x70, s25;
	s24 =	sor.u32 s24, s20;
	(pc) =	sbr.rel @p0 .LBB2_111-.Ltmp54, $3  }
0x37b: {  	s21 =	sor.u32 s25, s24;
	[tilespmem:s26+$0x0] =	vst.add.f32.msk $0xffff, v0  }
0x37c: {  	v0 =	vld [tilespmem:s21+$0x0];
	_ =	sdelay $0x1  }
0x37d: {  	s23 =	sadd.s32 $0x80, s23  }
0x37e: {  	s19 =	sadd.s32 $0x1, s19  }
0x37f: {  	p0 =	sne.s32 s19, $0x20  }
.Ltmp55:
0x380: {  	_ = 	snop;
	(pc) =	sbr.rel @p0 .LBB2_110-.Ltmp55, $3  }
0x381: {  	_ =	sdelay $0x1  }
0x382: {  	s20 =	sor.u32 $0x8000, s21  }
0x383: {  	[tilespmem:s20+$0x0] =	vst.add.f32.msk $0xffff, v0  }
0x384: {  	s18 =	simm.s32 $0x0  }
0x385: {  	[hbm4b:s2+s18] =	stream.linear.scatter [tilespmem:s16], [sflag:$0x1], $0x8000, $0x38;
	[tilespmem:$0x10000] =	vst v63  }
0x386: {  	_ =	swait.ge [sflag:s15], $0x8000  }
0x387: {  	[sflag:s15] =	ssyncset.done $0x0  }
0x388: {  	[sflag:s15] =	ssyncadd.s32 $0xFFFF8000  }
0x389: {  	[tilespmem:s18], [sflag:$0x1] =	stream.linear.gather [hbm4b:s3+s18], $0x8000, $0x38;
	[tilespmem:$0x10000] =	vst v63  }
0x38a: {  	_ =	swait.ge [sflag:s15], $0x8000  }
0x38b: {  	[sflag:s15] =	ssyncset.done $0x0  }
0x38c: {  	[sflag:s15] =	ssyncadd.s32 $0xFFFF8000  }
0x38d: {  	[tilespmem:s16], [sflag:$0x1] =	stream.linear.gather [hbm4b:s4+s18], $0x8000, $0x38;
	[tilespmem:$0x10000] =	vst v63  }
0x38e: {  	_ =	swait.ge [sflag:s15], $0x8000  }
0x38f: {  	[sflag:s15] =	ssyncset.done $0x0  }
0x390: {  	s19 =	simm.s32 $0x0;
	[sflag:s15] =	ssyncadd.s32 $0xFFFF8000  }
.LBB2_114:
0x391: {  	s20 =	sshll.u32 s19, $0xA;
	s21 =	sshll.u32 s19, $0x7  }
0x392: {  	s20 =	sand.u32 $0x6000, s20;
	s21 =	sand.u32 $0x380, s21  }
0x393: {  	s26 =	sand.u32 $0x1C00, s18;
	s20 =	sor.u32 s20, s21  }
0x394: {  	s22 =	sand.u32 $0x70, s18;
	s21 =	sor.u32 s26, s20  }
0x395: {  	s21 =	sor.u32 s22, s21  }
0x396: {  	v0 =	vld [tilespmem:s21+$0x0]  }
0x397: {  	s23 =	simm.s32 $0x80;
	s22 =	simm.s32 $0x10  }
.LBB2_115:
0x398: {  	s24 =	sand.u32 $0x1C00, s23;
	p0 =	sne.s32 s22, $0x3F0  }
0x399: {  	s25 =	smov.u32 s22;
	s22 =	sadd.s32 $0x10, s22;
	s26 =	sor.u32 $0x8000, s21  }
.Ltmp56:
0x39a: {  	s25 =	sand.u32 $0x70, s25;
	s24 =	sor.u32 s24, s20;
	(pc) =	sbr.rel @p0 .LBB2_115-.Ltmp56, $3  }
0x39b: {  	s21 =	sor.u32 s25, s24;
	[tilespmem:s26+$0x0] =	vst.add.f32.msk $0xffff, v0  }
0x39c: {  	v0 =	vld [tilespmem:s21+$0x0];
	_ =	sdelay $0x1  }
0x39d: {  	s23 =	sadd.s32 $0x80, s23  }
0x39e: {  	s19 =	sadd.s32 $0x1, s19  }
0x39f: {  	p0 =	sne.s32 s19, $0x20  }
.Ltmp57:
0x3a0: {  	_ = 	snop;
	(pc) =	sbr.rel @p0 .LBB2_114-.Ltmp57, $3  }
0x3a1: {  	_ =	sdelay $0x1  }
0x3a2: {  	s20 =	sor.u32 $0x8000, s21  }
0x3a3: {  	[tilespmem:s20+$0x0] =	vst.add.f32.msk $0xffff, v0  }
0x3a4: {  	s18 =	simm.s32 $0x0  }
0x3a5: {  	[hbm4b:s5+s18] =	stream.linear.scatter [tilespmem:s16], [sflag:$0x1], $0x8000, $0x38;
	[tilespmem:$0x10000] =	vst v63  }
0x3a6: {  	_ =	swait.ge [sflag:s15], $0x8000  }
0x3a7: {  	[sflag:s15] =	ssyncset.done $0x0  }
0x3a8: {  	[sflag:s15] =	ssyncadd.s32 $0xFFFF8000  }
0x3a9: {  	[tilespmem:s16], [sflag:$0x1] =	stream.linear.gather [hbm4b:s6+s18], $0x8000, $0x38;
	[tilespmem:$0x10000] =	vst v63  }
0x3aa: {  	_ =	swait.ge [sflag:s15], $0x8000  }
0x3ab: {  	[sflag:s15] =	ssyncset.done $0x0  }
0x3ac: {  	s19 =	simm.s32 $0x0;
	[sflag:s15] =	ssyncadd.s32 $0xFFFF8000  }
.LBB2_118:
0x3ad: {  	s20 =	sshll.u32 s19, $0xA;
	s21 =	sshll.u32 s19, $0x7  }
0x3ae: {  	s20 =	sand.u32 $0x6000, s20;
	s21 =	sand.u32 $0x380, s21  }
0x3af: {  	s26 =	sand.u32 $0x1C00, s18;
	s20 =	sor.u32 s20, s21  }
0x3b0: {  	s22 =	sand.u32 $0x70, s18;
	s21 =	sor.u32 s26, s20  }
0x3b1: {  	s21 =	sor.u32 s22, s21  }
0x3b2: {  	v0 =	vld [tilespmem:s21+$0x0]  }
0x3b3: {  	s23 =	simm.s32 $0x80;
	s22 =	simm.s32 $0x10  }
.LBB2_119:
0x3b4: {  	s24 =	sand.u32 $0x1C00, s23;
	p0 =	sne.s32 s22, $0x3F0  }
0x3b5: {  	s25 =	smov.u32 s22;
	s22 =	sadd.s32 $0x10, s22;
	s26 =	sor.u32 $0x8000, s21  }
.Ltmp58:
0x3b6: {  	s25 =	sand.u32 $0x70, s25;
	s24 =	sor.u32 s24, s20;
	(pc) =	sbr.rel @p0 .LBB2_119-.Ltmp58, $3  }
0x3b7: {  	s21 =	sor.u32 s25, s24;
	[tilespmem:s26+$0x0] =	vst.add.f32.msk $0xffff, v0  }
0x3b8: {  	v0 =	vld [tilespmem:s21+$0x0];
	_ =	sdelay $0x1  }
0x3b9: {  	s23 =	sadd.s32 $0x80, s23  }
0x3ba: {  	s19 =	sadd.s32 $0x1, s19  }
0x3bb: {  	p0 =	sne.s32 s19, $0x20  }
.Ltmp59:
0x3bc: {  	_ = 	snop;
	(pc) =	sbr.rel @p0 .LBB2_118-.Ltmp59, $3  }
0x3bd: {  	_ =	sdelay $0x1  }
0x3be: {  	s20 =	sor.u32 $0x8000, s21  }
0x3bf: {  	[tilespmem:s20+$0x0] =	vst.add.f32.msk $0xffff, v0  }
0x3c0: {  	s18 =	simm.s32 $0x0  }
0x3c1: {  	[hbm4b:s7+s18] =	stream.linear.scatter [tilespmem:s16], [sflag:$0x1], $0x8000, $0x38;
	[tilespmem:$0x10000] =	vst v63  }
0x3c2: {  	_ =	swait.ge [sflag:s15], $0x8000  }
0x3c3: {  	[sflag:s15] =	ssyncset.done $0x0  }
0x3c4: {  	[sflag:s15] =	ssyncadd.s32 $0xFFFF8000  }
0x3c5: {  	[tilespmem:s16], [sflag:$0x1] =	stream.linear.gather [hbm4b:s10+s18], $0x8000, $0x38;
	[tilespmem:$0x10000] =	vst v63  }
0x3c6: {  	_ =	swait.ge [sflag:s15], $0x8000  }
0x3c7: {  	[sflag:s15] =	ssyncset.done $0x0  }
0x3c8: {  	s19 =	simm.s32 $0x0;
	[sflag:s15] =	ssyncadd.s32 $0xFFFF8000  }
.LBB2_122:
0x3c9: {  	s20 =	sshll.u32 s19, $0xA;
	s21 =	sshll.u32 s19, $0x7  }
0x3ca: {  	s20 =	sand.u32 $0x6000, s20;
	s21 =	sand.u32 $0x380, s21  }
0x3cb: {  	s26 =	sand.u32 $0x1C00, s18;
	s20 =	sor.u32 s20, s21  }
0x3cc: {  	s22 =	sand.u32 $0x70, s18;
	s21 =	sor.u32 s26, s20  }
0x3cd: {  	s21 =	sor.u32 s22, s21  }
0x3ce: {  	v0 =	vld [tilespmem:s21+$0x0]  }
0x3cf: {  	s23 =	simm.s32 $0x80;
	s22 =	simm.s32 $0x10  }
.LBB2_123:
0x3d0: {  	s24 =	sand.u32 $0x1C00, s23;
	p0 =	sne.s32 s22, $0x3F0  }
0x3d1: {  	s25 =	smov.u32 s22;
	s22 =	sadd.s32 $0x10, s22;
	s26 =	sor.u32 $0x8000, s21  }
.Ltmp60:
0x3d2: {  	s25 =	sand.u32 $0x70, s25;
	s24 =	sor.u32 s24, s20;
	(pc) =	sbr.rel @p0 .LBB2_123-.Ltmp60, $3  }
0x3d3: {  	s21 =	sor.u32 s25, s24;
	[tilespmem:s26+$0x0] =	vst.add.f32.msk $0xffff, v0  }
0x3d4: {  	v0 =	vld [tilespmem:s21+$0x0];
	_ =	sdelay $0x1  }
0x3d5: {  	s23 =	sadd.s32 $0x80, s23  }
0x3d6: {  	s19 =	sadd.s32 $0x1, s19  }
0x3d7: {  	p0 =	sne.s32 s19, $0x20  }
.Ltmp61:
0x3d8: {  	_ = 	snop;
	(pc) =	sbr.rel @p0 .LBB2_122-.Ltmp61, $3  }
0x3d9: {  	_ =	sdelay $0x1  }
0x3da: {  	s20 =	sor.u32 $0x8000, s21  }
0x3db: {  	[tilespmem:s20+$0x0] =	vst.add.f32.msk $0xffff, v0  }
0x3dc: {  	s18 =	simm.s32 $0x0  }
0x3dd: {  	[hbm4b:s11+s18] =	stream.linear.scatter [tilespmem:s16], [sflag:$0x1], $0x8000, $0x38;
	[tilespmem:$0x10000] =	vst v63  }
0x3de: {  	_ =	swait.ge [sflag:s15], $0x8000  }
0x3df: {  	[sflag:s15] =	ssyncset.done $0x0  }
0x3e0: {  	[sflag:s15] =	ssyncadd.s32 $0xFFFF8000  }
0x3e1: {  	[tilespmem:s16], [sflag:$0x1] =	stream.linear.gather [hbm4b:s12+s18], $0x8000, $0x38;
	[tilespmem:$0x10000] =	vst v63  }
0x3e2: {  	_ =	swait.ge [sflag:s15], $0x8000  }
0x3e3: {  	[sflag:s15] =	ssyncset.done $0x0  }
0x3e4: {  	s19 =	simm.s32 $0x0;
	[sflag:s15] =	ssyncadd.s32 $0xFFFF8000  }
.LBB2_126:
0x3e5: {  	s20 =	sshll.u32 s19, $0xA;
	s21 =	sshll.u32 s19, $0x7  }
0x3e6: {  	s20 =	sand.u32 $0x6000, s20;
	s21 =	sand.u32 $0x380, s21  }
0x3e7: {  	s26 =	sand.u32 $0x1C00, s18;
	s20 =	sor.u32 s20, s21  }
0x3e8: {  	s22 =	sand.u32 $0x70, s18;
	s21 =	sor.u32 s26, s20  }
0x3e9: {  	s21 =	sor.u32 s22, s21  }
0x3ea: {  	v0 =	vld [tilespmem:s21+$0x0]  }
0x3eb: {  	s23 =	simm.s32 $0x80;
	s22 =	simm.s32 $0x10  }
.LBB2_127:
0x3ec: {  	s24 =	sand.u32 $0x1C00, s23;
	p0 =	sne.s32 s22, $0x3F0  }
0x3ed: {  	s25 =	smov.u32 s22;
	s22 =	sadd.s32 $0x10, s22;
	s26 =	sor.u32 $0x8000, s21  }
.Ltmp62:
0x3ee: {  	s25 =	sand.u32 $0x70, s25;
	s24 =	sor.u32 s24, s20;
	(pc) =	sbr.rel @p0 .LBB2_127-.Ltmp62, $3  }
0x3ef: {  	s21 =	sor.u32 s25, s24;
	[tilespmem:s26+$0x0] =	vst.add.f32.msk $0xffff, v0  }
0x3f0: {  	v0 =	vld [tilespmem:s21+$0x0];
	_ =	sdelay $0x1  }
0x3f1: {  	s23 =	sadd.s32 $0x80, s23  }
0x3f2: {  	s19 =	sadd.s32 $0x1, s19  }
0x3f3: {  	p0 =	sne.s32 s19, $0x20  }
.Ltmp63:
0x3f4: {  	_ = 	snop;
	(pc) =	sbr.rel @p0 .LBB2_126-.Ltmp63, $3  }
0x3f5: {  	_ =	sdelay $0x1  }
0x3f6: {  	s20 =	sor.u32 $0x8000, s21  }
0x3f7: {  	[tilespmem:s20+$0x0] =	vst.add.f32.msk $0xffff, v0  }
0x3f8: {  	s17 =	sadd.s32 $0x1, s17  }
0x3f9: {  	p0 =	sne.s32 s17, s14  }
.Ltmp64:
0x3fa: {  	_ = 	snop;
	(pc) =	sbr.rel @p0 .LBB2_1-.Ltmp64, $4  }
0x3fb: {  	[hbm4b:s13+s1] =	stream.linear.scatter [tilespmem:s16], [sflag:$0x1], $0x8000, $0x38;
	[tilespmem:$0x10000] =	vst v63  }
0x3fc: {  	_ =	swait.ge [sflag:s15], $0x8000  }
0x3fd: {  	[sflag:s15] =	ssyncset.done $0x0  }
0x3fe: {  	[sflag:s15] =	ssyncadd.s32 $0xFFFF8000  }
0x3ff: {  	_ =	sfence.sel $0x180000  }
0x400: {  	[bflag:$0x0] =	sbarrier.arrive $0xFFFF  }
0x401: {  	_ =	strace $0x90000047  }
0x402: {  	s0 =	stileid.u32;
	[bflag:$0x2] =	sbarrier.arrive $0xFFFF  }
0x403: {  	p0 =	sne.s32 s0, $0x0;
	s0 =	rddreg [dreg:$0x3]  }
0x404: {  	s0 =	sadd.s32 @!p0 $0x100000, s0  }
0x405: {  	[sflag:s0] =	ssyncadd.tile.s32 @!p0 $0x1;
	_ =	shalt  }
.Lfunc_end2:
_tile_overlayer_lowered:
.L_overlay_start_2:
0x406: {  	(tag) =	ssettag $0x2  }
0x407: {  	s0 =	rddreg [dreg:$0x0];
	s2 =	stileid.u32  }
0x408: {  	s1 =	rddreg [dreg:$0x1];
	p0 =	sne.s32 s2, $0x0  }
0x409: {  	s3 =	rddreg [dreg:$0x2];
	[bflag:$0x3] =	sbarrier.arrive $0xFFFF;
	s2 =	simm.s32 @!p0 $0x1C01  }
0x40a: {  	[timem:s3], [sflag:s2] =	dma.local @!p0 [hbm:s0], s1  }
0x40b: {  	s0 =	simm.s32 @!p0 $0x1  }
0x40c: {  	_ =	swait.ge @!p0 [sflag:s0], s1  }
0x40d: {  	s1 =	ssub.s32 @!p0 $0x0, s1;
	[sflag:s0] =	ssyncset.done @!p0 $0x0  }
0x40e: {  	[sflag:s0] =	ssyncadd.s32 @!p0 s1  }
0x40f: {  	[bflag:$0x3] =	sbarrier.arrive $0xFFFF  }
0x410: {  	_ =	shalt  }

</sc_bundles>
